<compile_context>
chip_gen: v7x
topology: tpu7x:2x2x1
jax: 0.10.2.dev20260603
libtpu: 0.0.44.dev20260713+nightly
codegen_flags: <defaults>
</compile_context>

<pallas_src>
import functools

import jax
import jax.numpy as jnp
from jax import lax
from jax.experimental import pallas as pl
from jax.experimental.pallas import tpu as pltpu
from jax.experimental.pallas import tpu_sc as plsc

B = 2
SH, SW = 4, 8
OH, OW = 16, 224
N = OH * OW
K = 32
D1 = 128
D2 = 64
TQ = 128
TQT = 128

NCHUNK = 4
QC = B * N // NCHUNK

IDX_BITS = 12
IDX_MASK = (1 << IDX_BITS) - 1

SC_CORES = 2
SC_SUBCORES = 16
NW = SC_CORES * SC_SUBCORES
ROWS_PER_W = QC * K // NW
CH = 128
NCH = ROWS_PER_W // CH


def _sample(x):
    return x[:, ::SH, ::SW, :][:, :OH, :OW, :].reshape(x.shape[0], N, 3)


def _prep_body(p1_ref, p2_ref, We1_ref, be1_ref, We2_ref, be2_ref,
               Wcv1_ref, bcv1_ref, A_ref, C_ref):
    p1 = p1_ref[0]
    p2 = p2_ref[0]
    We1 = We1_ref[...]
    be1 = be1_ref[...]
    We2 = We2_ref[...]
    be2 = be2_ref[...]
    W1 = Wcv1_ref[...]
    b1 = bcv1_ref[...]

    def enc(p):
        h = jnp.maximum(jnp.dot(p, We1, preferred_element_type=jnp.float32) + be1, 0.0)
        return jnp.maximum(jnp.dot(h, We2, preferred_element_type=jnp.float32) + be2, 0.0)

    f1 = enc(p1)
    f2 = enc(p2)
    Wq = W1[0:64]
    Wk = W1[64:128]
    Wx = W1[128:131]
    A_ref[0] = (jnp.dot(f1, Wq, preferred_element_type=jnp.float32)
                - jnp.dot(p1, Wx, preferred_element_type=jnp.float32))
    C_ref[0] = (jnp.dot(f2, Wk, preferred_element_type=jnp.float32)
                + jnp.dot(p2, Wx, preferred_element_type=jnp.float32) + b1)


def _prep(p1, p2, We1, be1, We2, be2, Wcv1, bcv1):
    return pl.pallas_call(
        _prep_body,
        grid=(B,),
        in_specs=[
            pl.BlockSpec((1, N, 3), lambda b: (b, 0, 0)),
            pl.BlockSpec((1, N, 3), lambda b: (b, 0, 0)),
            pl.BlockSpec((3, 16), lambda b: (0, 0)),
            pl.BlockSpec((16,), lambda b: (0,)),
            pl.BlockSpec((16, 64), lambda b: (0, 0)),
            pl.BlockSpec((64,), lambda b: (0,)),
            pl.BlockSpec((131, 128), lambda b: (0, 0)),
            pl.BlockSpec((128,), lambda b: (0,)),
        ],
        out_specs=[
            pl.BlockSpec((1, N, D1), lambda b: (b, 0, 0)),
            pl.BlockSpec((1, N, D1), lambda b: (b, 0, 0)),
        ],
        out_shape=[
            jax.ShapeDtypeStruct((B, N, D1), jnp.float32),
            jax.ShapeDtypeStruct((B, N, D1), jnp.float32),
        ],
    )(p1, p2, We1, be1, We2, be2, Wcv1, bcv1)


def _topk_body(base, p1_ref, p2_ref, idx_ref, negd_ref):
    q = p1_ref[...]
    kp = p2_ref[...]
    qn = jnp.sum(q * q, axis=1, keepdims=True)
    kn = jnp.sum(kp * kp, axis=1)[None, :]
    qk = lax.dot_general(q, kp, (((1,), (1,)), ((), ())),
                         preferred_element_type=jnp.float32)
    d = qn - 2.0 * qk + kn
    bits = lax.bitcast_convert_type(jnp.maximum(d, 0.0), jnp.int32)
    iota = lax.broadcasted_iota(jnp.int32, (TQT, N), 1)
    key = (bits & ~IDX_MASK) | iota
    half = N // 2
    ka = key[:, :half]
    kb = key[:, half:]
    da = d[:, :half]
    db = d[:, half:]
    swap = kb < ka
    klo = jnp.where(swap, kb, ka)
    khi = jnp.where(swap, ka, kb)
    dlo = jnp.where(swap, db, da)
    dhi = jnp.where(swap, da, db)
    maxi = jnp.int32(0x7FFFFFFF)
    ones = jnp.ones((half, 1), jnp.float32)
    for k in range(K):
        mk = jnp.min(klo, axis=1, keepdims=True)
        idx_ref[:, k:k + 1] = (mk & IDX_MASK) + base
        eqm = klo == mk
        sel = jnp.where(eqm, dlo, 0.0)
        m = lax.dot_general(sel, ones, (((1,), (0,)), ((), ())),
                            preferred_element_type=jnp.float32)
        negd_ref[:, k:k + 1] = -m
        klo = jnp.where(eqm, khi, klo)
        dlo = jnp.where(eqm, dhi, dlo)
        khi = jnp.where(eqm, maxi, khi)


def _topk_part(p1c, p2b, base):
    return pl.pallas_call(
        functools.partial(_topk_body, base),
        grid=(QC // TQT,),
        in_specs=[
            pl.BlockSpec((TQT, 3), lambda t: (t, 0)),
            pl.BlockSpec((N, 3), lambda t: (0, 0)),
        ],
        out_specs=[pl.BlockSpec((TQT, K), lambda t: (t, 0)),
                   pl.BlockSpec((TQT, K), lambda t: (t, 0))],
        out_shape=[jax.ShapeDtypeStruct((QC, K), jnp.int32),
                   jax.ShapeDtypeStruct((QC, K), jnp.float32)],
    )(p1c, p2b)


def _sc_gather_part(C2, idxf):
    mesh = plsc.VectorSubcoreMesh(core_axis_name="c", subcore_axis_name="s",
                                  num_cores=SC_CORES, num_subcores=SC_SUBCORES)

    @functools.partial(
        pl.kernel,
        out_type=jax.ShapeDtypeStruct((QC * K, D1), jnp.float32),
        mesh=mesh,
        scratch_types=[
            pltpu.VMEM((CH,), jnp.int32),
            pltpu.VMEM((CH, D1), jnp.float32),
            pltpu.SemaphoreType.DMA,
        ],
    )
    def gather_kernel(C_hbm, idx_hbm, out_hbm, idx_v, rows_v, sem):
        wid = lax.axis_index("s") * SC_CORES + lax.axis_index("c")

        def body(i, carry):
            basei = wid * ROWS_PER_W + i * CH
            pltpu.sync_copy(idx_hbm.at[pl.ds(basei, CH)], idx_v)
            pltpu.async_copy(C_hbm.at[idx_v], rows_v, sem).wait()
            pltpu.sync_copy(rows_v, out_hbm.at[pl.ds(basei, CH)])
            return carry

        lax.fori_loop(0, NCH, body, 0)

    return gather_kernel(C2, idxf)


def _cv_body(A_ref, G_ref, negd_ref, W2_ref, b2_ref, W3_ref, b3_ref, out_ref):
    a = A_ref[...]
    g = G_ref[...]
    h1 = jnp.maximum(g.reshape(TQ, K, D1) + a[:, None, :], 0.0).reshape(TQ * K, D1)
    h2 = jnp.maximum(jnp.dot(h1, W2_ref[...], preferred_element_type=jnp.float32)
                     + b2_ref[...], 0.0)
    h3 = jnp.maximum(jnp.dot(h2, W3_ref[...], preferred_element_type=jnp.float32)
                     + b3_ref[...], 0.0)
    nd = negd_ref[...]
    mx = jnp.max(nd, axis=1, keepdims=True)
    e = jnp.exp(nd - mx)
    w = e / jnp.sum(e, axis=1, keepdims=True)
    out_ref[...] = jnp.sum(h3.reshape(TQ, K, D2) * w[:, :, None], axis=1)


def _cv_part(Ac, G, negdc, W2, b2, W3, b3):
    return pl.pallas_call(
        _cv_body,
        grid=(QC // TQ,),
        in_specs=[
            pl.BlockSpec((TQ, D1), lambda t: (t, 0)),
            pl.BlockSpec((TQ * K, D1), lambda t: (t, 0)),
            pl.BlockSpec((TQ, K), lambda t: (t, 0)),
            pl.BlockSpec((D1, D2), lambda t: (0, 0)),
            pl.BlockSpec((D2,), lambda t: (0,)),
            pl.BlockSpec((D2, D2), lambda t: (0, 0)),
            pl.BlockSpec((D2,), lambda t: (0,)),
        ],
        out_specs=pl.BlockSpec((TQ, D2), lambda t: (t, 0)),
        out_shape=jax.ShapeDtypeStruct((QC, D2), jnp.float32),
    )(Ac, G, negdc, W2, b2, W3, b3)


def kernel(xyz_f1, xyz_f2, W_enc1, b_enc1, W_enc2, b_enc2,
           W_cv1, b_cv1, W_cv2, b_cv2, W_cv3, b_cv3):
    p1 = _sample(xyz_f1)
    p2 = _sample(xyz_f2)
    A, C = _prep(p1, p2, W_enc1, b_enc1, W_enc2, b_enc2, W_cv1, b_cv1)
    C2 = C.reshape(B * N, D1)
    A2 = A.reshape(B * N, D1)
    p1f = p1.reshape(B * N, 3)
    outs = []
    for c in range(NCHUNK):
        b, qs = divmod(c * QC, N)
        idxc, negdc = _topk_part(p1f[c * QC:(c + 1) * QC], p2[b], b * N)
        Gc = _sc_gather_part(C2, idxc.reshape(QC * K))
        outs.append(_cv_part(A2[c * QC:(c + 1) * QC], Gc, negdc,
                             W_cv2, b_cv2, W_cv3, b_cv3))
    return jnp.concatenate(outs, axis=0).reshape(B, N, D2)

# --- scband reference (transcript-rebuilt; emitter-appended) ---
"""Pipeline reference for scband-pwc-model-10170482557543 (READ-ONLY COPY).

The authoritative reference and input builder live on the scoring server;
editing this copy changes nothing except your own understanding.
"""

import jax, jax.numpy as jnp
import numpy as np

B = 2
H_IN, W_IN = 64, 1792
SH, SW = 4, 8
OH, OW = 16, 224
N = OH * OW
K_NN = 32


def setup_inputs(seed: int = 0) -> dict:
    key = jax.random.key(seed)
    ks = jax.random.split(key, 12)
    inp = {}
    inp["xyz_f1"] = jax.random.normal(ks[0], (B, H_IN, W_IN, 3), dtype=jnp.float32) * 10.0
    inp["xyz_f2"] = jax.random.normal(ks[1], (B, H_IN, W_IN, 3), dtype=jnp.float32) * 10.0
    # point feature encoder (stand-in for PointNetSaModule pointwise MLP): 3 -> 16 -> 64
    inp["W_enc1"] = jax.random.normal(ks[2], (3, 16), dtype=jnp.float32) * 0.2
    inp["b_enc1"] = jnp.zeros((16,), dtype=jnp.float32)
    inp["W_enc2"] = jax.random.normal(ks[3], (16, 64), dtype=jnp.float32) * 0.1
    inp["b_enc2"] = jnp.zeros((64,), dtype=jnp.float32)
    # cost-volume MLP over concat(q_feat 64, k_feat 64, xyz_diff 3) = 131 -> 128 -> 64 -> 64
    inp["W_cv1"] = jax.random.normal(ks[4], (131, 128), dtype=jnp.float32) * 0.05
    inp["b_cv1"] = jnp.zeros((128,), dtype=jnp.float32)
    inp["W_cv2"] = jax.random.normal(ks[5], (128, 64), dtype=jnp.float32) * 0.05
    inp["b_cv2"] = jnp.zeros((64,), dtype=jnp.float32)
    inp["W_cv3"] = jax.random.normal(ks[6], (64, 64), dtype=jnp.float32) * 0.05
    inp["b_cv3"] = jnp.zeros((64,), dtype=jnp.float32)
    return inp


def reference(xyz_f1, xyz_f2, W_enc1, b_enc1, W_enc2, b_enc2, W_cv1, b_cv1, W_cv2, b_cv2, W_cv3, b_cv3):
    # strided grid selection (get_selected_idx analog): (B,H,W,3) -> (B,N,3)
    def sample(x):
        return x[:, ::SH, ::SW, :][:, :OH, :OW, :].reshape(x.shape[0], N, 3)

    p1 = sample(xyz_f1)
    p2 = sample(xyz_f2)

    def enc(p):
        h = jax.nn.relu(p @ W_enc1 + b_enc1)
        return jax.nn.relu(h @ W_enc2 + b_enc2)

    f1 = enc(p1)
    f2 = enc(p2)

    # KNN retrieval: squared distance from every frame-1 point to every frame-2 point
    d2 = (jnp.sum(p1 * p1, axis=-1, keepdims=True)
          - 2.0 * jnp.einsum('bnd,bmd->bnm', p1, p2)
          + jnp.sum(p2 * p2, axis=-1)[:, None, :])
    negd, idx = jax.lax.top_k(-d2, K_NN)  # (B, N, K)

    p2_knn = jax.vmap(lambda pts, ii: pts[ii])(p2, idx)   # (B, N, K, 3)
    f2_knn = jax.vmap(lambda ft, ii: ft[ii])(f2, idx)     # (B, N, K, 64)

    xyz_diff = p2_knn - p1[:, :, None, :]
    f1_tiled = jnp.broadcast_to(f1[:, :, None, :], (B, N, K_NN, 64))
    feat = jnp.concatenate([f1_tiled, f2_knn, xyz_diff], axis=-1)  # (B,N,K,131)

    h = jax.nn.relu(feat @ W_cv1 + b_cv1)
    h = jax.nn.relu(h @ W_cv2 + b_cv2)
    h = jax.nn.relu(h @ W_cv3 + b_cv3)

    # distance-weighted aggregation over retrieved neighbors (cost_volume knn pooling)
    w = jax.nn.softmax(negd, axis=-1)
    out = jnp.sum(h * w[:, :, :, None], axis=2)  # (B, N, 64)
    return out

if __name__ == "__main__":
    import jax
    _d = setup_inputs()
    print(jax.jit(kernel)(*tuple(_d.values())))

</pallas_src>

<mosaic_0001>
#map = affine_map<(d0, d1) -> (0, 0)>
#map1 = affine_map<(d0, d1) -> (0)>
module attributes {stable_mosaic.version = 14 : i64} {
  func.func @gather_kernel(%arg0: i32, %arg1: i32, %arg2: memref<7168x128xf32, #tpu.memory_space<hbm>>, %arg3: memref<57344xi32, #tpu.memory_space<hbm>>, %arg4: memref<57344x128xf32, #tpu.memory_space<hbm>>, %arg5: memref<128xi32, #tpu.memory_space<vmem>>, %arg6: memref<128x128xf32, #tpu.memory_space<vmem>>, %arg7: memref<!tpu.dma_semaphore, #tpu.memory_space<semaphore_mem>>) attributes {dimension_semantics = [#tpu.dimension_semantics<core_parallel>, #tpu.dimension_semantics<subcore_parallel>], iteration_bounds = array<i64: 2, 16>, scalar_prefetch = 0 : i64, scratch_operands = 3 : i64, tpu.core_type = #tpu.core_type<sc_vector_subcore>, window_params = [{transform_indices = #map}, {transform_indices = #map1}, {transform_indices = #map}]} {
    %mul3A = arith.constant 2 : i32
    %mul3A_0 = arith.muli %arg1, %mul3A : i32
    %add3A = arith.addi %mul3A_0, %arg0 : i32
    %scan3A = arith.constant 0 : i32
    %scan3A_1 = arith.constant 0 : i32
    %scan3A_2 = arith.constant 14 : i32
    %scan3A_3 = arith.addi %scan3A_1, %scan3A_2 : i32
    %scan3A_4 = arith.constant 1 : i32
    scf.for %scan3A_6 = %scan3A_1 to %scan3A_3 step %scan3A_4  : i32 {
      %mul3A_7 = arith.constant 1792 : i32
      %mul3A_8 = arith.muli %add3A, %mul3A_7 : i32
      %mul3A_9 = arith.constant 128 : i32
      %mul3A_10 = arith.muli %scan3A_6, %mul3A_9 : i32
      %add3A_11 = arith.addi %mul3A_8, %mul3A_10 : i32
      "tpu.region"() ({
        %run_scoped3A = tpu.sem_alloc : memref<!tpu.dma_semaphore, #tpu.memory_space<semaphore_mem>>
        %dma_start3A_16 = tpu.memref_slice %arg3[%add3A_11] : memref<57344xi32, #tpu.memory_space<hbm>> -> memref<128xi32, #tpu.memory_space<hbm>>
        %dma_start3A_17 = tpu.memref_slice %arg3[%add3A_11] : memref<57344xi32, #tpu.memory_space<hbm>> -> memref<128xi32, #tpu.memory_space<hbm>>
        tpu.enqueue_dma source(%dma_start3A_17 : memref<128xi32, #tpu.memory_space<hbm>>) target(%arg5 : memref<128xi32, #tpu.memory_space<vmem>>) target_semaphore(%run_scoped3A : memref<!tpu.dma_semaphore, #tpu.memory_space<semaphore_mem>>)
        %dma_wait3A_18 = tpu.memref_slice %arg3[%add3A_11] : memref<57344xi32, #tpu.memory_space<hbm>> -> memref<128xi32, #tpu.memory_space<hbm>>
        %dma_wait3A_19 = tpu.memref_slice %arg3[%add3A_11] : memref<57344xi32, #tpu.memory_space<hbm>> -> memref<128xi32, #tpu.memory_space<hbm>>
        tpu.wait_dma2 semaphore(%run_scoped3A : memref<!tpu.dma_semaphore, #tpu.memory_space<semaphore_mem>>) src(%dma_wait3A_19 : memref<128xi32, #tpu.memory_space<hbm>>) dst(%arg5 : memref<128xi32, #tpu.memory_space<vmem>>)
        tpu.yield
      }) : () -> ()
      %dma_start3A = arith.constant 0 : i32
      %dma_start3A_12 = arith.constant 0 : i32
      %dma_start3A_13 = tpu.memref_slice %arg2[%dma_start3A, %dma_start3A_12] : memref<7168x128xf32, #tpu.memory_space<hbm>> -> memref<7168x128xf32, #tpu.memory_space<hbm>>
      tpu.enqueue_indirect_dma source(%dma_start3A_13 : memref<7168x128xf32, #tpu.memory_space<hbm>>) target(%arg6 : memref<128x128xf32, #tpu.memory_space<vmem>>) offsets(%arg5 : memref<128xi32, #tpu.memory_space<vmem>>) semaphore(%arg7 : memref<!tpu.dma_semaphore, #tpu.memory_space<semaphore_mem>>)
      %dma_wait3A = arith.constant 0 : i32
      %dma_wait3A_14 = arith.constant 0 : i32
      %dma_wait3A_15 = tpu.memref_slice %arg2[%dma_wait3A, %dma_wait3A_14] : memref<7168x128xf32, #tpu.memory_space<hbm>> -> memref<7168x128xf32, #tpu.memory_space<hbm>>
      tpu.wait_indirect_dma semaphore(%arg7 : memref<!tpu.dma_semaphore, #tpu.memory_space<semaphore_mem>>) src(%dma_wait3A_15 : memref<7168x128xf32, #tpu.memory_space<hbm>>) dst(%arg6 : memref<128x128xf32, #tpu.memory_space<vmem>>)
      "tpu.region"() ({
        %run_scoped3A = tpu.sem_alloc : memref<!tpu.dma_semaphore, #tpu.memory_space<semaphore_mem>>
        %dma_start3A_16 = arith.constant 0 : i32
        %dma_start3A_17 = tpu.memref_slice %arg4[%add3A_11, %dma_start3A_16] : memref<57344x128xf32, #tpu.memory_space<hbm>> -> memref<128x128xf32, #tpu.memory_space<hbm>>
        %dma_start3A_18 = arith.constant 0 : i32
        %dma_start3A_19 = tpu.memref_slice %arg4[%add3A_11, %dma_start3A_18] : memref<57344x128xf32, #tpu.memory_space<hbm>> -> memref<128x128xf32, #tpu.memory_space<hbm>>
        tpu.enqueue_dma source(%arg6 : memref<128x128xf32, #tpu.memory_space<vmem>>) target(%dma_start3A_19 : memref<128x128xf32, #tpu.memory_space<hbm>>) target_semaphore(%run_scoped3A : memref<!tpu.dma_semaphore, #tpu.memory_space<semaphore_mem>>)
        %dma_wait3A_20 = arith.constant 0 : i32
        %dma_wait3A_21 = tpu.memref_slice %arg4[%add3A_11, %dma_wait3A_20] : memref<57344x128xf32, #tpu.memory_space<hbm>> -> memref<128x128xf32, #tpu.memory_space<hbm>>
        %dma_wait3A_22 = arith.constant 0 : i32
        %dma_wait3A_23 = tpu.memref_slice %arg4[%add3A_11, %dma_wait3A_22] : memref<57344x128xf32, #tpu.memory_space<hbm>> -> memref<128x128xf32, #tpu.memory_space<hbm>>
        tpu.wait_dma2 semaphore(%run_scoped3A : memref<!tpu.dma_semaphore, #tpu.memory_space<semaphore_mem>>) src(%arg6 : memref<128x128xf32, #tpu.memory_space<vmem>>) dst(%dma_wait3A_23 : memref<128x128xf32, #tpu.memory_space<hbm>>)
        tpu.yield
      }) : () -> ()
    }
    %scan3A_5 = arith.constant 14 : i32
    return
  }
}

#map = affine_map<(d0, d1) -> (0, 0)>
#map1 = affine_map<(d0, d1) -> (0)>
module attributes {stable_mosaic.version = 14 : i64} {
  func.func @gather_kernel(%arg0: i32, %arg1: i32, %arg2: memref<7168x128xf32, #tpu.memory_space<hbm>>, %arg3: memref<57344xi32, #tpu.memory_space<hbm>>, %arg4: memref<57344x128xf32, #tpu.memory_space<hbm>>, %arg5: memref<128xi32, #tpu.memory_space<vmem>>, %arg6: memref<128x128xf32, #tpu.memory_space<vmem>>, %arg7: memref<!tpu.dma_semaphore, #tpu.memory_space<semaphore_mem>>) attributes {dimension_semantics = [#tpu.dimension_semantics<core_parallel>, #tpu.dimension_semantics<subcore_parallel>], iteration_bounds = array<i64: 2, 16>, scalar_prefetch = 0 : i64, scratch_operands = 3 : i64, tpu.core_type = #tpu.core_type<sc_vector_subcore>, window_params = [{transform_indices = #map}, {transform_indices = #map1}, {transform_indices = #map}]} {
    %mul3A = arith.constant 2 : i32
    %mul3A_0 = arith.muli %arg1, %mul3A : i32
    %add3A = arith.addi %mul3A_0, %arg0 : i32
    %scan3A = arith.constant 0 : i32
    %scan3A_1 = arith.constant 0 : i32
    %scan3A_2 = arith.constant 14 : i32
    %scan3A_3 = arith.addi %scan3A_1, %scan3A_2 : i32
    %scan3A_4 = arith.constant 1 : i32
    scf.for %scan3A_6 = %scan3A_1 to %scan3A_3 step %scan3A_4  : i32 {
      %mul3A_7 = arith.constant 1792 : i32
      %mul3A_8 = arith.muli %add3A, %mul3A_7 : i32
      %mul3A_9 = arith.constant 128 : i32
      %mul3A_10 = arith.muli %scan3A_6, %mul3A_9 : i32
      %add3A_11 = arith.addi %mul3A_8, %mul3A_10 : i32
      "tpu.region"() ({
        %run_scoped3A = tpu.sem_alloc : memref<!tpu.dma_semaphore, #tpu.memory_space<semaphore_mem>>
        %dma_start3A_16 = tpu.memref_slice %arg3[%add3A_11] : memref<57344xi32, #tpu.memory_space<hbm>> -> memref<128xi32, #tpu.memory_space<hbm>>
        %dma_start3A_17 = tpu.memref_slice %arg3[%add3A_11] : memref<57344xi32, #tpu.memory_space<hbm>> -> memref<128xi32, #tpu.memory_space<hbm>>
        tpu.enqueue_dma source(%dma_start3A_17 : memref<128xi32, #tpu.memory_space<hbm>>) target(%arg5 : memref<128xi32, #tpu.memory_space<vmem>>) target_semaphore(%run_scoped3A : memref<!tpu.dma_semaphore, #tpu.memory_space<semaphore_mem>>)
        %dma_wait3A_18 = tpu.memref_slice %arg3[%add3A_11] : memref<57344xi32, #tpu.memory_space<hbm>> -> memref<128xi32, #tpu.memory_space<hbm>>
        %dma_wait3A_19 = tpu.memref_slice %arg3[%add3A_11] : memref<57344xi32, #tpu.memory_space<hbm>> -> memref<128xi32, #tpu.memory_space<hbm>>
        tpu.wait_dma2 semaphore(%run_scoped3A : memref<!tpu.dma_semaphore, #tpu.memory_space<semaphore_mem>>) src(%dma_wait3A_19 : memref<128xi32, #tpu.memory_space<hbm>>) dst(%arg5 : memref<128xi32, #tpu.memory_space<vmem>>)
        tpu.yield
      }) : () -> ()
      %dma_start3A = arith.constant 0 : i32
      %dma_start3A_12 = arith.constant 0 : i32
      %dma_start3A_13 = tpu.memref_slice %arg2[%dma_start3A, %dma_start3A_12] : memref<7168x128xf32, #tpu.memory_space<hbm>> -> memref<7168x128xf32, #tpu.memory_space<hbm>>
      tpu.enqueue_indirect_dma source(%dma_start3A_13 : memref<7168x128xf32, #tpu.memory_space<hbm>>) target(%arg6 : memref<128x128xf32, #tpu.memory_space<vmem>>) offsets(%arg5 : memref<128xi32, #tpu.memory_space<vmem>>) semaphore(%arg7 : memref<!tpu.dma_semaphore, #tpu.memory_space<semaphore_mem>>)
      %dma_wait3A = arith.constant 0 : i32
      %dma_wait3A_14 = arith.constant 0 : i32
      %dma_wait3A_15 = tpu.memref_slice %arg2[%dma_wait3A, %dma_wait3A_14] : memref<7168x128xf32, #tpu.memory_space<hbm>> -> memref<7168x128xf32, #tpu.memory_space<hbm>>
      tpu.wait_indirect_dma semaphore(%arg7 : memref<!tpu.dma_semaphore, #tpu.memory_space<semaphore_mem>>) src(%dma_wait3A_15 : memref<7168x128xf32, #tpu.memory_space<hbm>>) dst(%arg6 : memref<128x128xf32, #tpu.memory_space<vmem>>)
      "tpu.region"() ({
        %run_scoped3A = tpu.sem_alloc : memref<!tpu.dma_semaphore, #tpu.memory_space<semaphore_mem>>
        %dma_start3A_16 = arith.constant 0 : i32
        %dma_start3A_17 = tpu.memref_slice %arg4[%add3A_11, %dma_start3A_16] : memref<57344x128xf32, #tpu.memory_space<hbm>> -> memref<128x128xf32, #tpu.memory_space<hbm>>
        %dma_start3A_18 = arith.constant 0 : i32
        %dma_start3A_19 = tpu.memref_slice %arg4[%add3A_11, %dma_start3A_18] : memref<57344x128xf32, #tpu.memory_space<hbm>> -> memref<128x128xf32, #tpu.memory_space<hbm>>
        tpu.enqueue_dma source(%arg6 : memref<128x128xf32, #tpu.memory_space<vmem>>) target(%dma_start3A_19 : memref<128x128xf32, #tpu.memory_space<hbm>>) target_semaphore(%run_scoped3A : memref<!tpu.dma_semaphore, #tpu.memory_space<semaphore_mem>>)
        %dma_wait3A_20 = arith.constant 0 : i32
        %dma_wait3A_21 = tpu.memref_slice %arg4[%add3A_11, %dma_wait3A_20] : memref<57344x128xf32, #tpu.memory_space<hbm>> -> memref<128x128xf32, #tpu.memory_space<hbm>>
        %dma_wait3A_22 = arith.constant 0 : i32
        %dma_wait3A_23 = tpu.memref_slice %arg4[%add3A_11, %dma_wait3A_22] : memref<57344x128xf32, #tpu.memory_space<hbm>> -> memref<128x128xf32, #tpu.memory_space<hbm>>
        tpu.wait_dma2 semaphore(%run_scoped3A : memref<!tpu.dma_semaphore, #tpu.memory_space<semaphore_mem>>) src(%arg6 : memref<128x128xf32, #tpu.memory_space<vmem>>) dst(%dma_wait3A_23 : memref<128x128xf32, #tpu.memory_space<hbm>>)
        tpu.yield
      }) : () -> ()
    }
    %scan3A_5 = arith.constant 14 : i32
    return
  }
}

#map = affine_map<(d0, d1) -> (0, 0)>
#map1 = affine_map<(d0, d1) -> (0)>
module attributes {stable_mosaic.version = 14 : i64} {
  func.func @gather_kernel(%arg0: i32, %arg1: i32, %arg2: memref<7168x128xf32, #tpu.memory_space<hbm>>, %arg3: memref<57344xi32, #tpu.memory_space<hbm>>, %arg4: memref<57344x128xf32, #tpu.memory_space<hbm>>, %arg5: memref<128xi32, #tpu.memory_space<vmem>>, %arg6: memref<128x128xf32, #tpu.memory_space<vmem>>, %arg7: memref<!tpu.dma_semaphore, #tpu.memory_space<semaphore_mem>>) attributes {dimension_semantics = [#tpu.dimension_semantics<core_parallel>, #tpu.dimension_semantics<subcore_parallel>], iteration_bounds = array<i64: 2, 16>, scalar_prefetch = 0 : i64, scratch_operands = 3 : i64, tpu.core_type = #tpu.core_type<sc_vector_subcore>, window_params = [{transform_indices = #map}, {transform_indices = #map1}, {transform_indices = #map}]} {
    %mul3A = arith.constant 2 : i32
    %mul3A_0 = arith.muli %arg1, %mul3A : i32
    %add3A = arith.addi %mul3A_0, %arg0 : i32
    %scan3A = arith.constant 0 : i32
    %scan3A_1 = arith.constant 0 : i32
    %scan3A_2 = arith.constant 14 : i32
    %scan3A_3 = arith.addi %scan3A_1, %scan3A_2 : i32
    %scan3A_4 = arith.constant 1 : i32
    scf.for %scan3A_6 = %scan3A_1 to %scan3A_3 step %scan3A_4  : i32 {
      %mul3A_7 = arith.constant 1792 : i32
      %mul3A_8 = arith.muli %add3A, %mul3A_7 : i32
      %mul3A_9 = arith.constant 128 : i32
      %mul3A_10 = arith.muli %scan3A_6, %mul3A_9 : i32
      %add3A_11 = arith.addi %mul3A_8, %mul3A_10 : i32
      "tpu.region"() ({
        %run_scoped3A = tpu.sem_alloc : memref<!tpu.dma_semaphore, #tpu.memory_space<semaphore_mem>>
        %dma_start3A_16 = tpu.memref_slice %arg3[%add3A_11] : memref<57344xi32, #tpu.memory_space<hbm>> -> memref<128xi32, #tpu.memory_space<hbm>>
        %dma_start3A_17 = tpu.memref_slice %arg3[%add3A_11] : memref<57344xi32, #tpu.memory_space<hbm>> -> memref<128xi32, #tpu.memory_space<hbm>>
        tpu.enqueue_dma source(%dma_start3A_17 : memref<128xi32, #tpu.memory_space<hbm>>) target(%arg5 : memref<128xi32, #tpu.memory_space<vmem>>) target_semaphore(%run_scoped3A : memref<!tpu.dma_semaphore, #tpu.memory_space<semaphore_mem>>)
        %dma_wait3A_18 = tpu.memref_slice %arg3[%add3A_11] : memref<57344xi32, #tpu.memory_space<hbm>> -> memref<128xi32, #tpu.memory_space<hbm>>
        %dma_wait3A_19 = tpu.memref_slice %arg3[%add3A_11] : memref<57344xi32, #tpu.memory_space<hbm>> -> memref<128xi32, #tpu.memory_space<hbm>>
        tpu.wait_dma2 semaphore(%run_scoped3A : memref<!tpu.dma_semaphore, #tpu.memory_space<semaphore_mem>>) src(%dma_wait3A_19 : memref<128xi32, #tpu.memory_space<hbm>>) dst(%arg5 : memref<128xi32, #tpu.memory_space<vmem>>)
        tpu.yield
      }) : () -> ()
      %dma_start3A = arith.constant 0 : i32
      %dma_start3A_12 = arith.constant 0 : i32
      %dma_start3A_13 = tpu.memref_slice %arg2[%dma_start3A, %dma_start3A_12] : memref<7168x128xf32, #tpu.memory_space<hbm>> -> memref<7168x128xf32, #tpu.memory_space<hbm>>
      tpu.enqueue_indirect_dma source(%dma_start3A_13 : memref<7168x128xf32, #tpu.memory_space<hbm>>) target(%arg6 : memref<128x128xf32, #tpu.memory_space<vmem>>) offsets(%arg5 : memref<128xi32, #tpu.memory_space<vmem>>) semaphore(%arg7 : memref<!tpu.dma_semaphore, #tpu.memory_space<semaphore_mem>>)
      %dma_wait3A = arith.constant 0 : i32
      %dma_wait3A_14 = arith.constant 0 : i32
      %dma_wait3A_15 = tpu.memref_slice %arg2[%dma_wait3A, %dma_wait3A_14] : memref<7168x128xf32, #tpu.memory_space<hbm>> -> memref<7168x128xf32, #tpu.memory_space<hbm>>
      tpu.wait_indirect_dma semaphore(%arg7 : memref<!tpu.dma_semaphore, #tpu.memory_space<semaphore_mem>>) src(%dma_wait3A_15 : memref<7168x128xf32, #tpu.memory_space<hbm>>) dst(%arg6 : memref<128x128xf32, #tpu.memory_space<vmem>>)
      "tpu.region"() ({
        %run_scoped3A = tpu.sem_alloc : memref<!tpu.dma_semaphore, #tpu.memory_space<semaphore_mem>>
        %dma_start3A_16 = arith.constant 0 : i32
        %dma_start3A_17 = tpu.memref_slice %arg4[%add3A_11, %dma_start3A_16] : memref<57344x128xf32, #tpu.memory_space<hbm>> -> memref<128x128xf32, #tpu.memory_space<hbm>>
        %dma_start3A_18 = arith.constant 0 : i32
        %dma_start3A_19 = tpu.memref_slice %arg4[%add3A_11, %dma_start3A_18] : memref<57344x128xf32, #tpu.memory_space<hbm>> -> memref<128x128xf32, #tpu.memory_space<hbm>>
        tpu.enqueue_dma source(%arg6 : memref<128x128xf32, #tpu.memory_space<vmem>>) target(%dma_start3A_19 : memref<128x128xf32, #tpu.memory_space<hbm>>) target_semaphore(%run_scoped3A : memref<!tpu.dma_semaphore, #tpu.memory_space<semaphore_mem>>)
        %dma_wait3A_20 = arith.constant 0 : i32
        %dma_wait3A_21 = tpu.memref_slice %arg4[%add3A_11, %dma_wait3A_20] : memref<57344x128xf32, #tpu.memory_space<hbm>> -> memref<128x128xf32, #tpu.memory_space<hbm>>
        %dma_wait3A_22 = arith.constant 0 : i32
        %dma_wait3A_23 = tpu.memref_slice %arg4[%add3A_11, %dma_wait3A_22] : memref<57344x128xf32, #tpu.memory_space<hbm>> -> memref<128x128xf32, #tpu.memory_space<hbm>>
        tpu.wait_dma2 semaphore(%run_scoped3A : memref<!tpu.dma_semaphore, #tpu.memory_space<semaphore_mem>>) src(%arg6 : memref<128x128xf32, #tpu.memory_space<vmem>>) dst(%dma_wait3A_23 : memref<128x128xf32, #tpu.memory_space<hbm>>)
        tpu.yield
      }) : () -> ()
    }
    %scan3A_5 = arith.constant 14 : i32
    return
  }
}

#map = affine_map<(d0, d1) -> (0, 0)>
#map1 = affine_map<(d0, d1) -> (0)>
module attributes {stable_mosaic.version = 14 : i64} {
  func.func @gather_kernel(%arg0: i32, %arg1: i32, %arg2: memref<7168x128xf32, #tpu.memory_space<hbm>>, %arg3: memref<57344xi32, #tpu.memory_space<hbm>>, %arg4: memref<57344x128xf32, #tpu.memory_space<hbm>>, %arg5: memref<128xi32, #tpu.memory_space<vmem>>, %arg6: memref<128x128xf32, #tpu.memory_space<vmem>>, %arg7: memref<!tpu.dma_semaphore, #tpu.memory_space<semaphore_mem>>) attributes {dimension_semantics = [#tpu.dimension_semantics<core_parallel>, #tpu.dimension_semantics<subcore_parallel>], iteration_bounds = array<i64: 2, 16>, scalar_prefetch = 0 : i64, scratch_operands = 3 : i64, tpu.core_type = #tpu.core_type<sc_vector_subcore>, window_params = [{transform_indices = #map}, {transform_indices = #map1}, {transform_indices = #map}]} {
    %mul3A = arith.constant 2 : i32
    %mul3A_0 = arith.muli %arg1, %mul3A : i32
    %add3A = arith.addi %mul3A_0, %arg0 : i32
    %scan3A = arith.constant 0 : i32
    %scan3A_1 = arith.constant 0 : i32
    %scan3A_2 = arith.constant 14 : i32
    %scan3A_3 = arith.addi %scan3A_1, %scan3A_2 : i32
    %scan3A_4 = arith.constant 1 : i32
    scf.for %scan3A_6 = %scan3A_1 to %scan3A_3 step %scan3A_4  : i32 {
      %mul3A_7 = arith.constant 1792 : i32
      %mul3A_8 = arith.muli %add3A, %mul3A_7 : i32
      %mul3A_9 = arith.constant 128 : i32
      %mul3A_10 = arith.muli %scan3A_6, %mul3A_9 : i32
      %add3A_11 = arith.addi %mul3A_8, %mul3A_10 : i32
      "tpu.region"() ({
        %run_scoped3A = tpu.sem_alloc : memref<!tpu.dma_semaphore, #tpu.memory_space<semaphore_mem>>
        %dma_start3A_16 = tpu.memref_slice %arg3[%add3A_11] : memref<57344xi32, #tpu.memory_space<hbm>> -> memref<128xi32, #tpu.memory_space<hbm>>
        %dma_start3A_17 = tpu.memref_slice %arg3[%add3A_11] : memref<57344xi32, #tpu.memory_space<hbm>> -> memref<128xi32, #tpu.memory_space<hbm>>
        tpu.enqueue_dma source(%dma_start3A_17 : memref<128xi32, #tpu.memory_space<hbm>>) target(%arg5 : memref<128xi32, #tpu.memory_space<vmem>>) target_semaphore(%run_scoped3A : memref<!tpu.dma_semaphore, #tpu.memory_space<semaphore_mem>>)
        %dma_wait3A_18 = tpu.memref_slice %arg3[%add3A_11] : memref<57344xi32, #tpu.memory_space<hbm>> -> memref<128xi32, #tpu.memory_space<hbm>>
        %dma_wait3A_19 = tpu.memref_slice %arg3[%add3A_11] : memref<57344xi32, #tpu.memory_space<hbm>> -> memref<128xi32, #tpu.memory_space<hbm>>
        tpu.wait_dma2 semaphore(%run_scoped3A : memref<!tpu.dma_semaphore, #tpu.memory_space<semaphore_mem>>) src(%dma_wait3A_19 : memref<128xi32, #tpu.memory_space<hbm>>) dst(%arg5 : memref<128xi32, #tpu.memory_space<vmem>>)
        tpu.yield
      }) : () -> ()
      %dma_start3A = arith.constant 0 : i32
      %dma_start3A_12 = arith.constant 0 : i32
      %dma_start3A_13 = tpu.memref_slice %arg2[%dma_start3A, %dma_start3A_12] : memref<7168x128xf32, #tpu.memory_space<hbm>> -> memref<7168x128xf32, #tpu.memory_space<hbm>>
      tpu.enqueue_indirect_dma source(%dma_start3A_13 : memref<7168x128xf32, #tpu.memory_space<hbm>>) target(%arg6 : memref<128x128xf32, #tpu.memory_space<vmem>>) offsets(%arg5 : memref<128xi32, #tpu.memory_space<vmem>>) semaphore(%arg7 : memref<!tpu.dma_semaphore, #tpu.memory_space<semaphore_mem>>)
      %dma_wait3A = arith.constant 0 : i32
      %dma_wait3A_14 = arith.constant 0 : i32
      %dma_wait3A_15 = tpu.memref_slice %arg2[%dma_wait3A, %dma_wait3A_14] : memref<7168x128xf32, #tpu.memory_space<hbm>> -> memref<7168x128xf32, #tpu.memory_space<hbm>>
      tpu.wait_indirect_dma semaphore(%arg7 : memref<!tpu.dma_semaphore, #tpu.memory_space<semaphore_mem>>) src(%dma_wait3A_15 : memref<7168x128xf32, #tpu.memory_space<hbm>>) dst(%arg6 : memref<128x128xf32, #tpu.memory_space<vmem>>)
      "tpu.region"() ({
        %run_scoped3A = tpu.sem_alloc : memref<!tpu.dma_semaphore, #tpu.memory_space<semaphore_mem>>
        %dma_start3A_16 = arith.constant 0 : i32
        %dma_start3A_17 = tpu.memref_slice %arg4[%add3A_11, %dma_start3A_16] : memref<57344x128xf32, #tpu.memory_space<hbm>> -> memref<128x128xf32, #tpu.memory_space<hbm>>
        %dma_start3A_18 = arith.constant 0 : i32
        %dma_start3A_19 = tpu.memref_slice %arg4[%add3A_11, %dma_start3A_18] : memref<57344x128xf32, #tpu.memory_space<hbm>> -> memref<128x128xf32, #tpu.memory_space<hbm>>
        tpu.enqueue_dma source(%arg6 : memref<128x128xf32, #tpu.memory_space<vmem>>) target(%dma_start3A_19 : memref<128x128xf32, #tpu.memory_space<hbm>>) target_semaphore(%run_scoped3A : memref<!tpu.dma_semaphore, #tpu.memory_space<semaphore_mem>>)
        %dma_wait3A_20 = arith.constant 0 : i32
        %dma_wait3A_21 = tpu.memref_slice %arg4[%add3A_11, %dma_wait3A_20] : memref<57344x128xf32, #tpu.memory_space<hbm>> -> memref<128x128xf32, #tpu.memory_space<hbm>>
        %dma_wait3A_22 = arith.constant 0 : i32
        %dma_wait3A_23 = tpu.memref_slice %arg4[%add3A_11, %dma_wait3A_22] : memref<57344x128xf32, #tpu.memory_space<hbm>> -> memref<128x128xf32, #tpu.memory_space<hbm>>
        tpu.wait_dma2 semaphore(%run_scoped3A : memref<!tpu.dma_semaphore, #tpu.memory_space<semaphore_mem>>) src(%arg6 : memref<128x128xf32, #tpu.memory_space<vmem>>) dst(%dma_wait3A_23 : memref<128x128xf32, #tpu.memory_space<hbm>>)
        tpu.yield
      }) : () -> ()
    }
    %scan3A_5 = arith.constant 14 : i32
    return
  }
}

module attributes {stable_mosaic.version = 14 : i64} {
  func.func @_topk_body(%arg0: i32, %arg1: memref<128x3xf32, #tpu.memory_space<vmem>>, %arg2: memref<3584x3xf32, #tpu.memory_space<vmem>>, %arg3: memref<128x32xi32, #tpu.memory_space<vmem>>, %arg4: memref<128x32xf32, #tpu.memory_space<vmem>>) attributes {dimension_semantics = [#tpu.dimension_semantics<arbitrary>], iteration_bounds = array<i64: 14>, scalar_prefetch = 0 : i64, scratch_operands = 0 : i64, tpu.core_type = #tpu.core_type<tc>, window_params = [{transform_indices = @transform_0, window_bounds = array<i64: 128, 3>}, {pipeline_mode = #tpu.pipeline_mode<synchronous>, transform_indices = @transform_1, window_bounds = array<i64: 3584, 3>}, {transform_indices = @transform_2, window_bounds = array<i64: 128, 32>}, {transform_indices = @transform_3, window_bounds = array<i64: 128, 32>}]} {
    %get3A = arith.constant 0 : index
    %get3A_0 = arith.constant 0 : index
    %get3A_1 = vector.load %arg1[%get3A, %get3A_0] : memref<128x3xf32, #tpu.memory_space<vmem>>, vector<128x3xf32>
    %get3A_2 = arith.constant 0 : index
    %get3A_3 = arith.constant 0 : index
    %get3A_4 = vector.load %arg2[%get3A_2, %get3A_3] : memref<3584x3xf32, #tpu.memory_space<vmem>>, vector<3584x3xf32>
    %mul3A = arith.mulf %get3A_1, %get3A_1 : vector<128x3xf32>
    %reduce_sum3A = arith.constant dense<0.000000e+00> : vector<128xf32>
    %reduce_sum3A_5 = vector.multi_reduction <add>, %mul3A, %reduce_sum3A [1] : vector<128x3xf32> to vector<128xf32>
    %broadcast_in_dim3A = vector.shape_cast %reduce_sum3A_5 : vector<128xf32> to vector<128x1xf32>
    %mul3A_6 = arith.mulf %get3A_4, %get3A_4 : vector<3584x3xf32>
    %reduce_sum3A_7 = arith.constant dense<0.000000e+00> : vector<3584xf32>
    %reduce_sum3A_8 = vector.multi_reduction <add>, %mul3A_6, %reduce_sum3A_7 [1] : vector<3584x3xf32> to vector<3584xf32>
    %broadcast_in_dim3A_9 = vector.shape_cast %reduce_sum3A_8 : vector<3584xf32> to vector<1x3584xf32>
    %dot_general3A = arith.constant dense<0.000000e+00> : vector<128x3584xf32>
    %dot_general3A_10 = tpu.matmul %get3A_1, %get3A_4, %dot_general3A {dimension_numbers = #tpu.dot_dimension_numbers<[1], [1], [0], [0], [0, 0, 1, 0], [], []>, transpose_lhs_hint = false} : vector<128x3xf32>, vector<3584x3xf32>, vector<128x3584xf32> -> vector<128x3584xf32>
    %mul3A_11 = arith.constant 2.000000e+00 : f32
    %mul3A_12 = vector.broadcast %mul3A_11 : f32 to vector<128x3584xf32>
    %mul3A_13 = arith.mulf %mul3A_12, %dot_general3A_10 : vector<128x3584xf32>
    %sub3A = vector.broadcast %broadcast_in_dim3A : vector<128x1xf32> to vector<128x3584xf32>
    %sub3A_14 = arith.subf %sub3A, %mul3A_13 : vector<128x3584xf32>
    %add3A = vector.broadcast %broadcast_in_dim3A_9 : vector<1x3584xf32> to vector<128x3584xf32>
    %add3A_15 = arith.addf %sub3A_14, %add3A : vector<128x3584xf32>
    %max3A = arith.constant 0.000000e+00 : f32
    %max3A_16 = vector.broadcast %max3A : f32 to vector<128x3584xf32>
    %max3A_17 = arith.maximumf %add3A_15, %max3A_16 : vector<128x3584xf32>
    %bitcast_convert_type3A = tpu.bitcast %max3A_17 : vector<128x3584xf32> -> vector<128x3584xi32>
    %iota3A = tpu.iota {dimensions = array<i32: 1>} : vector<128x3584xi32>
    %and3A = arith.constant -4096 : i32
    %and3A_18 = vector.broadcast %and3A : i32 to vector<128x3584xi32>
    %and3A_19 = arith.andi %bitcast_convert_type3A, %and3A_18 : vector<128x3584xi32>
    %or3A = arith.ori %and3A_19, %iota3A : vector<128x3584xi32>
    %slice3A = vector.extract_strided_slice %or3A {offsets = [0, 0], sizes = [128, 1792], strides = [1, 1]} : vector<128x3584xi32> to vector<128x1792xi32>
    %slice3A_20 = vector.extract_strided_slice %or3A {offsets = [0, 1792], sizes = [128, 1792], strides = [1, 1]} : vector<128x3584xi32> to vector<128x1792xi32>
    %slice3A_21 = vector.extract_strided_slice %add3A_15 {offsets = [0, 0], sizes = [128, 1792], strides = [1, 1]} : vector<128x3584xf32> to vector<128x1792xf32>
    %slice3A_22 = vector.extract_strided_slice %add3A_15 {offsets = [0, 1792], sizes = [128, 1792], strides = [1, 1]} : vector<128x3584xf32> to vector<128x1792xf32>
    %lt3A = arith.cmpi slt, %slice3A_20, %slice3A : vector<128x1792xi32>
    %select_n3A = arith.select %lt3A, %slice3A_20, %slice3A : vector<128x1792xi1>, vector<128x1792xi32>
    %select_n3A_23 = arith.select %lt3A, %slice3A, %slice3A_20 : vector<128x1792xi1>, vector<128x1792xi32>
    %select_n3A_24 = arith.select %lt3A, %slice3A_22, %slice3A_21 : vector<128x1792xi1>, vector<128x1792xf32>
    %select_n3A_25 = arith.select %lt3A, %slice3A_21, %slice3A_22 : vector<128x1792xi1>, vector<128x1792xf32>
    %broadcast_in_dim3A_26 = arith.constant 1.000000e+00 : f32
    %broadcast_in_dim3A_27 = vector.broadcast %broadcast_in_dim3A_26 : f32 to vector<1792x1xf32>
    %reduce_min3A = arith.constant dense<2147483647> : vector<128xi32>
    %reduce_min3A_28 = vector.multi_reduction <minsi>, %select_n3A, %reduce_min3A [1] : vector<128x1792xi32> to vector<128xi32>
    %broadcast_in_dim3A_29 = vector.shape_cast %reduce_min3A_28 : vector<128xi32> to vector<128x1xi32>
    %and3A_30 = arith.constant 4095 : i32
    %and3A_31 = vector.broadcast %and3A_30 : i32 to vector<128x1xi32>
    %and3A_32 = arith.andi %broadcast_in_dim3A_29, %and3A_31 : vector<128x1xi32>
    %add3A_33 = arith.constant 3584 : i32
    %add3A_34 = vector.broadcast %add3A_33 : i32 to vector<128x1xi32>
    %add3A_35 = arith.addi %and3A_32, %add3A_34 : vector<128x1xi32>
    %swap3A = arith.constant 0 : index
    %swap3A_36 = arith.constant 0 : index
    %swap3A_37 = vector.load %arg3[%swap3A, %swap3A_36] : memref<128x32xi32, #tpu.memory_space<vmem>>, vector<128x1xi32>
    tpu.vector_store %arg3[%swap3A, %swap3A_36], %add3A_35 {strides = array<i32>} : memref<128x32xi32, #tpu.memory_space<vmem>>, vector<128x1xi32>,
    %eq3A = vector.broadcast %broadcast_in_dim3A_29 : vector<128x1xi32> to vector<128x1792xi32>
    %eq3A_38 = arith.cmpi eq, %select_n3A, %eq3A : vector<128x1792xi32>
    %jit3A = arith.constant 0.000000e+00 : f32
    %broadcast_in_dim3A_39 = vector.broadcast %jit3A : f32 to vector<128x1792xf32>
    %select_n3A_40 = arith.select %eq3A_38, %select_n3A_24, %broadcast_in_dim3A_39 : vector<128x1792xi1>, vector<128x1792xf32>
    %dot_general3A_41 = arith.constant dense<0.000000e+00> : vector<128x1xf32>
    %dot_general3A_42 = tpu.matmul %select_n3A_40, %broadcast_in_dim3A_27, %dot_general3A_41 {dimension_numbers = #tpu.dot_dimension_numbers<[1], [0], [0], [1], [0, 0, 1, 1], [], []>, transpose_lhs_hint = false} : vector<128x1792xf32>, vector<1792x1xf32>, vector<128x1xf32> -> vector<128x1xf32>
    %neg3A = arith.constant 0.000000e+00 : f32
    %neg3A_43 = vector.broadcast %neg3A : f32 to vector<128x1xf32>
    %neg3A_44 = arith.subf %neg3A_43, %dot_general3A_42 : vector<128x1xf32>
    %swap3A_45 = arith.constant 0 : index
    %swap3A_46 = arith.constant 0 : index
    %swap3A_47 = vector.load %arg4[%swap3A_45, %swap3A_46] : memref<128x32xf32, #tpu.memory_space<vmem>>, vector<128x1xf32>
    tpu.vector_store %arg4[%swap3A_45, %swap3A_46], %neg3A_44 {strides = array<i32>} : memref<128x32xf32, #tpu.memory_space<vmem>>, vector<128x1xf32>,
    %select_n3A_48 = arith.select %eq3A_38, %select_n3A_23, %select_n3A : vector<128x1792xi1>, vector<128x1792xi32>
    %select_n3A_49 = arith.select %eq3A_38, %select_n3A_25, %select_n3A_24 : vector<128x1792xi1>, vector<128x1792xf32>
    %jit3A_50 = arith.constant 2147483647 : i32
    %broadcast_in_dim3A_51 = vector.broadcast %jit3A_50 : i32 to vector<128x1792xi32>
    %select_n3A_52 = arith.select %eq3A_38, %broadcast_in_dim3A_51, %select_n3A_23 : vector<128x1792xi1>, vector<128x1792xi32>
    %reduce_min3A_53 = arith.constant dense<2147483647> : vector<128xi32>
    %reduce_min3A_54 = vector.multi_reduction <minsi>, %select_n3A_48, %reduce_min3A_53 [1] : vector<128x1792xi32> to vector<128xi32>
    %broadcast_in_dim3A_55 = vector.shape_cast %reduce_min3A_54 : vector<128xi32> to vector<128x1xi32>
    %and3A_56 = arith.constant 4095 : i32
    %and3A_57 = vector.broadcast %and3A_56 : i32 to vector<128x1xi32>
    %and3A_58 = arith.andi %broadcast_in_dim3A_55, %and3A_57 : vector<128x1xi32>
    %add3A_59 = arith.constant 3584 : i32
    %add3A_60 = vector.broadcast %add3A_59 : i32 to vector<128x1xi32>
    %add3A_61 = arith.addi %and3A_58, %add3A_60 : vector<128x1xi32>
    %swap3A_62 = arith.constant 0 : index
    %swap3A_63 = arith.constant 1 : index
    %swap3A_64 = vector.load %arg3[%swap3A_62, %swap3A_63] : memref<128x32xi32, #tpu.memory_space<vmem>>, vector<128x1xi32>
    tpu.vector_store %arg3[%swap3A_62, %swap3A_63], %add3A_61 {strides = array<i32>} : memref<128x32xi32, #tpu.memory_space<vmem>>, vector<128x1xi32>,
    %eq3A_65 = vector.broadcast %broadcast_in_dim3A_55 : vector<128x1xi32> to vector<128x1792xi32>
    %eq3A_66 = arith.cmpi eq, %select_n3A_48, %eq3A_65 : vector<128x1792xi32>
    %jit3A_67 = arith.constant 0.000000e+00 : f32
    %broadcast_in_dim3A_68 = vector.broadcast %jit3A_67 : f32 to vector<128x1792xf32>
    %select_n3A_69 = arith.select %eq3A_66, %select_n3A_49, %broadcast_in_dim3A_68 : vector<128x1792xi1>, vector<128x1792xf32>
    %dot_general3A_70 = arith.constant dense<0.000000e+00> : vector<128x1xf32>
    %dot_general3A_71 = tpu.matmul %select_n3A_69, %broadcast_in_dim3A_27, %dot_general3A_70 {dimension_numbers = #tpu.dot_dimension_numbers<[1], [0], [0], [1], [0, 0, 1, 1], [], []>, transpose_lhs_hint = false} : vector<128x1792xf32>, vector<1792x1xf32>, vector<128x1xf32> -> vector<128x1xf32>
    %neg3A_72 = arith.constant 0.000000e+00 : f32
    %neg3A_73 = vector.broadcast %neg3A_72 : f32 to vector<128x1xf32>
    %neg3A_74 = arith.subf %neg3A_73, %dot_general3A_71 : vector<128x1xf32>
    %swap3A_75 = arith.constant 0 : index
    %swap3A_76 = arith.constant 1 : index
    %swap3A_77 = vector.load %arg4[%swap3A_75, %swap3A_76] : memref<128x32xf32, #tpu.memory_space<vmem>>, vector<128x1xf32>
    tpu.vector_store %arg4[%swap3A_75, %swap3A_76], %neg3A_74 {strides = array<i32>} : memref<128x32xf32, #tpu.memory_space<vmem>>, vector<128x1xf32>,
    %select_n3A_78 = arith.select %eq3A_66, %select_n3A_52, %select_n3A_48 : vector<128x1792xi1>, vector<128x1792xi32>
    %select_n3A_79 = arith.select %eq3A_66, %select_n3A_25, %select_n3A_49 : vector<128x1792xi1>, vector<128x1792xf32>
    %jit3A_80 = arith.constant 2147483647 : i32
    %broadcast_in_dim3A_81 = vector.broadcast %jit3A_80 : i32 to vector<128x1792xi32>
    %select_n3A_82 = arith.select %eq3A_66, %broadcast_in_dim3A_81, %select_n3A_52 : vector<128x1792xi1>, vector<128x1792xi32>
    %reduce_min3A_83 = arith.constant dense<2147483647> : vector<128xi32>
    %reduce_min3A_84 = vector.multi_reduction <minsi>, %select_n3A_78, %reduce_min3A_83 [1] : vector<128x1792xi32> to vector<128xi32>
    %broadcast_in_dim3A_85 = vector.shape_cast %reduce_min3A_84 : vector<128xi32> to vector<128x1xi32>
    %and3A_86 = arith.constant 4095 : i32
    %and3A_87 = vector.broadcast %and3A_86 : i32 to vector<128x1xi32>
    %and3A_88 = arith.andi %broadcast_in_dim3A_85, %and3A_87 : vector<128x1xi32>
    %add3A_89 = arith.constant 3584 : i32
    %add3A_90 = vector.broadcast %add3A_89 : i32 to vector<128x1xi32>
    %add3A_91 = arith.addi %and3A_88, %add3A_90 : vector<128x1xi32>
    %swap3A_92 = arith.constant 0 : index
    %swap3A_93 = arith.constant 2 : index
    %swap3A_94 = vector.load %arg3[%swap3A_92, %swap3A_93] : memref<128x32xi32, #tpu.memory_space<vmem>>, vector<128x1xi32>
    tpu.vector_store %arg3[%swap3A_92, %swap3A_93], %add3A_91 {strides = array<i32>} : memref<128x32xi32, #tpu.memory_space<vmem>>, vector<128x1xi32>,
    %eq3A_95 = vector.broadcast %broadcast_in_dim3A_85 : vector<128x1xi32> to vector<128x1792xi32>
    %eq3A_96 = arith.cmpi eq, %select_n3A_78, %eq3A_95 : vector<128x1792xi32>
    %jit3A_97 = arith.constant 0.000000e+00 : f32
    %broadcast_in_dim3A_98 = vector.broadcast %jit3A_97 : f32 to vector<128x1792xf32>
    %select_n3A_99 = arith.select %eq3A_96, %select_n3A_79, %broadcast_in_dim3A_98 : vector<128x1792xi1>, vector<128x1792xf32>
    %dot_general3A_100 = arith.constant dense<0.000000e+00> : vector<128x1xf32>
    %dot_general3A_101 = tpu.matmul %select_n3A_99, %broadcast_in_dim3A_27, %dot_general3A_100 {dimension_numbers = #tpu.dot_dimension_numbers<[1], [0], [0], [1], [0, 0, 1, 1], [], []>, transpose_lhs_hint = false} : vector<128x1792xf32>, vector<1792x1xf32>, vector<128x1xf32> -> vector<128x1xf32>
    %neg3A_102 = arith.constant 0.000000e+00 : f32
    %neg3A_103 = vector.broadcast %neg3A_102 : f32 to vector<128x1xf32>
    %neg3A_104 = arith.subf %neg3A_103, %dot_general3A_101 : vector<128x1xf32>
    %swap3A_105 = arith.constant 0 : index
    %swap3A_106 = arith.constant 2 : index
    %swap3A_107 = vector.load %arg4[%swap3A_105, %swap3A_106] : memref<128x32xf32, #tpu.memory_space<vmem>>, vector<128x1xf32>
    tpu.vector_store %arg4[%swap3A_105, %swap3A_106], %neg3A_104 {strides = array<i32>} : memref<128x32xf32, #tpu.memory_space<vmem>>, vector<128x1xf32>,
    %select_n3A_108 = arith.select %eq3A_96, %select_n3A_82, %select_n3A_78 : vector<128x1792xi1>, vector<128x1792xi32>
    %select_n3A_109 = arith.select %eq3A_96, %select_n3A_25, %select_n3A_79 : vector<128x1792xi1>, vector<128x1792xf32>
    %jit3A_110 = arith.constant 2147483647 : i32
    %broadcast_in_dim3A_111 = vector.broadcast %jit3A_110 : i32 to vector<128x1792xi32>
    %select_n3A_112 = arith.select %eq3A_96, %broadcast_in_dim3A_111, %select_n3A_82 : vector<128x1792xi1>, vector<128x1792xi32>
    %reduce_min3A_113 = arith.constant dense<2147483647> : vector<128xi32>
    %reduce_min3A_114 = vector.multi_reduction <minsi>, %select_n3A_108, %reduce_min3A_113 [1] : vector<128x1792xi32> to vector<128xi32>
    %broadcast_in_dim3A_115 = vector.shape_cast %reduce_min3A_114 : vector<128xi32> to vector<128x1xi32>
    %and3A_116 = arith.constant 4095 : i32
    %and3A_117 = vector.broadcast %and3A_116 : i32 to vector<128x1xi32>
    %and3A_118 = arith.andi %broadcast_in_dim3A_115, %and3A_117 : vector<128x1xi32>
    %add3A_119 = arith.constant 3584 : i32
    %add3A_120 = vector.broadcast %add3A_119 : i32 to vector<128x1xi32>
    %add3A_121 = arith.addi %and3A_118, %add3A_120 : vector<128x1xi32>
    %swap3A_122 = arith.constant 0 : index
    %swap3A_123 = arith.constant 3 : index
    %swap3A_124 = vector.load %arg3[%swap3A_122, %swap3A_123] : memref<128x32xi32, #tpu.memory_space<vmem>>, vector<128x1xi32>
    tpu.vector_store %arg3[%swap3A_122, %swap3A_123], %add3A_121 {strides = array<i32>} : memref<128x32xi32, #tpu.memory_space<vmem>>, vector<128x1xi32>,
    %eq3A_125 = vector.broadcast %broadcast_in_dim3A_115 : vector<128x1xi32> to vector<128x1792xi32>
    %eq3A_126 = arith.cmpi eq, %select_n3A_108, %eq3A_125 : vector<128x1792xi32>
    %jit3A_127 = arith.constant 0.000000e+00 : f32
    %broadcast_in_dim3A_128 = vector.broadcast %jit3A_127 : f32 to vector<128x1792xf32>
    %select_n3A_129 = arith.select %eq3A_126, %select_n3A_109, %broadcast_in_dim3A_128 : vector<128x1792xi1>, vector<128x1792xf32>
    %dot_general3A_130 = arith.constant dense<0.000000e+00> : vector<128x1xf32>
    %dot_general3A_131 = tpu.matmul %select_n3A_129, %broadcast_in_dim3A_27, %dot_general3A_130 {dimension_numbers = #tpu.dot_dimension_numbers<[1], [0], [0], [1], [0, 0, 1, 1], [], []>, transpose_lhs_hint = false} : vector<128x1792xf32>, vector<1792x1xf32>, vector<128x1xf32> -> vector<128x1xf32>
    %neg3A_132 = arith.constant 0.000000e+00 : f32
    %neg3A_133 = vector.broadcast %neg3A_132 : f32 to vector<128x1xf32>
    %neg3A_134 = arith.subf %neg3A_133, %dot_general3A_131 : vector<128x1xf32>
    %swap3A_135 = arith.constant 0 : index
    %swap3A_136 = arith.constant 3 : index
    %swap3A_137 = vector.load %arg4[%swap3A_135, %swap3A_136] : memref<128x32xf32, #tpu.memory_space<vmem>>, vector<128x1xf32>
    tpu.vector_store %arg4[%swap3A_135, %swap3A_136], %neg3A_134 {strides = array<i32>} : memref<128x32xf32, #tpu.memory_space<vmem>>, vector<128x1xf32>,
    %select_n3A_138 = arith.select %eq3A_126, %select_n3A_112, %select_n3A_108 : vector<128x1792xi1>, vector<128x1792xi32>
    %select_n3A_139 = arith.select %eq3A_126, %select_n3A_25, %select_n3A_109 : vector<128x1792xi1>, vector<128x1792xf32>
    %jit3A_140 = arith.constant 2147483647 : i32
    %broadcast_in_dim3A_141 = vector.broadcast %jit3A_140 : i32 to vector<128x1792xi32>
    %select_n3A_142 = arith.select %eq3A_126, %broadcast_in_dim3A_141, %select_n3A_112 : vector<128x1792xi1>, vector<128x1792xi32>
    %reduce_min3A_143 = arith.constant dense<2147483647> : vector<128xi32>
    %reduce_min3A_144 = vector.multi_reduction <minsi>, %select_n3A_138, %reduce_min3A_143 [1] : vector<128x1792xi32> to vector<128xi32>
    %broadcast_in_dim3A_145 = vector.shape_cast %reduce_min3A_144 : vector<128xi32> to vector<128x1xi32>
    %and3A_146 = arith.constant 4095 : i32
    %and3A_147 = vector.broadcast %and3A_146 : i32 to vector<128x1xi32>
    %and3A_148 = arith.andi %broadcast_in_dim3A_145, %and3A_147 : vector<128x1xi32>
    %add3A_149 = arith.constant 3584 : i32
    %add3A_150 = vector.broadcast %add3A_149 : i32 to vector<128x1xi32>
    %add3A_151 = arith.addi %and3A_148, %add3A_150 : vector<128x1xi32>
    %swap3A_152 = arith.constant 0 : index
    %swap3A_153 = arith.constant 4 : index
    %swap3A_154 = vector.load %arg3[%swap3A_152, %swap3A_153] : memref<128x32xi32, #tpu.memory_space<vmem>>, vector<128x1xi32>
    tpu.vector_store %arg3[%swap3A_152, %swap3A_153], %add3A_151 {strides = array<i32>} : memref<128x32xi32, #tpu.memory_space<vmem>>, vector<128x1xi32>,
    %eq3A_155 = vector.broadcast %broadcast_in_dim3A_145 : vector<128x1xi32> to vector<128x1792xi32>
    %eq3A_156 = arith.cmpi eq, %select_n3A_138, %eq3A_155 : vector<128x1792xi32>
    %jit3A_157 = arith.constant 0.000000e+00 : f32
    %broadcast_in_dim3A_158 = vector.broadcast %jit3A_157 : f32 to vector<128x1792xf32>
    %select_n3A_159 = arith.select %eq3A_156, %select_n3A_139, %broadcast_in_dim3A_158 : vector<128x1792xi1>, vector<128x1792xf32>
    %dot_general3A_160 = arith.constant dense<0.000000e+00> : vector<128x1xf32>
    %dot_general3A_161 = tpu.matmul %select_n3A_159, %broadcast_in_dim3A_27, %dot_general3A_160 {dimension_numbers = #tpu.dot_dimension_numbers<[1], [0], [0], [1], [0, 0, 1, 1], [], []>, transpose_lhs_hint = false} : vector<128x1792xf32>, vector<1792x1xf32>, vector<128x1xf32> -> vector<128x1xf32>
    %neg3A_162 = arith.constant 0.000000e+00 : f32
    %neg3A_163 = vector.broadcast %neg3A_162 : f32 to vector<128x1xf32>
    %neg3A_164 = arith.subf %neg3A_163, %dot_general3A_161 : vector<128x1xf32>
    %swap3A_165 = arith.constant 0 : index
    %swap3A_166 = arith.constant 4 : index
    %swap3A_167 = vector.load %arg4[%swap3A_165, %swap3A_166] : memref<128x32xf32, #tpu.memory_space<vmem>>, vector<128x1xf32>
    tpu.vector_store %arg4[%swap3A_165, %swap3A_166], %neg3A_164 {strides = array<i32>} : memref<128x32xf32, #tpu.memory_space<vmem>>, vector<128x1xf32>,
    %select_n3A_168 = arith.select %eq3A_156, %select_n3A_142, %select_n3A_138 : vector<128x1792xi1>, vector<128x1792xi32>
    %select_n3A_169 = arith.select %eq3A_156, %select_n3A_25, %select_n3A_139 : vector<128x1792xi1>, vector<128x1792xf32>
    %jit3A_170 = arith.constant 2147483647 : i32
    %broadcast_in_dim3A_171 = vector.broadcast %jit3A_170 : i32 to vector<128x1792xi32>
    %select_n3A_172 = arith.select %eq3A_156, %broadcast_in_dim3A_171, %select_n3A_142 : vector<128x1792xi1>, vector<128x1792xi32>
    %reduce_min3A_173 = arith.constant dense<2147483647> : vector<128xi32>
    %reduce_min3A_174 = vector.multi_reduction <minsi>, %select_n3A_168, %reduce_min3A_173 [1] : vector<128x1792xi32> to vector<128xi32>
    %broadcast_in_dim3A_175 = vector.shape_cast %reduce_min3A_174 : vector<128xi32> to vector<128x1xi32>
    %and3A_176 = arith.constant 4095 : i32
    %and3A_177 = vector.broadcast %and3A_176 : i32 to vector<128x1xi32>
    %and3A_178 = arith.andi %broadcast_in_dim3A_175, %and3A_177 : vector<128x1xi32>
    %add3A_179 = arith.constant 3584 : i32
    %add3A_180 = vector.broadcast %add3A_179 : i32 to vector<128x1xi32>
    %add3A_181 = arith.addi %and3A_178, %add3A_180 : vector<128x1xi32>
    %swap3A_182 = arith.constant 0 : index
    %swap3A_183 = arith.constant 5 : index
    %swap3A_184 = vector.load %arg3[%swap3A_182, %swap3A_183] : memref<128x32xi32, #tpu.memory_space<vmem>>, vector<128x1xi32>
    tpu.vector_store %arg3[%swap3A_182, %swap3A_183], %add3A_181 {strides = array<i32>} : memref<128x32xi32, #tpu.memory_space<vmem>>, vector<128x1xi32>,
    %eq3A_185 = vector.broadcast %broadcast_in_dim3A_175 : vector<128x1xi32> to vector<128x1792xi32>
    %eq3A_186 = arith.cmpi eq, %select_n3A_168, %eq3A_185 : vector<128x1792xi32>
    %jit3A_187 = arith.constant 0.000000e+00 : f32
    %broadcast_in_dim3A_188 = vector.broadcast %jit3A_187 : f32 to vector<128x1792xf32>
    %select_n3A_189 = arith.select %eq3A_186, %select_n3A_169, %broadcast_in_dim3A_188 : vector<128x1792xi1>, vector<128x1792xf32>
    %dot_general3A_190 = arith.constant dense<0.000000e+00> : vector<128x1xf32>
    %dot_general3A_191 = tpu.matmul %select_n3A_189, %broadcast_in_dim3A_27, %dot_general3A_190 {dimension_numbers = #tpu.dot_dimension_numbers<[1], [0], [0], [1], [0, 0, 1, 1], [], []>, transpose_lhs_hint = false} : vector<128x1792xf32>, vector<1792x1xf32>, vector<128x1xf32> -> vector<128x1xf32>
    %neg3A_192 = arith.constant 0.000000e+00 : f32
    %neg3A_193 = vector.broadcast %neg3A_192 : f32 to vector<128x1xf32>
    %neg3A_194 = arith.subf %neg3A_193, %dot_general3A_191 : vector<128x1xf32>
    %swap3A_195 = arith.constant 0 : index
    %swap3A_196 = arith.constant 5 : index
    %swap3A_197 = vector.load %arg4[%swap3A_195, %swap3A_196] : memref<128x32xf32, #tpu.memory_space<vmem>>, vector<128x1xf32>
    tpu.vector_store %arg4[%swap3A_195, %swap3A_196], %neg3A_194 {strides = array<i32>} : memref<128x32xf32, #tpu.memory_space<vmem>>, vector<128x1xf32>,
    %select_n3A_198 = arith.select %eq3A_186, %select_n3A_172, %select_n3A_168 : vector<128x1792xi1>, vector<128x1792xi32>
    %select_n3A_199 = arith.select %eq3A_186, %select_n3A_25, %select_n3A_169 : vector<128x1792xi1>, vector<128x1792xf32>
    %jit3A_200 = arith.constant 2147483647 : i32
    %broadcast_in_dim3A_201 = vector.broadcast %jit3A_200 : i32 to vector<128x1792xi32>
    %select_n3A_202 = arith.select %eq3A_186, %broadcast_in_dim3A_201, %select_n3A_172 : vector<128x1792xi1>, vector<128x1792xi32>
    %reduce_min3A_203 = arith.constant dense<2147483647> : vector<128xi32>
    %reduce_min3A_204 = vector.multi_reduction <minsi>, %select_n3A_198, %reduce_min3A_203 [1] : vector<128x1792xi32> to vector<128xi32>
    %broadcast_in_dim3A_205 = vector.shape_cast %reduce_min3A_204 : vector<128xi32> to vector<128x1xi32>
    %and3A_206 = arith.constant 4095 : i32
    %and3A_207 = vector.broadcast %and3A_206 : i32 to vector<128x1xi32>
    %and3A_208 = arith.andi %broadcast_in_dim3A_205, %and3A_207 : vector<128x1xi32>
    %add3A_209 = arith.constant 3584 : i32
    %add3A_210 = vector.broadcast %add3A_209 : i32 to vector<128x1xi32>
    %add3A_211 = arith.addi %and3A_208, %add3A_210 : vector<128x1xi32>
    %swap3A_212 = arith.constant 0 : index
    %swap3A_213 = arith.constant 6 : index
    %swap3A_214 = vector.load %arg3[%swap3A_212, %swap3A_213] : memref<128x32xi32, #tpu.memory_space<vmem>>, vector<128x1xi32>
    tpu.vector_store %arg3[%swap3A_212, %swap3A_213], %add3A_211 {strides = array<i32>} : memref<128x32xi32, #tpu.memory_space<vmem>>, vector<128x1xi32>,
    %eq3A_215 = vector.broadcast %broadcast_in_dim3A_205 : vector<128x1xi32> to vector<128x1792xi32>
    %eq3A_216 = arith.cmpi eq, %select_n3A_198, %eq3A_215 : vector<128x1792xi32>
    %jit3A_217 = arith.constant 0.000000e+00 : f32
    %broadcast_in_dim3A_218 = vector.broadcast %jit3A_217 : f32 to vector<128x1792xf32>
    %select_n3A_219 = arith.select %eq3A_216, %select_n3A_199, %broadcast_in_dim3A_218 : vector<128x1792xi1>, vector<128x1792xf32>
    %dot_general3A_220 = arith.constant dense<0.000000e+00> : vector<128x1xf32>
    %dot_general3A_221 = tpu.matmul %select_n3A_219, %broadcast_in_dim3A_27, %dot_general3A_220 {dimension_numbers = #tpu.dot_dimension_numbers<[1], [0], [0], [1], [0, 0, 1, 1], [], []>, transpose_lhs_hint = false} : vector<128x1792xf32>, vector<1792x1xf32>, vector<128x1xf32> -> vector<128x1xf32>
    %neg3A_222 = arith.constant 0.000000e+00 : f32
    %neg3A_223 = vector.broadcast %neg3A_222 : f32 to vector<128x1xf32>
    %neg3A_224 = arith.subf %neg3A_223, %dot_general3A_221 : vector<128x1xf32>
    %swap3A_225 = arith.constant 0 : index
    %swap3A_226 = arith.constant 6 : index
    %swap3A_227 = vector.load %arg4[%swap3A_225, %swap3A_226] : memref<128x32xf32, #tpu.memory_space<vmem>>, vector<128x1xf32>
    tpu.vector_store %arg4[%swap3A_225, %swap3A_226], %neg3A_224 {strides = array<i32>} : memref<128x32xf32, #tpu.memory_space<vmem>>, vector<128x1xf32>,
    %select_n3A_228 = arith.select %eq3A_216, %select_n3A_202, %select_n3A_198 : vector<128x1792xi1>, vector<128x1792xi32>
    %select_n3A_229 = arith.select %eq3A_216, %select_n3A_25, %select_n3A_199 : vector<128x1792xi1>, vector<128x1792xf32>
    %jit3A_230 = arith.constant 2147483647 : i32
    %broadcast_in_dim3A_231 = vector.broadcast %jit3A_230 : i32 to vector<128x1792xi32>
    %select_n3A_232 = arith.select %eq3A_216, %broadcast_in_dim3A_231, %select_n3A_202 : vector<128x1792xi1>, vector<128x1792xi32>
    %reduce_min3A_233 = arith.constant dense<2147483647> : vector<128xi32>
    %reduce_min3A_234 = vector.multi_reduction <minsi>, %select_n3A_228, %reduce_min3A_233 [1] : vector<128x1792xi32> to vector<128xi32>
    %broadcast_in_dim3A_235 = vector.shape_cast %reduce_min3A_234 : vector<128xi32> to vector<128x1xi32>
    %and3A_236 = arith.constant 4095 : i32
    %and3A_237 = vector.broadcast %and3A_236 : i32 to vector<128x1xi32>
    %and3A_238 = arith.andi %broadcast_in_dim3A_235, %and3A_237 : vector<128x1xi32>
    %add3A_239 = arith.constant 3584 : i32
    %add3A_240 = vector.broadcast %add3A_239 : i32 to vector<128x1xi32>
    %add3A_241 = arith.addi %and3A_238, %add3A_240 : vector<128x1xi32>
    %swap3A_242 = arith.constant 0 : index
    %swap3A_243 = arith.constant 7 : index
    %swap3A_244 = vector.load %arg3[%swap3A_242, %swap3A_243] : memref<128x32xi32, #tpu.memory_space<vmem>>, vector<128x1xi32>
    tpu.vector_store %arg3[%swap3A_242, %swap3A_243], %add3A_241 {strides = array<i32>} : memref<128x32xi32, #tpu.memory_space<vmem>>, vector<128x1xi32>,
    %eq3A_245 = vector.broadcast %broadcast_in_dim3A_235 : vector<128x1xi32> to vector<128x1792xi32>
    %eq3A_246 = arith.cmpi eq, %select_n3A_228, %eq3A_245 : vector<128x1792xi32>
    %jit3A_247 = arith.constant 0.000000e+00 : f32
    %broadcast_in_dim3A_248 = vector.broadcast %jit3A_247 : f32 to vector<128x1792xf32>
    %select_n3A_249 = arith.select %eq3A_246, %select_n3A_229, %broadcast_in_dim3A_248 : vector<128x1792xi1>, vector<128x1792xf32>
    %dot_general3A_250 = arith.constant dense<0.000000e+00> : vector<128x1xf32>
    %dot_general3A_251 = tpu.matmul %select_n3A_249, %broadcast_in_dim3A_27, %dot_general3A_250 {dimension_numbers = #tpu.dot_dimension_numbers<[1], [0], [0], [1], [0, 0, 1, 1], [], []>, transpose_lhs_hint = false} : vector<128x1792xf32>, vector<1792x1xf32>, vector<128x1xf32> -> vector<128x1xf32>
    %neg3A_252 = arith.constant 0.000000e+00 : f32
    %neg3A_253 = vector.broadcast %neg3A_252 : f32 to vector<128x1xf32>
    %neg3A_254 = arith.subf %neg3A_253, %dot_general3A_251 : vector<128x1xf32>
    %swap3A_255 = arith.constant 0 : index
    %swap3A_256 = arith.constant 7 : index
    %swap3A_257 = vector.load %arg4[%swap3A_255, %swap3A_256] : memref<128x32xf32, #tpu.memory_space<vmem>>, vector<128x1xf32>
    tpu.vector_store %arg4[%swap3A_255, %swap3A_256], %neg3A_254 {strides = array<i32>} : memref<128x32xf32, #tpu.memory_space<vmem>>, vector<128x1xf32>,
    %select_n3A_258 = arith.select %eq3A_246, %select_n3A_232, %select_n3A_228 : vector<128x1792xi1>, vector<128x1792xi32>
    %select_n3A_259 = arith.select %eq3A_246, %select_n3A_25, %select_n3A_229 : vector<128x1792xi1>, vector<128x1792xf32>
    %jit3A_260 = arith.constant 2147483647 : i32
    %broadcast_in_dim3A_261 = vector.broadcast %jit3A_260 : i32 to vector<128x1792xi32>
    %select_n3A_262 = arith.select %eq3A_246, %broadcast_in_dim3A_261, %select_n3A_232 : vector<128x1792xi1>, vector<128x1792xi32>
    %reduce_min3A_263 = arith.constant dense<2147483647> : vector<128xi32>
    %reduce_min3A_264 = vector.multi_reduction <minsi>, %select_n3A_258, %reduce_min3A_263 [1] : vector<128x1792xi32> to vector<128xi32>
    %broadcast_in_dim3A_265 = vector.shape_cast %reduce_min3A_264 : vector<128xi32> to vector<128x1xi32>
    %and3A_266 = arith.constant 4095 : i32
    %and3A_267 = vector.broadcast %and3A_266 : i32 to vector<128x1xi32>
    %and3A_268 = arith.andi %broadcast_in_dim3A_265, %and3A_267 : vector<128x1xi32>
    %add3A_269 = arith.constant 3584 : i32
    %add3A_270 = vector.broadcast %add3A_269 : i32 to vector<128x1xi32>
    %add3A_271 = arith.addi %and3A_268, %add3A_270 : vector<128x1xi32>
    %swap3A_272 = arith.constant 0 : index
    %swap3A_273 = arith.constant 8 : index
    %swap3A_274 = vector.load %arg3[%swap3A_272, %swap3A_273] : memref<128x32xi32, #tpu.memory_space<vmem>>, vector<128x1xi32>
    tpu.vector_store %arg3[%swap3A_272, %swap3A_273], %add3A_271 {strides = array<i32>} : memref<128x32xi32, #tpu.memory_space<vmem>>, vector<128x1xi32>,
    %eq3A_275 = vector.broadcast %broadcast_in_dim3A_265 : vector<128x1xi32> to vector<128x1792xi32>
    %eq3A_276 = arith.cmpi eq, %select_n3A_258, %eq3A_275 : vector<128x1792xi32>
    %jit3A_277 = arith.constant 0.000000e+00 : f32
    %broadcast_in_dim3A_278 = vector.broadcast %jit3A_277 : f32 to vector<128x1792xf32>
    %select_n3A_279 = arith.select %eq3A_276, %select_n3A_259, %broadcast_in_dim3A_278 : vector<128x1792xi1>, vector<128x1792xf32>
    %dot_general3A_280 = arith.constant dense<0.000000e+00> : vector<128x1xf32>
    %dot_general3A_281 = tpu.matmul %select_n3A_279, %broadcast_in_dim3A_27, %dot_general3A_280 {dimension_numbers = #tpu.dot_dimension_numbers<[1], [0], [0], [1], [0, 0, 1, 1], [], []>, transpose_lhs_hint = false} : vector<128x1792xf32>, vector<1792x1xf32>, vector<128x1xf32> -> vector<128x1xf32>
    %neg3A_282 = arith.constant 0.000000e+00 : f32
    %neg3A_283 = vector.broadcast %neg3A_282 : f32 to vector<128x1xf32>
    %neg3A_284 = arith.subf %neg3A_283, %dot_general3A_281 : vector<128x1xf32>
    %swap3A_285 = arith.constant 0 : index
    %swap3A_286 = arith.constant 8 : index
    %swap3A_287 = vector.load %arg4[%swap3A_285, %swap3A_286] : memref<128x32xf32, #tpu.memory_space<vmem>>, vector<128x1xf32>
    tpu.vector_store %arg4[%swap3A_285, %swap3A_286], %neg3A_284 {strides = array<i32>} : memref<128x32xf32, #tpu.memory_space<vmem>>, vector<128x1xf32>,
    %select_n3A_288 = arith.select %eq3A_276, %select_n3A_262, %select_n3A_258 : vector<128x1792xi1>, vector<128x1792xi32>
    %select_n3A_289 = arith.select %eq3A_276, %select_n3A_25, %select_n3A_259 : vector<128x1792xi1>, vector<128x1792xf32>
    %jit3A_290 = arith.constant 2147483647 : i32
    %broadcast_in_dim3A_291 = vector.broadcast %jit3A_290 : i32 to vector<128x1792xi32>
    %select_n3A_292 = arith.select %eq3A_276, %broadcast_in_dim3A_291, %select_n3A_262 : vector<128x1792xi1>, vector<128x1792xi32>
    %reduce_min3A_293 = arith.constant dense<2147483647> : vector<128xi32>
    %reduce_min3A_294 = vector.multi_reduction <minsi>, %select_n3A_288, %reduce_min3A_293 [1] : vector<128x1792xi32> to vector<128xi32>
    %broadcast_in_dim3A_295 = vector.shape_cast %reduce_min3A_294 : vector<128xi32> to vector<128x1xi32>
    %and3A_296 = arith.constant 4095 : i32
    %and3A_297 = vector.broadcast %and3A_296 : i32 to vector<128x1xi32>
    %and3A_298 = arith.andi %broadcast_in_dim3A_295, %and3A_297 : vector<128x1xi32>
    %add3A_299 = arith.constant 3584 : i32
    %add3A_300 = vector.broadcast %add3A_299 : i32 to vector<128x1xi32>
    %add3A_301 = arith.addi %and3A_298, %add3A_300 : vector<128x1xi32>
    %swap3A_302 = arith.constant 0 : index
    %swap3A_303 = arith.constant 9 : index
    %swap3A_304 = vector.load %arg3[%swap3A_302, %swap3A_303] : memref<128x32xi32, #tpu.memory_space<vmem>>, vector<128x1xi32>
    tpu.vector_store %arg3[%swap3A_302, %swap3A_303], %add3A_301 {strides = array<i32>} : memref<128x32xi32, #tpu.memory_space<vmem>>, vector<128x1xi32>,
    %eq3A_305 = vector.broadcast %broadcast_in_dim3A_295 : vector<128x1xi32> to vector<128x1792xi32>
    %eq3A_306 = arith.cmpi eq, %select_n3A_288, %eq3A_305 : vector<128x1792xi32>
    %jit3A_307 = arith.constant 0.000000e+00 : f32
    %broadcast_in_dim3A_308 = vector.broadcast %jit3A_307 : f32 to vector<128x1792xf32>
    %select_n3A_309 = arith.select %eq3A_306, %select_n3A_289, %broadcast_in_dim3A_308 : vector<128x1792xi1>, vector<128x1792xf32>
    %dot_general3A_310 = arith.constant dense<0.000000e+00> : vector<128x1xf32>
    %dot_general3A_311 = tpu.matmul %select_n3A_309, %broadcast_in_dim3A_27, %dot_general3A_310 {dimension_numbers = #tpu.dot_dimension_numbers<[1], [0], [0], [1], [0, 0, 1, 1], [], []>, transpose_lhs_hint = false} : vector<128x1792xf32>, vector<1792x1xf32>, vector<128x1xf32> -> vector<128x1xf32>
    %neg3A_312 = arith.constant 0.000000e+00 : f32
    %neg3A_313 = vector.broadcast %neg3A_312 : f32 to vector<128x1xf32>
    %neg3A_314 = arith.subf %neg3A_313, %dot_general3A_311 : vector<128x1xf32>
    %swap3A_315 = arith.constant 0 : index
    %swap3A_316 = arith.constant 9 : index
    %swap3A_317 = vector.load %arg4[%swap3A_315, %swap3A_316] : memref<128x32xf32, #tpu.memory_space<vmem>>, vector<128x1xf32>
    tpu.vector_store %arg4[%swap3A_315, %swap3A_316], %neg3A_314 {strides = array<i32>} : memref<128x32xf32, #tpu.memory_space<vmem>>, vector<128x1xf32>,
    %select_n3A_318 = arith.select %eq3A_306, %select_n3A_292, %select_n3A_288 : vector<128x1792xi1>, vector<128x1792xi32>
    %select_n3A_319 = arith.select %eq3A_306, %select_n3A_25, %select_n3A_289 : vector<128x1792xi1>, vector<128x1792xf32>
    %jit3A_320 = arith.constant 2147483647 : i32
    %broadcast_in_dim3A_321 = vector.broadcast %jit3A_320 : i32 to vector<128x1792xi32>
    %select_n3A_322 = arith.select %eq3A_306, %broadcast_in_dim3A_321, %select_n3A_292 : vector<128x1792xi1>, vector<128x1792xi32>
    %reduce_min3A_323 = arith.constant dense<2147483647> : vector<128xi32>
    %reduce_min3A_324 = vector.multi_reduction <minsi>, %select_n3A_318, %reduce_min3A_323 [1] : vector<128x1792xi32> to vector<128xi32>
    %broadcast_in_dim3A_325 = vector.shape_cast %reduce_min3A_324 : vector<128xi32> to vector<128x1xi32>
    %and3A_326 = arith.constant 4095 : i32
    %and3A_327 = vector.broadcast %and3A_326 : i32 to vector<128x1xi32>
    %and3A_328 = arith.andi %broadcast_in_dim3A_325, %and3A_327 : vector<128x1xi32>
    %add3A_329 = arith.constant 3584 : i32
    %add3A_330 = vector.broadcast %add3A_329 : i32 to vector<128x1xi32>
    %add3A_331 = arith.addi %and3A_328, %add3A_330 : vector<128x1xi32>
    %swap3A_332 = arith.constant 0 : index
    %swap3A_333 = arith.constant 10 : index
    %swap3A_334 = vector.load %arg3[%swap3A_332, %swap3A_333] : memref<128x32xi32, #tpu.memory_space<vmem>>, vector<128x1xi32>
    tpu.vector_store %arg3[%swap3A_332, %swap3A_333], %add3A_331 {strides = array<i32>} : memref<128x32xi32, #tpu.memory_space<vmem>>, vector<128x1xi32>,
    %eq3A_335 = vector.broadcast %broadcast_in_dim3A_325 : vector<128x1xi32> to vector<128x1792xi32>
    %eq3A_336 = arith.cmpi eq, %select_n3A_318, %eq3A_335 : vector<128x1792xi32>
    %jit3A_337 = arith.constant 0.000000e+00 : f32
    %broadcast_in_dim3A_338 = vector.broadcast %jit3A_337 : f32 to vector<128x1792xf32>
    %select_n3A_339 = arith.select %eq3A_336, %select_n3A_319, %broadcast_in_dim3A_338 : vector<128x1792xi1>, vector<128x1792xf32>
    %dot_general3A_340 = arith.constant dense<0.000000e+00> : vector<128x1xf32>
    %dot_general3A_341 = tpu.matmul %select_n3A_339, %broadcast_in_dim3A_27, %dot_general3A_340 {dimension_numbers = #tpu.dot_dimension_numbers<[1], [0], [0], [1], [0, 0, 1, 1], [], []>, transpose_lhs_hint = false} : vector<128x1792xf32>, vector<1792x1xf32>, vector<128x1xf32> -> vector<128x1xf32>
    %neg3A_342 = arith.constant 0.000000e+00 : f32
    %neg3A_343 = vector.broadcast %neg3A_342 : f32 to vector<128x1xf32>
    %neg3A_344 = arith.subf %neg3A_343, %dot_general3A_341 : vector<128x1xf32>
    %swap3A_345 = arith.constant 0 : index
    %swap3A_346 = arith.constant 10 : index
    %swap3A_347 = vector.load %arg4[%swap3A_345, %swap3A_346] : memref<128x32xf32, #tpu.memory_space<vmem>>, vector<128x1xf32>
    tpu.vector_store %arg4[%swap3A_345, %swap3A_346], %neg3A_344 {strides = array<i32>} : memref<128x32xf32, #tpu.memory_space<vmem>>, vector<128x1xf32>,
    %select_n3A_348 = arith.select %eq3A_336, %select_n3A_322, %select_n3A_318 : vector<128x1792xi1>, vector<128x1792xi32>
    %select_n3A_349 = arith.select %eq3A_336, %select_n3A_25, %select_n3A_319 : vector<128x1792xi1>, vector<128x1792xf32>
    %jit3A_350 = arith.constant 2147483647 : i32
    %broadcast_in_dim3A_351 = vector.broadcast %jit3A_350 : i32 to vector<128x1792xi32>
    %select_n3A_352 = arith.select %eq3A_336, %broadcast_in_dim3A_351, %select_n3A_322 : vector<128x1792xi1>, vector<128x1792xi32>
    %reduce_min3A_353 = arith.constant dense<2147483647> : vector<128xi32>
    %reduce_min3A_354 = vector.multi_reduction <minsi>, %select_n3A_348, %reduce_min3A_353 [1] : vector<128x1792xi32> to vector<128xi32>
    %broadcast_in_dim3A_355 = vector.shape_cast %reduce_min3A_354 : vector<128xi32> to vector<128x1xi32>
    %and3A_356 = arith.constant 4095 : i32
    %and3A_357 = vector.broadcast %and3A_356 : i32 to vector<128x1xi32>
    %and3A_358 = arith.andi %broadcast_in_dim3A_355, %and3A_357 : vector<128x1xi32>
    %add3A_359 = arith.constant 3584 : i32
    %add3A_360 = vector.broadcast %add3A_359 : i32 to vector<128x1xi32>
    %add3A_361 = arith.addi %and3A_358, %add3A_360 : vector<128x1xi32>
    %swap3A_362 = arith.constant 0 : index
    %swap3A_363 = arith.constant 11 : index
    %swap3A_364 = vector.load %arg3[%swap3A_362, %swap3A_363] : memref<128x32xi32, #tpu.memory_space<vmem>>, vector<128x1xi32>
    tpu.vector_store %arg3[%swap3A_362, %swap3A_363], %add3A_361 {strides = array<i32>} : memref<128x32xi32, #tpu.memory_space<vmem>>, vector<128x1xi32>,
    %eq3A_365 = vector.broadcast %broadcast_in_dim3A_355 : vector<128x1xi32> to vector<128x1792xi32>
    %eq3A_366 = arith.cmpi eq, %select_n3A_348, %eq3A_365 : vector<128x1792xi32>
    %jit3A_367 = arith.constant 0.000000e+00 : f32
    %broadcast_in_dim3A_368 = vector.broadcast %jit3A_367 : f32 to vector<128x1792xf32>
    %select_n3A_369 = arith.select %eq3A_366, %select_n3A_349, %broadcast_in_dim3A_368 : vector<128x1792xi1>, vector<128x1792xf32>
    %dot_general3A_370 = arith.constant dense<0.000000e+00> : vector<128x1xf32>
    %dot_general3A_371 = tpu.matmul %select_n3A_369, %broadcast_in_dim3A_27, %dot_general3A_370 {dimension_numbers = #tpu.dot_dimension_numbers<[1], [0], [0], [1], [0, 0, 1, 1], [], []>, transpose_lhs_hint = false} : vector<128x1792xf32>, vector<1792x1xf32>, vector<128x1xf32> -> vector<128x1xf32>
    %neg3A_372 = arith.constant 0.000000e+00 : f32
    %neg3A_373 = vector.broadcast %neg3A_372 : f32 to vector<128x1xf32>
    %neg3A_374 = arith.subf %neg3A_373, %dot_general3A_371 : vector<128x1xf32>
    %swap3A_375 = arith.constant 0 : index
    %swap3A_376 = arith.constant 11 : index
    %swap3A_377 = vector.load %arg4[%swap3A_375, %swap3A_376] : memref<128x32xf32, #tpu.memory_space<vmem>>, vector<128x1xf32>
    tpu.vector_store %arg4[%swap3A_375, %swap3A_376], %neg3A_374 {strides = array<i32>} : memref<128x32xf32, #tpu.memory_space<vmem>>, vector<128x1xf32>,
    %select_n3A_378 = arith.select %eq3A_366, %select_n3A_352, %select_n3A_348 : vector<128x1792xi1>, vector<128x1792xi32>
    %select_n3A_379 = arith.select %eq3A_366, %select_n3A_25, %select_n3A_349 : vector<128x1792xi1>, vector<128x1792xf32>
    %jit3A_380 = arith.constant 2147483647 : i32
    %broadcast_in_dim3A_381 = vector.broadcast %jit3A_380 : i32 to vector<128x1792xi32>
    %select_n3A_382 = arith.select %eq3A_366, %broadcast_in_dim3A_381, %select_n3A_352 : vector<128x1792xi1>, vector<128x1792xi32>
    %reduce_min3A_383 = arith.constant dense<2147483647> : vector<128xi32>
    %reduce_min3A_384 = vector.multi_reduction <minsi>, %select_n3A_378, %reduce_min3A_383 [1] : vector<128x1792xi32> to vector<128xi32>
    %broadcast_in_dim3A_385 = vector.shape_cast %reduce_min3A_384 : vector<128xi32> to vector<128x1xi32>
    %and3A_386 = arith.constant 4095 : i32
    %and3A_387 = vector.broadcast %and3A_386 : i32 to vector<128x1xi32>
    %and3A_388 = arith.andi %broadcast_in_dim3A_385, %and3A_387 : vector<128x1xi32>
    %add3A_389 = arith.constant 3584 : i32
    %add3A_390 = vector.broadcast %add3A_389 : i32 to vector<128x1xi32>
    %add3A_391 = arith.addi %and3A_388, %add3A_390 : vector<128x1xi32>
    %swap3A_392 = arith.constant 0 : index
    %swap3A_393 = arith.constant 12 : index
    %swap3A_394 = vector.load %arg3[%swap3A_392, %swap3A_393] : memref<128x32xi32, #tpu.memory_space<vmem>>, vector<128x1xi32>
    tpu.vector_store %arg3[%swap3A_392, %swap3A_393], %add3A_391 {strides = array<i32>} : memref<128x32xi32, #tpu.memory_space<vmem>>, vector<128x1xi32>,
    %eq3A_395 = vector.broadcast %broadcast_in_dim3A_385 : vector<128x1xi32> to vector<128x1792xi32>
    %eq3A_396 = arith.cmpi eq, %select_n3A_378, %eq3A_395 : vector<128x1792xi32>
    %jit3A_397 = arith.constant 0.000000e+00 : f32
    %broadcast_in_dim3A_398 = vector.broadcast %jit3A_397 : f32 to vector<128x1792xf32>
    %select_n3A_399 = arith.select %eq3A_396, %select_n3A_379, %broadcast_in_dim3A_398 : vector<128x1792xi1>, vector<128x1792xf32>
    %dot_general3A_400 = arith.constant dense<0.000000e+00> : vector<128x1xf32>
    %dot_general3A_401 = tpu.matmul %select_n3A_399, %broadcast_in_dim3A_27, %dot_general3A_400 {dimension_numbers = #tpu.dot_dimension_numbers<[1], [0], [0], [1], [0, 0, 1, 1], [], []>, transpose_lhs_hint = false} : vector<128x1792xf32>, vector<1792x1xf32>, vector<128x1xf32> -> vector<128x1xf32>
    %neg3A_402 = arith.constant 0.000000e+00 : f32
    %neg3A_403 = vector.broadcast %neg3A_402 : f32 to vector<128x1xf32>
    %neg3A_404 = arith.subf %neg3A_403, %dot_general3A_401 : vector<128x1xf32>
    %swap3A_405 = arith.constant 0 : index
    %swap3A_406 = arith.constant 12 : index
    %swap3A_407 = vector.load %arg4[%swap3A_405, %swap3A_406] : memref<128x32xf32, #tpu.memory_space<vmem>>, vector<128x1xf32>
    tpu.vector_store %arg4[%swap3A_405, %swap3A_406], %neg3A_404 {strides = array<i32>} : memref<128x32xf32, #tpu.memory_space<vmem>>, vector<128x1xf32>,
    %select_n3A_408 = arith.select %eq3A_396, %select_n3A_382, %select_n3A_378 : vector<128x1792xi1>, vector<128x1792xi32>
    %select_n3A_409 = arith.select %eq3A_396, %select_n3A_25, %select_n3A_379 : vector<128x1792xi1>, vector<128x1792xf32>
    %jit3A_410 = arith.constant 2147483647 : i32
    %broadcast_in_dim3A_411 = vector.broadcast %jit3A_410 : i32 to vector<128x1792xi32>
    %select_n3A_412 = arith.select %eq3A_396, %broadcast_in_dim3A_411, %select_n3A_382 : vector<128x1792xi1>, vector<128x1792xi32>
    %reduce_min3A_413 = arith.constant dense<2147483647> : vector<128xi32>
    %reduce_min3A_414 = vector.multi_reduction <minsi>, %select_n3A_408, %reduce_min3A_413 [1] : vector<128x1792xi32> to vector<128xi32>
    %broadcast_in_dim3A_415 = vector.shape_cast %reduce_min3A_414 : vector<128xi32> to vector<128x1xi32>
    %and3A_416 = arith.constant 4095 : i32
    %and3A_417 = vector.broadcast %and3A_416 : i32 to vector<128x1xi32>
    %and3A_418 = arith.andi %broadcast_in_dim3A_415, %and3A_417 : vector<128x1xi32>
    %add3A_419 = arith.constant 3584 : i32
    %add3A_420 = vector.broadcast %add3A_419 : i32 to vector<128x1xi32>
    %add3A_421 = arith.addi %and3A_418, %add3A_420 : vector<128x1xi32>
    %swap3A_422 = arith.constant 0 : index
    %swap3A_423 = arith.constant 13 : index
    %swap3A_424 = vector.load %arg3[%swap3A_422, %swap3A_423] : memref<128x32xi32, #tpu.memory_space<vmem>>, vector<128x1xi32>
    tpu.vector_store %arg3[%swap3A_422, %swap3A_423], %add3A_421 {strides = array<i32>} : memref<128x32xi32, #tpu.memory_space<vmem>>, vector<128x1xi32>,
    %eq3A_425 = vector.broadcast %broadcast_in_dim3A_415 : vector<128x1xi32> to vector<128x1792xi32>
    %eq3A_426 = arith.cmpi eq, %select_n3A_408, %eq3A_425 : vector<128x1792xi32>
    %jit3A_427 = arith.constant 0.000000e+00 : f32
    %broadcast_in_dim3A_428 = vector.broadcast %jit3A_427 : f32 to vector<128x1792xf32>
    %select_n3A_429 = arith.select %eq3A_426, %select_n3A_409, %broadcast_in_dim3A_428 : vector<128x1792xi1>, vector<128x1792xf32>
    %dot_general3A_430 = arith.constant dense<0.000000e+00> : vector<128x1xf32>
    %dot_general3A_431 = tpu.matmul %select_n3A_429, %broadcast_in_dim3A_27, %dot_general3A_430 {dimension_numbers = #tpu.dot_dimension_numbers<[1], [0], [0], [1], [0, 0, 1, 1], [], []>, transpose_lhs_hint = false} : vector<128x1792xf32>, vector<1792x1xf32>, vector<128x1xf32> -> vector<128x1xf32>
    %neg3A_432 = arith.constant 0.000000e+00 : f32
    %neg3A_433 = vector.broadcast %neg3A_432 : f32 to vector<128x1xf32>
    %neg3A_434 = arith.subf %neg3A_433, %dot_general3A_431 : vector<128x1xf32>
    %swap3A_435 = arith.constant 0 : index
    %swap3A_436 = arith.constant 13 : index
    %swap3A_437 = vector.load %arg4[%swap3A_435, %swap3A_436] : memref<128x32xf32, #tpu.memory_space<vmem>>, vector<128x1xf32>
    tpu.vector_store %arg4[%swap3A_435, %swap3A_436], %neg3A_434 {strides = array<i32>} : memref<128x32xf32, #tpu.memory_space<vmem>>, vector<128x1xf32>,
    %select_n3A_438 = arith.select %eq3A_426, %select_n3A_412, %select_n3A_408 : vector<128x1792xi1>, vector<128x1792xi32>
    %select_n3A_439 = arith.select %eq3A_426, %select_n3A_25, %select_n3A_409 : vector<128x1792xi1>, vector<128x1792xf32>
    %jit3A_440 = arith.constant 2147483647 : i32
    %broadcast_in_dim3A_441 = vector.broadcast %jit3A_440 : i32 to vector<128x1792xi32>
    %select_n3A_442 = arith.select %eq3A_426, %broadcast_in_dim3A_441, %select_n3A_412 : vector<128x1792xi1>, vector<128x1792xi32>
    %reduce_min3A_443 = arith.constant dense<2147483647> : vector<128xi32>
    %reduce_min3A_444 = vector.multi_reduction <minsi>, %select_n3A_438, %reduce_min3A_443 [1] : vector<128x1792xi32> to vector<128xi32>
    %broadcast_in_dim3A_445 = vector.shape_cast %reduce_min3A_444 : vector<128xi32> to vector<128x1xi32>
    %and3A_446 = arith.constant 4095 : i32
    %and3A_447 = vector.broadcast %and3A_446 : i32 to vector<128x1xi32>
    %and3A_448 = arith.andi %broadcast_in_dim3A_445, %and3A_447 : vector<128x1xi32>
    %add3A_449 = arith.constant 3584 : i32
    %add3A_450 = vector.broadcast %add3A_449 : i32 to vector<128x1xi32>
    %add3A_451 = arith.addi %and3A_448, %add3A_450 : vector<128x1xi32>
    %swap3A_452 = arith.constant 0 : index
    %swap3A_453 = arith.constant 14 : index
    %swap3A_454 = vector.load %arg3[%swap3A_452, %swap3A_453] : memref<128x32xi32, #tpu.memory_space<vmem>>, vector<128x1xi32>
    tpu.vector_store %arg3[%swap3A_452, %swap3A_453], %add3A_451 {strides = array<i32>} : memref<128x32xi32, #tpu.memory_space<vmem>>, vector<128x1xi32>,
    %eq3A_455 = vector.broadcast %broadcast_in_dim3A_445 : vector<128x1xi32> to vector<128x1792xi32>
    %eq3A_456 = arith.cmpi eq, %select_n3A_438, %eq3A_455 : vector<128x1792xi32>
    %jit3A_457 = arith.constant 0.000000e+00 : f32
    %broadcast_in_dim3A_458 = vector.broadcast %jit3A_457 : f32 to vector<128x1792xf32>
    %select_n3A_459 = arith.select %eq3A_456, %select_n3A_439, %broadcast_in_dim3A_458 : vector<128x1792xi1>, vector<128x1792xf32>
    %dot_general3A_460 = arith.constant dense<0.000000e+00> : vector<128x1xf32>
    %dot_general3A_461 = tpu.matmul %select_n3A_459, %broadcast_in_dim3A_27, %dot_general3A_460 {dimension_numbers = #tpu.dot_dimension_numbers<[1], [0], [0], [1], [0, 0, 1, 1], [], []>, transpose_lhs_hint = false} : vector<128x1792xf32>, vector<1792x1xf32>, vector<128x1xf32> -> vector<128x1xf32>
    %neg3A_462 = arith.constant 0.000000e+00 : f32
    %neg3A_463 = vector.broadcast %neg3A_462 : f32 to vector<128x1xf32>
    %neg3A_464 = arith.subf %neg3A_463, %dot_general3A_461 : vector<128x1xf32>
    %swap3A_465 = arith.constant 0 : index
    %swap3A_466 = arith.constant 14 : index
    %swap3A_467 = vector.load %arg4[%swap3A_465, %swap3A_466] : memref<128x32xf32, #tpu.memory_space<vmem>>, vector<128x1xf32>
    tpu.vector_store %arg4[%swap3A_465, %swap3A_466], %neg3A_464 {strides = array<i32>} : memref<128x32xf32, #tpu.memory_space<vmem>>, vector<128x1xf32>,
    %select_n3A_468 = arith.select %eq3A_456, %select_n3A_442, %select_n3A_438 : vector<128x1792xi1>, vector<128x1792xi32>
    %select_n3A_469 = arith.select %eq3A_456, %select_n3A_25, %select_n3A_439 : vector<128x1792xi1>, vector<128x1792xf32>
    %jit3A_470 = arith.constant 2147483647 : i32
    %broadcast_in_dim3A_471 = vector.broadcast %jit3A_470 : i32 to vector<128x1792xi32>
    %select_n3A_472 = arith.select %eq3A_456, %broadcast_in_dim3A_471, %select_n3A_442 : vector<128x1792xi1>, vector<128x1792xi32>
    %reduce_min3A_473 = arith.constant dense<2147483647> : vector<128xi32>
    %reduce_min3A_474 = vector.multi_reduction <minsi>, %select_n3A_468, %reduce_min3A_473 [1] : vector<128x1792xi32> to vector<128xi32>
    %broadcast_in_dim3A_475 = vector.shape_cast %reduce_min3A_474 : vector<128xi32> to vector<128x1xi32>
    %and3A_476 = arith.constant 4095 : i32
    %and3A_477 = vector.broadcast %and3A_476 : i32 to vector<128x1xi32>
    %and3A_478 = arith.andi %broadcast_in_dim3A_475, %and3A_477 : vector<128x1xi32>
    %add3A_479 = arith.constant 3584 : i32
    %add3A_480 = vector.broadcast %add3A_479 : i32 to vector<128x1xi32>
    %add3A_481 = arith.addi %and3A_478, %add3A_480 : vector<128x1xi32>
    %swap3A_482 = arith.constant 0 : index
    %swap3A_483 = arith.constant 15 : index
    %swap3A_484 = vector.load %arg3[%swap3A_482, %swap3A_483] : memref<128x32xi32, #tpu.memory_space<vmem>>, vector<128x1xi32>
    tpu.vector_store %arg3[%swap3A_482, %swap3A_483], %add3A_481 {strides = array<i32>} : memref<128x32xi32, #tpu.memory_space<vmem>>, vector<128x1xi32>,
    %eq3A_485 = vector.broadcast %broadcast_in_dim3A_475 : vector<128x1xi32> to vector<128x1792xi32>
    %eq3A_486 = arith.cmpi eq, %select_n3A_468, %eq3A_485 : vector<128x1792xi32>
    %jit3A_487 = arith.constant 0.000000e+00 : f32
    %broadcast_in_dim3A_488 = vector.broadcast %jit3A_487 : f32 to vector<128x1792xf32>
    %select_n3A_489 = arith.select %eq3A_486, %select_n3A_469, %broadcast_in_dim3A_488 : vector<128x1792xi1>, vector<128x1792xf32>
    %dot_general3A_490 = arith.constant dense<0.000000e+00> : vector<128x1xf32>
    %dot_general3A_491 = tpu.matmul %select_n3A_489, %broadcast_in_dim3A_27, %dot_general3A_490 {dimension_numbers = #tpu.dot_dimension_numbers<[1], [0], [0], [1], [0, 0, 1, 1], [], []>, transpose_lhs_hint = false} : vector<128x1792xf32>, vector<1792x1xf32>, vector<128x1xf32> -> vector<128x1xf32>
    %neg3A_492 = arith.constant 0.000000e+00 : f32
    %neg3A_493 = vector.broadcast %neg3A_492 : f32 to vector<128x1xf32>
    %neg3A_494 = arith.subf %neg3A_493, %dot_general3A_491 : vector<128x1xf32>
    %swap3A_495 = arith.constant 0 : index
    %swap3A_496 = arith.constant 15 : index
    %swap3A_497 = vector.load %arg4[%swap3A_495, %swap3A_496] : memref<128x32xf32, #tpu.memory_space<vmem>>, vector<128x1xf32>
    tpu.vector_store %arg4[%swap3A_495, %swap3A_496], %neg3A_494 {strides = array<i32>} : memref<128x32xf32, #tpu.memory_space<vmem>>, vector<128x1xf32>,
    %select_n3A_498 = arith.select %eq3A_486, %select_n3A_472, %select_n3A_468 : vector<128x1792xi1>, vector<128x1792xi32>
    %select_n3A_499 = arith.select %eq3A_486, %select_n3A_25, %select_n3A_469 : vector<128x1792xi1>, vector<128x1792xf32>
    %jit3A_500 = arith.constant 2147483647 : i32
    %broadcast_in_dim3A_501 = vector.broadcast %jit3A_500 : i32 to vector<128x1792xi32>
    %select_n3A_502 = arith.select %eq3A_486, %broadcast_in_dim3A_501, %select_n3A_472 : vector<128x1792xi1>, vector<128x1792xi32>
    %reduce_min3A_503 = arith.constant dense<2147483647> : vector<128xi32>
    %reduce_min3A_504 = vector.multi_reduction <minsi>, %select_n3A_498, %reduce_min3A_503 [1] : vector<128x1792xi32> to vector<128xi32>
    %broadcast_in_dim3A_505 = vector.shape_cast %reduce_min3A_504 : vector<128xi32> to vector<128x1xi32>
    %and3A_506 = arith.constant 4095 : i32
    %and3A_507 = vector.broadcast %and3A_506 : i32 to vector<128x1xi32>
    %and3A_508 = arith.andi %broadcast_in_dim3A_505, %and3A_507 : vector<128x1xi32>
    %add3A_509 = arith.constant 3584 : i32
    %add3A_510 = vector.broadcast %add3A_509 : i32 to vector<128x1xi32>
    %add3A_511 = arith.addi %and3A_508, %add3A_510 : vector<128x1xi32>
    %swap3A_512 = arith.constant 0 : index
    %swap3A_513 = arith.constant 16 : index
    %swap3A_514 = vector.load %arg3[%swap3A_512, %swap3A_513] : memref<128x32xi32, #tpu.memory_space<vmem>>, vector<128x1xi32>
    tpu.vector_store %arg3[%swap3A_512, %swap3A_513], %add3A_511 {strides = array<i32>} : memref<128x32xi32, #tpu.memory_space<vmem>>, vector<128x1xi32>,
    %eq3A_515 = vector.broadcast %broadcast_in_dim3A_505 : vector<128x1xi32> to vector<128x1792xi32>
    %eq3A_516 = arith.cmpi eq, %select_n3A_498, %eq3A_515 : vector<128x1792xi32>
    %jit3A_517 = arith.constant 0.000000e+00 : f32
    %broadcast_in_dim3A_518 = vector.broadcast %jit3A_517 : f32 to vector<128x1792xf32>
    %select_n3A_519 = arith.select %eq3A_516, %select_n3A_499, %broadcast_in_dim3A_518 : vector<128x1792xi1>, vector<128x1792xf32>
    %dot_general3A_520 = arith.constant dense<0.000000e+00> : vector<128x1xf32>
    %dot_general3A_521 = tpu.matmul %select_n3A_519, %broadcast_in_dim3A_27, %dot_general3A_520 {dimension_numbers = #tpu.dot_dimension_numbers<[1], [0], [0], [1], [0, 0, 1, 1], [], []>, transpose_lhs_hint = false} : vector<128x1792xf32>, vector<1792x1xf32>, vector<128x1xf32> -> vector<128x1xf32>
    %neg3A_522 = arith.constant 0.000000e+00 : f32
    %neg3A_523 = vector.broadcast %neg3A_522 : f32 to vector<128x1xf32>
    %neg3A_524 = arith.subf %neg3A_523, %dot_general3A_521 : vector<128x1xf32>
    %swap3A_525 = arith.constant 0 : index
    %swap3A_526 = arith.constant 16 : index
    %swap3A_527 = vector.load %arg4[%swap3A_525, %swap3A_526] : memref<128x32xf32, #tpu.memory_space<vmem>>, vector<128x1xf32>
    tpu.vector_store %arg4[%swap3A_525, %swap3A_526], %neg3A_524 {strides = array<i32>} : memref<128x32xf32, #tpu.memory_space<vmem>>, vector<128x1xf32>,
    %select_n3A_528 = arith.select %eq3A_516, %select_n3A_502, %select_n3A_498 : vector<128x1792xi1>, vector<128x1792xi32>
    %select_n3A_529 = arith.select %eq3A_516, %select_n3A_25, %select_n3A_499 : vector<128x1792xi1>, vector<128x1792xf32>
    %jit3A_530 = arith.constant 2147483647 : i32
    %broadcast_in_dim3A_531 = vector.broadcast %jit3A_530 : i32 to vector<128x1792xi32>
    %select_n3A_532 = arith.select %eq3A_516, %broadcast_in_dim3A_531, %select_n3A_502 : vector<128x1792xi1>, vector<128x1792xi32>
    %reduce_min3A_533 = arith.constant dense<2147483647> : vector<128xi32>
    %reduce_min3A_534 = vector.multi_reduction <minsi>, %select_n3A_528, %reduce_min3A_533 [1] : vector<128x1792xi32> to vector<128xi32>
    %broadcast_in_dim3A_535 = vector.shape_cast %reduce_min3A_534 : vector<128xi32> to vector<128x1xi32>
    %and3A_536 = arith.constant 4095 : i32
    %and3A_537 = vector.broadcast %and3A_536 : i32 to vector<128x1xi32>
    %and3A_538 = arith.andi %broadcast_in_dim3A_535, %and3A_537 : vector<128x1xi32>
    %add3A_539 = arith.constant 3584 : i32
    %add3A_540 = vector.broadcast %add3A_539 : i32 to vector<128x1xi32>
    %add3A_541 = arith.addi %and3A_538, %add3A_540 : vector<128x1xi32>
    %swap3A_542 = arith.constant 0 : index
    %swap3A_543 = arith.constant 17 : index
    %swap3A_544 = vector.load %arg3[%swap3A_542, %swap3A_543] : memref<128x32xi32, #tpu.memory_space<vmem>>, vector<128x1xi32>
    tpu.vector_store %arg3[%swap3A_542, %swap3A_543], %add3A_541 {strides = array<i32>} : memref<128x32xi32, #tpu.memory_space<vmem>>, vector<128x1xi32>,
    %eq3A_545 = vector.broadcast %broadcast_in_dim3A_535 : vector<128x1xi32> to vector<128x1792xi32>
    %eq3A_546 = arith.cmpi eq, %select_n3A_528, %eq3A_545 : vector<128x1792xi32>
    %jit3A_547 = arith.constant 0.000000e+00 : f32
    %broadcast_in_dim3A_548 = vector.broadcast %jit3A_547 : f32 to vector<128x1792xf32>
    %select_n3A_549 = arith.select %eq3A_546, %select_n3A_529, %broadcast_in_dim3A_548 : vector<128x1792xi1>, vector<128x1792xf32>
    %dot_general3A_550 = arith.constant dense<0.000000e+00> : vector<128x1xf32>
    %dot_general3A_551 = tpu.matmul %select_n3A_549, %broadcast_in_dim3A_27, %dot_general3A_550 {dimension_numbers = #tpu.dot_dimension_numbers<[1], [0], [0], [1], [0, 0, 1, 1], [], []>, transpose_lhs_hint = false} : vector<128x1792xf32>, vector<1792x1xf32>, vector<128x1xf32> -> vector<128x1xf32>
    %neg3A_552 = arith.constant 0.000000e+00 : f32
    %neg3A_553 = vector.broadcast %neg3A_552 : f32 to vector<128x1xf32>
    %neg3A_554 = arith.subf %neg3A_553, %dot_general3A_551 : vector<128x1xf32>
    %swap3A_555 = arith.constant 0 : index
    %swap3A_556 = arith.constant 17 : index
    %swap3A_557 = vector.load %arg4[%swap3A_555, %swap3A_556] : memref<128x32xf32, #tpu.memory_space<vmem>>, vector<128x1xf32>
    tpu.vector_store %arg4[%swap3A_555, %swap3A_556], %neg3A_554 {strides = array<i32>} : memref<128x32xf32, #tpu.memory_space<vmem>>, vector<128x1xf32>,
    %select_n3A_558 = arith.select %eq3A_546, %select_n3A_532, %select_n3A_528 : vector<128x1792xi1>, vector<128x1792xi32>
    %select_n3A_559 = arith.select %eq3A_546, %select_n3A_25, %select_n3A_529 : vector<128x1792xi1>, vector<128x1792xf32>
    %jit3A_560 = arith.constant 2147483647 : i32
    %broadcast_in_dim3A_561 = vector.broadcast %jit3A_560 : i32 to vector<128x1792xi32>
    %select_n3A_562 = arith.select %eq3A_546, %broadcast_in_dim3A_561, %select_n3A_532 : vector<128x1792xi1>, vector<128x1792xi32>
    %reduce_min3A_563 = arith.constant dense<2147483647> : vector<128xi32>
    %reduce_min3A_564 = vector.multi_reduction <minsi>, %select_n3A_558, %reduce_min3A_563 [1] : vector<128x1792xi32> to vector<128xi32>
    %broadcast_in_dim3A_565 = vector.shape_cast %reduce_min3A_564 : vector<128xi32> to vector<128x1xi32>
    %and3A_566 = arith.constant 4095 : i32
    %and3A_567 = vector.broadcast %and3A_566 : i32 to vector<128x1xi32>
    %and3A_568 = arith.andi %broadcast_in_dim3A_565, %and3A_567 : vector<128x1xi32>
    %add3A_569 = arith.constant 3584 : i32
    %add3A_570 = vector.broadcast %add3A_569 : i32 to vector<128x1xi32>
    %add3A_571 = arith.addi %and3A_568, %add3A_570 : vector<128x1xi32>
    %swap3A_572 = arith.constant 0 : index
    %swap3A_573 = arith.constant 18 : index
    %swap3A_574 = vector.load %arg3[%swap3A_572, %swap3A_573] : memref<128x32xi32, #tpu.memory_space<vmem>>, vector<128x1xi32>
    tpu.vector_store %arg3[%swap3A_572, %swap3A_573], %add3A_571 {strides = array<i32>} : memref<128x32xi32, #tpu.memory_space<vmem>>, vector<128x1xi32>,
    %eq3A_575 = vector.broadcast %broadcast_in_dim3A_565 : vector<128x1xi32> to vector<128x1792xi32>
    %eq3A_576 = arith.cmpi eq, %select_n3A_558, %eq3A_575 : vector<128x1792xi32>
    %jit3A_577 = arith.constant 0.000000e+00 : f32
    %broadcast_in_dim3A_578 = vector.broadcast %jit3A_577 : f32 to vector<128x1792xf32>
    %select_n3A_579 = arith.select %eq3A_576, %select_n3A_559, %broadcast_in_dim3A_578 : vector<128x1792xi1>, vector<128x1792xf32>
    %dot_general3A_580 = arith.constant dense<0.000000e+00> : vector<128x1xf32>
    %dot_general3A_581 = tpu.matmul %select_n3A_579, %broadcast_in_dim3A_27, %dot_general3A_580 {dimension_numbers = #tpu.dot_dimension_numbers<[1], [0], [0], [1], [0, 0, 1, 1], [], []>, transpose_lhs_hint = false} : vector<128x1792xf32>, vector<1792x1xf32>, vector<128x1xf32> -> vector<128x1xf32>
    %neg3A_582 = arith.constant 0.000000e+00 : f32
    %neg3A_583 = vector.broadcast %neg3A_582 : f32 to vector<128x1xf32>
    %neg3A_584 = arith.subf %neg3A_583, %dot_general3A_581 : vector<128x1xf32>
    %swap3A_585 = arith.constant 0 : index
    %swap3A_586 = arith.constant 18 : index
    %swap3A_587 = vector.load %arg4[%swap3A_585, %swap3A_586] : memref<128x32xf32, #tpu.memory_space<vmem>>, vector<128x1xf32>
    tpu.vector_store %arg4[%swap3A_585, %swap3A_586], %neg3A_584 {strides = array<i32>} : memref<128x32xf32, #tpu.memory_space<vmem>>, vector<128x1xf32>,
    %select_n3A_588 = arith.select %eq3A_576, %select_n3A_562, %select_n3A_558 : vector<128x1792xi1>, vector<128x1792xi32>
    %select_n3A_589 = arith.select %eq3A_576, %select_n3A_25, %select_n3A_559 : vector<128x1792xi1>, vector<128x1792xf32>
    %jit3A_590 = arith.constant 2147483647 : i32
    %broadcast_in_dim3A_591 = vector.broadcast %jit3A_590 : i32 to vector<128x1792xi32>
    %select_n3A_592 = arith.select %eq3A_576, %broadcast_in_dim3A_591, %select_n3A_562 : vector<128x1792xi1>, vector<128x1792xi32>
    %reduce_min3A_593 = arith.constant dense<2147483647> : vector<128xi32>
    %reduce_min3A_594 = vector.multi_reduction <minsi>, %select_n3A_588, %reduce_min3A_593 [1] : vector<128x1792xi32> to vector<128xi32>
    %broadcast_in_dim3A_595 = vector.shape_cast %reduce_min3A_594 : vector<128xi32> to vector<128x1xi32>
    %and3A_596 = arith.constant 4095 : i32
    %and3A_597 = vector.broadcast %and3A_596 : i32 to vector<128x1xi32>
    %and3A_598 = arith.andi %broadcast_in_dim3A_595, %and3A_597 : vector<128x1xi32>
    %add3A_599 = arith.constant 3584 : i32
    %add3A_600 = vector.broadcast %add3A_599 : i32 to vector<128x1xi32>
    %add3A_601 = arith.addi %and3A_598, %add3A_600 : vector<128x1xi32>
    %swap3A_602 = arith.constant 0 : index
    %swap3A_603 = arith.constant 19 : index
    %swap3A_604 = vector.load %arg3[%swap3A_602, %swap3A_603] : memref<128x32xi32, #tpu.memory_space<vmem>>, vector<128x1xi32>
    tpu.vector_store %arg3[%swap3A_602, %swap3A_603], %add3A_601 {strides = array<i32>} : memref<128x32xi32, #tpu.memory_space<vmem>>, vector<128x1xi32>,
    %eq3A_605 = vector.broadcast %broadcast_in_dim3A_595 : vector<128x1xi32> to vector<128x1792xi32>
    %eq3A_606 = arith.cmpi eq, %select_n3A_588, %eq3A_605 : vector<128x1792xi32>
    %jit3A_607 = arith.constant 0.000000e+00 : f32
    %broadcast_in_dim3A_608 = vector.broadcast %jit3A_607 : f32 to vector<128x1792xf32>
    %select_n3A_609 = arith.select %eq3A_606, %select_n3A_589, %broadcast_in_dim3A_608 : vector<128x1792xi1>, vector<128x1792xf32>
    %dot_general3A_610 = arith.constant dense<0.000000e+00> : vector<128x1xf32>
    %dot_general3A_611 = tpu.matmul %select_n3A_609, %broadcast_in_dim3A_27, %dot_general3A_610 {dimension_numbers = #tpu.dot_dimension_numbers<[1], [0], [0], [1], [0, 0, 1, 1], [], []>, transpose_lhs_hint = false} : vector<128x1792xf32>, vector<1792x1xf32>, vector<128x1xf32> -> vector<128x1xf32>
    %neg3A_612 = arith.constant 0.000000e+00 : f32
    %neg3A_613 = vector.broadcast %neg3A_612 : f32 to vector<128x1xf32>
    %neg3A_614 = arith.subf %neg3A_613, %dot_general3A_611 : vector<128x1xf32>
    %swap3A_615 = arith.constant 0 : index
    %swap3A_616 = arith.constant 19 : index
    %swap3A_617 = vector.load %arg4[%swap3A_615, %swap3A_616] : memref<128x32xf32, #tpu.memory_space<vmem>>, vector<128x1xf32>
    tpu.vector_store %arg4[%swap3A_615, %swap3A_616], %neg3A_614 {strides = array<i32>} : memref<128x32xf32, #tpu.memory_space<vmem>>, vector<128x1xf32>,
    %select_n3A_618 = arith.select %eq3A_606, %select_n3A_592, %select_n3A_588 : vector<128x1792xi1>, vector<128x1792xi32>
    %select_n3A_619 = arith.select %eq3A_606, %select_n3A_25, %select_n3A_589 : vector<128x1792xi1>, vector<128x1792xf32>
    %jit3A_620 = arith.constant 2147483647 : i32
    %broadcast_in_dim3A_621 = vector.broadcast %jit3A_620 : i32 to vector<128x1792xi32>
    %select_n3A_622 = arith.select %eq3A_606, %broadcast_in_dim3A_621, %select_n3A_592 : vector<128x1792xi1>, vector<128x1792xi32>
    %reduce_min3A_623 = arith.constant dense<2147483647> : vector<128xi32>
    %reduce_min3A_624 = vector.multi_reduction <minsi>, %select_n3A_618, %reduce_min3A_623 [1] : vector<128x1792xi32> to vector<128xi32>
    %broadcast_in_dim3A_625 = vector.shape_cast %reduce_min3A_624 : vector<128xi32> to vector<128x1xi32>
    %and3A_626 = arith.constant 4095 : i32
    %and3A_627 = vector.broadcast %and3A_626 : i32 to vector<128x1xi32>
    %and3A_628 = arith.andi %broadcast_in_dim3A_625, %and3A_627 : vector<128x1xi32>
    %add3A_629 = arith.constant 3584 : i32
    %add3A_630 = vector.broadcast %add3A_629 : i32 to vector<128x1xi32>
    %add3A_631 = arith.addi %and3A_628, %add3A_630 : vector<128x1xi32>
    %swap3A_632 = arith.constant 0 : index
    %swap3A_633 = arith.constant 20 : index
    %swap3A_634 = vector.load %arg3[%swap3A_632, %swap3A_633] : memref<128x32xi32, #tpu.memory_space<vmem>>, vector<128x1xi32>
    tpu.vector_store %arg3[%swap3A_632, %swap3A_633], %add3A_631 {strides = array<i32>} : memref<128x32xi32, #tpu.memory_space<vmem>>, vector<128x1xi32>,
    %eq3A_635 = vector.broadcast %broadcast_in_dim3A_625 : vector<128x1xi32> to vector<128x1792xi32>
    %eq3A_636 = arith.cmpi eq, %select_n3A_618, %eq3A_635 : vector<128x1792xi32>
    %jit3A_637 = arith.constant 0.000000e+00 : f32
    %broadcast_in_dim3A_638 = vector.broadcast %jit3A_637 : f32 to vector<128x1792xf32>
    %select_n3A_639 = arith.select %eq3A_636, %select_n3A_619, %broadcast_in_dim3A_638 : vector<128x1792xi1>, vector<128x1792xf32>
    %dot_general3A_640 = arith.constant dense<0.000000e+00> : vector<128x1xf32>
    %dot_general3A_641 = tpu.matmul %select_n3A_639, %broadcast_in_dim3A_27, %dot_general3A_640 {dimension_numbers = #tpu.dot_dimension_numbers<[1], [0], [0], [1], [0, 0, 1, 1], [], []>, transpose_lhs_hint = false} : vector<128x1792xf32>, vector<1792x1xf32>, vector<128x1xf32> -> vector<128x1xf32>
    %neg3A_642 = arith.constant 0.000000e+00 : f32
    %neg3A_643 = vector.broadcast %neg3A_642 : f32 to vector<128x1xf32>
    %neg3A_644 = arith.subf %neg3A_643, %dot_general3A_641 : vector<128x1xf32>
    %swap3A_645 = arith.constant 0 : index
    %swap3A_646 = arith.constant 20 : index
    %swap3A_647 = vector.load %arg4[%swap3A_645, %swap3A_646] : memref<128x32xf32, #tpu.memory_space<vmem>>, vector<128x1xf32>
    tpu.vector_store %arg4[%swap3A_645, %swap3A_646], %neg3A_644 {strides = array<i32>} : memref<128x32xf32, #tpu.memory_space<vmem>>, vector<128x1xf32>,
    %select_n3A_648 = arith.select %eq3A_636, %select_n3A_622, %select_n3A_618 : vector<128x1792xi1>, vector<128x1792xi32>
    %select_n3A_649 = arith.select %eq3A_636, %select_n3A_25, %select_n3A_619 : vector<128x1792xi1>, vector<128x1792xf32>
    %jit3A_650 = arith.constant 2147483647 : i32
    %broadcast_in_dim3A_651 = vector.broadcast %jit3A_650 : i32 to vector<128x1792xi32>
    %select_n3A_652 = arith.select %eq3A_636, %broadcast_in_dim3A_651, %select_n3A_622 : vector<128x1792xi1>, vector<128x1792xi32>
    %reduce_min3A_653 = arith.constant dense<2147483647> : vector<128xi32>
    %reduce_min3A_654 = vector.multi_reduction <minsi>, %select_n3A_648, %reduce_min3A_653 [1] : vector<128x1792xi32> to vector<128xi32>
    %broadcast_in_dim3A_655 = vector.shape_cast %reduce_min3A_654 : vector<128xi32> to vector<128x1xi32>
    %and3A_656 = arith.constant 4095 : i32
    %and3A_657 = vector.broadcast %and3A_656 : i32 to vector<128x1xi32>
    %and3A_658 = arith.andi %broadcast_in_dim3A_655, %and3A_657 : vector<128x1xi32>
    %add3A_659 = arith.constant 3584 : i32
    %add3A_660 = vector.broadcast %add3A_659 : i32 to vector<128x1xi32>
    %add3A_661 = arith.addi %and3A_658, %add3A_660 : vector<128x1xi32>
    %swap3A_662 = arith.constant 0 : index
    %swap3A_663 = arith.constant 21 : index
    %swap3A_664 = vector.load %arg3[%swap3A_662, %swap3A_663] : memref<128x32xi32, #tpu.memory_space<vmem>>, vector<128x1xi32>
    tpu.vector_store %arg3[%swap3A_662, %swap3A_663], %add3A_661 {strides = array<i32>} : memref<128x32xi32, #tpu.memory_space<vmem>>, vector<128x1xi32>,
    %eq3A_665 = vector.broadcast %broadcast_in_dim3A_655 : vector<128x1xi32> to vector<128x1792xi32>
    %eq3A_666 = arith.cmpi eq, %select_n3A_648, %eq3A_665 : vector<128x1792xi32>
    %jit3A_667 = arith.constant 0.000000e+00 : f32
    %broadcast_in_dim3A_668 = vector.broadcast %jit3A_667 : f32 to vector<128x1792xf32>
    %select_n3A_669 = arith.select %eq3A_666, %select_n3A_649, %broadcast_in_dim3A_668 : vector<128x1792xi1>, vector<128x1792xf32>
    %dot_general3A_670 = arith.constant dense<0.000000e+00> : vector<128x1xf32>
    %dot_general3A_671 = tpu.matmul %select_n3A_669, %broadcast_in_dim3A_27, %dot_general3A_670 {dimension_numbers = #tpu.dot_dimension_numbers<[1], [0], [0], [1], [0, 0, 1, 1], [], []>, transpose_lhs_hint = false} : vector<128x1792xf32>, vector<1792x1xf32>, vector<128x1xf32> -> vector<128x1xf32>
    %neg3A_672 = arith.constant 0.000000e+00 : f32
    %neg3A_673 = vector.broadcast %neg3A_672 : f32 to vector<128x1xf32>
    %neg3A_674 = arith.subf %neg3A_673, %dot_general3A_671 : vector<128x1xf32>
    %swap3A_675 = arith.constant 0 : index
    %swap3A_676 = arith.constant 21 : index
    %swap3A_677 = vector.load %arg4[%swap3A_675, %swap3A_676] : memref<128x32xf32, #tpu.memory_space<vmem>>, vector<128x1xf32>
    tpu.vector_store %arg4[%swap3A_675, %swap3A_676], %neg3A_674 {strides = array<i32>} : memref<128x32xf32, #tpu.memory_space<vmem>>, vector<128x1xf32>,
    %select_n3A_678 = arith.select %eq3A_666, %select_n3A_652, %select_n3A_648 : vector<128x1792xi1>, vector<128x1792xi32>
    %select_n3A_679 = arith.select %eq3A_666, %select_n3A_25, %select_n3A_649 : vector<128x1792xi1>, vector<128x1792xf32>
    %jit3A_680 = arith.constant 2147483647 : i32
    %broadcast_in_dim3A_681 = vector.broadcast %jit3A_680 : i32 to vector<128x1792xi32>
    %select_n3A_682 = arith.select %eq3A_666, %broadcast_in_dim3A_681, %select_n3A_652 : vector<128x1792xi1>, vector<128x1792xi32>
    %reduce_min3A_683 = arith.constant dense<2147483647> : vector<128xi32>
    %reduce_min3A_684 = vector.multi_reduction <minsi>, %select_n3A_678, %reduce_min3A_683 [1] : vector<128x1792xi32> to vector<128xi32>
    %broadcast_in_dim3A_685 = vector.shape_cast %reduce_min3A_684 : vector<128xi32> to vector<128x1xi32>
    %and3A_686 = arith.constant 4095 : i32
    %and3A_687 = vector.broadcast %and3A_686 : i32 to vector<128x1xi32>
    %and3A_688 = arith.andi %broadcast_in_dim3A_685, %and3A_687 : vector<128x1xi32>
    %add3A_689 = arith.constant 3584 : i32
    %add3A_690 = vector.broadcast %add3A_689 : i32 to vector<128x1xi32>
    %add3A_691 = arith.addi %and3A_688, %add3A_690 : vector<128x1xi32>
    %swap3A_692 = arith.constant 0 : index
    %swap3A_693 = arith.constant 22 : index
    %swap3A_694 = vector.load %arg3[%swap3A_692, %swap3A_693] : memref<128x32xi32, #tpu.memory_space<vmem>>, vector<128x1xi32>
    tpu.vector_store %arg3[%swap3A_692, %swap3A_693], %add3A_691 {strides = array<i32>} : memref<128x32xi32, #tpu.memory_space<vmem>>, vector<128x1xi32>,
    %eq3A_695 = vector.broadcast %broadcast_in_dim3A_685 : vector<128x1xi32> to vector<128x1792xi32>
    %eq3A_696 = arith.cmpi eq, %select_n3A_678, %eq3A_695 : vector<128x1792xi32>
    %jit3A_697 = arith.constant 0.000000e+00 : f32
    %broadcast_in_dim3A_698 = vector.broadcast %jit3A_697 : f32 to vector<128x1792xf32>
    %select_n3A_699 = arith.select %eq3A_696, %select_n3A_679, %broadcast_in_dim3A_698 : vector<128x1792xi1>, vector<128x1792xf32>
    %dot_general3A_700 = arith.constant dense<0.000000e+00> : vector<128x1xf32>
    %dot_general3A_701 = tpu.matmul %select_n3A_699, %broadcast_in_dim3A_27, %dot_general3A_700 {dimension_numbers = #tpu.dot_dimension_numbers<[1], [0], [0], [1], [0, 0, 1, 1], [], []>, transpose_lhs_hint = false} : vector<128x1792xf32>, vector<1792x1xf32>, vector<128x1xf32> -> vector<128x1xf32>
    %neg3A_702 = arith.constant 0.000000e+00 : f32
    %neg3A_703 = vector.broadcast %neg3A_702 : f32 to vector<128x1xf32>
    %neg3A_704 = arith.subf %neg3A_703, %dot_general3A_701 : vector<128x1xf32>
    %swap3A_705 = arith.constant 0 : index
    %swap3A_706 = arith.constant 22 : index
    %swap3A_707 = vector.load %arg4[%swap3A_705, %swap3A_706] : memref<128x32xf32, #tpu.memory_space<vmem>>, vector<128x1xf32>
    tpu.vector_store %arg4[%swap3A_705, %swap3A_706], %neg3A_704 {strides = array<i32>} : memref<128x32xf32, #tpu.memory_space<vmem>>, vector<128x1xf32>,
    %select_n3A_708 = arith.select %eq3A_696, %select_n3A_682, %select_n3A_678 : vector<128x1792xi1>, vector<128x1792xi32>
    %select_n3A_709 = arith.select %eq3A_696, %select_n3A_25, %select_n3A_679 : vector<128x1792xi1>, vector<128x1792xf32>
    %jit3A_710 = arith.constant 2147483647 : i32
    %broadcast_in_dim3A_711 = vector.broadcast %jit3A_710 : i32 to vector<128x1792xi32>
    %select_n3A_712 = arith.select %eq3A_696, %broadcast_in_dim3A_711, %select_n3A_682 : vector<128x1792xi1>, vector<128x1792xi32>
    %reduce_min3A_713 = arith.constant dense<2147483647> : vector<128xi32>
    %reduce_min3A_714 = vector.multi_reduction <minsi>, %select_n3A_708, %reduce_min3A_713 [1] : vector<128x1792xi32> to vector<128xi32>
    %broadcast_in_dim3A_715 = vector.shape_cast %reduce_min3A_714 : vector<128xi32> to vector<128x1xi32>
    %and3A_716 = arith.constant 4095 : i32
    %and3A_717 = vector.broadcast %and3A_716 : i32 to vector<128x1xi32>
    %and3A_718 = arith.andi %broadcast_in_dim3A_715, %and3A_717 : vector<128x1xi32>
    %add3A_719 = arith.constant 3584 : i32
    %add3A_720 = vector.broadcast %add3A_719 : i32 to vector<128x1xi32>
    %add3A_721 = arith.addi %and3A_718, %add3A_720 : vector<128x1xi32>
    %swap3A_722 = arith.constant 0 : index
    %swap3A_723 = arith.constant 23 : index
    %swap3A_724 = vector.load %arg3[%swap3A_722, %swap3A_723] : memref<128x32xi32, #tpu.memory_space<vmem>>, vector<128x1xi32>
    tpu.vector_store %arg3[%swap3A_722, %swap3A_723], %add3A_721 {strides = array<i32>} : memref<128x32xi32, #tpu.memory_space<vmem>>, vector<128x1xi32>,
    %eq3A_725 = vector.broadcast %broadcast_in_dim3A_715 : vector<128x1xi32> to vector<128x1792xi32>
    %eq3A_726 = arith.cmpi eq, %select_n3A_708, %eq3A_725 : vector<128x1792xi32>
    %jit3A_727 = arith.constant 0.000000e+00 : f32
    %broadcast_in_dim3A_728 = vector.broadcast %jit3A_727 : f32 to vector<128x1792xf32>
    %select_n3A_729 = arith.select %eq3A_726, %select_n3A_709, %broadcast_in_dim3A_728 : vector<128x1792xi1>, vector<128x1792xf32>
    %dot_general3A_730 = arith.constant dense<0.000000e+00> : vector<128x1xf32>
    %dot_general3A_731 = tpu.matmul %select_n3A_729, %broadcast_in_dim3A_27, %dot_general3A_730 {dimension_numbers = #tpu.dot_dimension_numbers<[1], [0], [0], [1], [0, 0, 1, 1], [], []>, transpose_lhs_hint = false} : vector<128x1792xf32>, vector<1792x1xf32>, vector<128x1xf32> -> vector<128x1xf32>
    %neg3A_732 = arith.constant 0.000000e+00 : f32
    %neg3A_733 = vector.broadcast %neg3A_732 : f32 to vector<128x1xf32>
    %neg3A_734 = arith.subf %neg3A_733, %dot_general3A_731 : vector<128x1xf32>
    %swap3A_735 = arith.constant 0 : index
    %swap3A_736 = arith.constant 23 : index
    %swap3A_737 = vector.load %arg4[%swap3A_735, %swap3A_736] : memref<128x32xf32, #tpu.memory_space<vmem>>, vector<128x1xf32>
    tpu.vector_store %arg4[%swap3A_735, %swap3A_736], %neg3A_734 {strides = array<i32>} : memref<128x32xf32, #tpu.memory_space<vmem>>, vector<128x1xf32>,
    %select_n3A_738 = arith.select %eq3A_726, %select_n3A_712, %select_n3A_708 : vector<128x1792xi1>, vector<128x1792xi32>
    %select_n3A_739 = arith.select %eq3A_726, %select_n3A_25, %select_n3A_709 : vector<128x1792xi1>, vector<128x1792xf32>
    %jit3A_740 = arith.constant 2147483647 : i32
    %broadcast_in_dim3A_741 = vector.broadcast %jit3A_740 : i32 to vector<128x1792xi32>
    %select_n3A_742 = arith.select %eq3A_726, %broadcast_in_dim3A_741, %select_n3A_712 : vector<128x1792xi1>, vector<128x1792xi32>
    %reduce_min3A_743 = arith.constant dense<2147483647> : vector<128xi32>
    %reduce_min3A_744 = vector.multi_reduction <minsi>, %select_n3A_738, %reduce_min3A_743 [1] : vector<128x1792xi32> to vector<128xi32>
    %broadcast_in_dim3A_745 = vector.shape_cast %reduce_min3A_744 : vector<128xi32> to vector<128x1xi32>
    %and3A_746 = arith.constant 4095 : i32
    %and3A_747 = vector.broadcast %and3A_746 : i32 to vector<128x1xi32>
    %and3A_748 = arith.andi %broadcast_in_dim3A_745, %and3A_747 : vector<128x1xi32>
    %add3A_749 = arith.constant 3584 : i32
    %add3A_750 = vector.broadcast %add3A_749 : i32 to vector<128x1xi32>
    %add3A_751 = arith.addi %and3A_748, %add3A_750 : vector<128x1xi32>
    %swap3A_752 = arith.constant 0 : index
    %swap3A_753 = arith.constant 24 : index
    %swap3A_754 = vector.load %arg3[%swap3A_752, %swap3A_753] : memref<128x32xi32, #tpu.memory_space<vmem>>, vector<128x1xi32>
    tpu.vector_store %arg3[%swap3A_752, %swap3A_753], %add3A_751 {strides = array<i32>} : memref<128x32xi32, #tpu.memory_space<vmem>>, vector<128x1xi32>,
    %eq3A_755 = vector.broadcast %broadcast_in_dim3A_745 : vector<128x1xi32> to vector<128x1792xi32>
    %eq3A_756 = arith.cmpi eq, %select_n3A_738, %eq3A_755 : vector<128x1792xi32>
    %jit3A_757 = arith.constant 0.000000e+00 : f32
    %broadcast_in_dim3A_758 = vector.broadcast %jit3A_757 : f32 to vector<128x1792xf32>
    %select_n3A_759 = arith.select %eq3A_756, %select_n3A_739, %broadcast_in_dim3A_758 : vector<128x1792xi1>, vector<128x1792xf32>
    %dot_general3A_760 = arith.constant dense<0.000000e+00> : vector<128x1xf32>
    %dot_general3A_761 = tpu.matmul %select_n3A_759, %broadcast_in_dim3A_27, %dot_general3A_760 {dimension_numbers = #tpu.dot_dimension_numbers<[1], [0], [0], [1], [0, 0, 1, 1], [], []>, transpose_lhs_hint = false} : vector<128x1792xf32>, vector<1792x1xf32>, vector<128x1xf32> -> vector<128x1xf32>
    %neg3A_762 = arith.constant 0.000000e+00 : f32
    %neg3A_763 = vector.broadcast %neg3A_762 : f32 to vector<128x1xf32>
    %neg3A_764 = arith.subf %neg3A_763, %dot_general3A_761 : vector<128x1xf32>
    %swap3A_765 = arith.constant 0 : index
    %swap3A_766 = arith.constant 24 : index
    %swap3A_767 = vector.load %arg4[%swap3A_765, %swap3A_766] : memref<128x32xf32, #tpu.memory_space<vmem>>, vector<128x1xf32>
    tpu.vector_store %arg4[%swap3A_765, %swap3A_766], %neg3A_764 {strides = array<i32>} : memref<128x32xf32, #tpu.memory_space<vmem>>, vector<128x1xf32>,
    %select_n3A_768 = arith.select %eq3A_756, %select_n3A_742, %select_n3A_738 : vector<128x1792xi1>, vector<128x1792xi32>
    %select_n3A_769 = arith.select %eq3A_756, %select_n3A_25, %select_n3A_739 : vector<128x1792xi1>, vector<128x1792xf32>
    %jit3A_770 = arith.constant 2147483647 : i32
    %broadcast_in_dim3A_771 = vector.broadcast %jit3A_770 : i32 to vector<128x1792xi32>
    %select_n3A_772 = arith.select %eq3A_756, %broadcast_in_dim3A_771, %select_n3A_742 : vector<128x1792xi1>, vector<128x1792xi32>
    %reduce_min3A_773 = arith.constant dense<2147483647> : vector<128xi32>
    %reduce_min3A_774 = vector.multi_reduction <minsi>, %select_n3A_768, %reduce_min3A_773 [1] : vector<128x1792xi32> to vector<128xi32>
    %broadcast_in_dim3A_775 = vector.shape_cast %reduce_min3A_774 : vector<128xi32> to vector<128x1xi32>
    %and3A_776 = arith.constant 4095 : i32
    %and3A_777 = vector.broadcast %and3A_776 : i32 to vector<128x1xi32>
    %and3A_778 = arith.andi %broadcast_in_dim3A_775, %and3A_777 : vector<128x1xi32>
    %add3A_779 = arith.constant 3584 : i32
    %add3A_780 = vector.broadcast %add3A_779 : i32 to vector<128x1xi32>
    %add3A_781 = arith.addi %and3A_778, %add3A_780 : vector<128x1xi32>
    %swap3A_782 = arith.constant 0 : index
    %swap3A_783 = arith.constant 25 : index
    %swap3A_784 = vector.load %arg3[%swap3A_782, %swap3A_783] : memref<128x32xi32, #tpu.memory_space<vmem>>, vector<128x1xi32>
    tpu.vector_store %arg3[%swap3A_782, %swap3A_783], %add3A_781 {strides = array<i32>} : memref<128x32xi32, #tpu.memory_space<vmem>>, vector<128x1xi32>,
    %eq3A_785 = vector.broadcast %broadcast_in_dim3A_775 : vector<128x1xi32> to vector<128x1792xi32>
    %eq3A_786 = arith.cmpi eq, %select_n3A_768, %eq3A_785 : vector<128x1792xi32>
    %jit3A_787 = arith.constant 0.000000e+00 : f32
    %broadcast_in_dim3A_788 = vector.broadcast %jit3A_787 : f32 to vector<128x1792xf32>
    %select_n3A_789 = arith.select %eq3A_786, %select_n3A_769, %broadcast_in_dim3A_788 : vector<128x1792xi1>, vector<128x1792xf32>
    %dot_general3A_790 = arith.constant dense<0.000000e+00> : vector<128x1xf32>
    %dot_general3A_791 = tpu.matmul %select_n3A_789, %broadcast_in_dim3A_27, %dot_general3A_790 {dimension_numbers = #tpu.dot_dimension_numbers<[1], [0], [0], [1], [0, 0, 1, 1], [], []>, transpose_lhs_hint = false} : vector<128x1792xf32>, vector<1792x1xf32>, vector<128x1xf32> -> vector<128x1xf32>
    %neg3A_792 = arith.constant 0.000000e+00 : f32
    %neg3A_793 = vector.broadcast %neg3A_792 : f32 to vector<128x1xf32>
    %neg3A_794 = arith.subf %neg3A_793, %dot_general3A_791 : vector<128x1xf32>
    %swap3A_795 = arith.constant 0 : index
    %swap3A_796 = arith.constant 25 : index
    %swap3A_797 = vector.load %arg4[%swap3A_795, %swap3A_796] : memref<128x32xf32, #tpu.memory_space<vmem>>, vector<128x1xf32>
    tpu.vector_store %arg4[%swap3A_795, %swap3A_796], %neg3A_794 {strides = array<i32>} : memref<128x32xf32, #tpu.memory_space<vmem>>, vector<128x1xf32>,
    %select_n3A_798 = arith.select %eq3A_786, %select_n3A_772, %select_n3A_768 : vector<128x1792xi1>, vector<128x1792xi32>
    %select_n3A_799 = arith.select %eq3A_786, %select_n3A_25, %select_n3A_769 : vector<128x1792xi1>, vector<128x1792xf32>
    %jit3A_800 = arith.constant 2147483647 : i32
    %broadcast_in_dim3A_801 = vector.broadcast %jit3A_800 : i32 to vector<128x1792xi32>
    %select_n3A_802 = arith.select %eq3A_786, %broadcast_in_dim3A_801, %select_n3A_772 : vector<128x1792xi1>, vector<128x1792xi32>
    %reduce_min3A_803 = arith.constant dense<2147483647> : vector<128xi32>
    %reduce_min3A_804 = vector.multi_reduction <minsi>, %select_n3A_798, %reduce_min3A_803 [1] : vector<128x1792xi32> to vector<128xi32>
    %broadcast_in_dim3A_805 = vector.shape_cast %reduce_min3A_804 : vector<128xi32> to vector<128x1xi32>
    %and3A_806 = arith.constant 4095 : i32
    %and3A_807 = vector.broadcast %and3A_806 : i32 to vector<128x1xi32>
    %and3A_808 = arith.andi %broadcast_in_dim3A_805, %and3A_807 : vector<128x1xi32>
    %add3A_809 = arith.constant 3584 : i32
    %add3A_810 = vector.broadcast %add3A_809 : i32 to vector<128x1xi32>
    %add3A_811 = arith.addi %and3A_808, %add3A_810 : vector<128x1xi32>
    %swap3A_812 = arith.constant 0 : index
    %swap3A_813 = arith.constant 26 : index
    %swap3A_814 = vector.load %arg3[%swap3A_812, %swap3A_813] : memref<128x32xi32, #tpu.memory_space<vmem>>, vector<128x1xi32>
    tpu.vector_store %arg3[%swap3A_812, %swap3A_813], %add3A_811 {strides = array<i32>} : memref<128x32xi32, #tpu.memory_space<vmem>>, vector<128x1xi32>,
    %eq3A_815 = vector.broadcast %broadcast_in_dim3A_805 : vector<128x1xi32> to vector<128x1792xi32>
    %eq3A_816 = arith.cmpi eq, %select_n3A_798, %eq3A_815 : vector<128x1792xi32>
    %jit3A_817 = arith.constant 0.000000e+00 : f32
    %broadcast_in_dim3A_818 = vector.broadcast %jit3A_817 : f32 to vector<128x1792xf32>
    %select_n3A_819 = arith.select %eq3A_816, %select_n3A_799, %broadcast_in_dim3A_818 : vector<128x1792xi1>, vector<128x1792xf32>
    %dot_general3A_820 = arith.constant dense<0.000000e+00> : vector<128x1xf32>
    %dot_general3A_821 = tpu.matmul %select_n3A_819, %broadcast_in_dim3A_27, %dot_general3A_820 {dimension_numbers = #tpu.dot_dimension_numbers<[1], [0], [0], [1], [0, 0, 1, 1], [], []>, transpose_lhs_hint = false} : vector<128x1792xf32>, vector<1792x1xf32>, vector<128x1xf32> -> vector<128x1xf32>
    %neg3A_822 = arith.constant 0.000000e+00 : f32
    %neg3A_823 = vector.broadcast %neg3A_822 : f32 to vector<128x1xf32>
    %neg3A_824 = arith.subf %neg3A_823, %dot_general3A_821 : vector<128x1xf32>
    %swap3A_825 = arith.constant 0 : index
    %swap3A_826 = arith.constant 26 : index
    %swap3A_827 = vector.load %arg4[%swap3A_825, %swap3A_826] : memref<128x32xf32, #tpu.memory_space<vmem>>, vector<128x1xf32>
    tpu.vector_store %arg4[%swap3A_825, %swap3A_826], %neg3A_824 {strides = array<i32>} : memref<128x32xf32, #tpu.memory_space<vmem>>, vector<128x1xf32>,
    %select_n3A_828 = arith.select %eq3A_816, %select_n3A_802, %select_n3A_798 : vector<128x1792xi1>, vector<128x1792xi32>
    %select_n3A_829 = arith.select %eq3A_816, %select_n3A_25, %select_n3A_799 : vector<128x1792xi1>, vector<128x1792xf32>
    %jit3A_830 = arith.constant 2147483647 : i32
    %broadcast_in_dim3A_831 = vector.broadcast %jit3A_830 : i32 to vector<128x1792xi32>
    %select_n3A_832 = arith.select %eq3A_816, %broadcast_in_dim3A_831, %select_n3A_802 : vector<128x1792xi1>, vector<128x1792xi32>
    %reduce_min3A_833 = arith.constant dense<2147483647> : vector<128xi32>
    %reduce_min3A_834 = vector.multi_reduction <minsi>, %select_n3A_828, %reduce_min3A_833 [1] : vector<128x1792xi32> to vector<128xi32>
    %broadcast_in_dim3A_835 = vector.shape_cast %reduce_min3A_834 : vector<128xi32> to vector<128x1xi32>
    %and3A_836 = arith.constant 4095 : i32
    %and3A_837 = vector.broadcast %and3A_836 : i32 to vector<128x1xi32>
    %and3A_838 = arith.andi %broadcast_in_dim3A_835, %and3A_837 : vector<128x1xi32>
    %add3A_839 = arith.constant 3584 : i32
    %add3A_840 = vector.broadcast %add3A_839 : i32 to vector<128x1xi32>
    %add3A_841 = arith.addi %and3A_838, %add3A_840 : vector<128x1xi32>
    %swap3A_842 = arith.constant 0 : index
    %swap3A_843 = arith.constant 27 : index
    %swap3A_844 = vector.load %arg3[%swap3A_842, %swap3A_843] : memref<128x32xi32, #tpu.memory_space<vmem>>, vector<128x1xi32>
    tpu.vector_store %arg3[%swap3A_842, %swap3A_843], %add3A_841 {strides = array<i32>} : memref<128x32xi32, #tpu.memory_space<vmem>>, vector<128x1xi32>,
    %eq3A_845 = vector.broadcast %broadcast_in_dim3A_835 : vector<128x1xi32> to vector<128x1792xi32>
    %eq3A_846 = arith.cmpi eq, %select_n3A_828, %eq3A_845 : vector<128x1792xi32>
    %jit3A_847 = arith.constant 0.000000e+00 : f32
    %broadcast_in_dim3A_848 = vector.broadcast %jit3A_847 : f32 to vector<128x1792xf32>
    %select_n3A_849 = arith.select %eq3A_846, %select_n3A_829, %broadcast_in_dim3A_848 : vector<128x1792xi1>, vector<128x1792xf32>
    %dot_general3A_850 = arith.constant dense<0.000000e+00> : vector<128x1xf32>
    %dot_general3A_851 = tpu.matmul %select_n3A_849, %broadcast_in_dim3A_27, %dot_general3A_850 {dimension_numbers = #tpu.dot_dimension_numbers<[1], [0], [0], [1], [0, 0, 1, 1], [], []>, transpose_lhs_hint = false} : vector<128x1792xf32>, vector<1792x1xf32>, vector<128x1xf32> -> vector<128x1xf32>
    %neg3A_852 = arith.constant 0.000000e+00 : f32
    %neg3A_853 = vector.broadcast %neg3A_852 : f32 to vector<128x1xf32>
    %neg3A_854 = arith.subf %neg3A_853, %dot_general3A_851 : vector<128x1xf32>
    %swap3A_855 = arith.constant 0 : index
    %swap3A_856 = arith.constant 27 : index
    %swap3A_857 = vector.load %arg4[%swap3A_855, %swap3A_856] : memref<128x32xf32, #tpu.memory_space<vmem>>, vector<128x1xf32>
    tpu.vector_store %arg4[%swap3A_855, %swap3A_856], %neg3A_854 {strides = array<i32>} : memref<128x32xf32, #tpu.memory_space<vmem>>, vector<128x1xf32>,
    %select_n3A_858 = arith.select %eq3A_846, %select_n3A_832, %select_n3A_828 : vector<128x1792xi1>, vector<128x1792xi32>
    %select_n3A_859 = arith.select %eq3A_846, %select_n3A_25, %select_n3A_829 : vector<128x1792xi1>, vector<128x1792xf32>
    %jit3A_860 = arith.constant 2147483647 : i32
    %broadcast_in_dim3A_861 = vector.broadcast %jit3A_860 : i32 to vector<128x1792xi32>
    %select_n3A_862 = arith.select %eq3A_846, %broadcast_in_dim3A_861, %select_n3A_832 : vector<128x1792xi1>, vector<128x1792xi32>
    %reduce_min3A_863 = arith.constant dense<2147483647> : vector<128xi32>
    %reduce_min3A_864 = vector.multi_reduction <minsi>, %select_n3A_858, %reduce_min3A_863 [1] : vector<128x1792xi32> to vector<128xi32>
    %broadcast_in_dim3A_865 = vector.shape_cast %reduce_min3A_864 : vector<128xi32> to vector<128x1xi32>
    %and3A_866 = arith.constant 4095 : i32
    %and3A_867 = vector.broadcast %and3A_866 : i32 to vector<128x1xi32>
    %and3A_868 = arith.andi %broadcast_in_dim3A_865, %and3A_867 : vector<128x1xi32>
    %add3A_869 = arith.constant 3584 : i32
    %add3A_870 = vector.broadcast %add3A_869 : i32 to vector<128x1xi32>
    %add3A_871 = arith.addi %and3A_868, %add3A_870 : vector<128x1xi32>
    %swap3A_872 = arith.constant 0 : index
    %swap3A_873 = arith.constant 28 : index
    %swap3A_874 = vector.load %arg3[%swap3A_872, %swap3A_873] : memref<128x32xi32, #tpu.memory_space<vmem>>, vector<128x1xi32>
    tpu.vector_store %arg3[%swap3A_872, %swap3A_873], %add3A_871 {strides = array<i32>} : memref<128x32xi32, #tpu.memory_space<vmem>>, vector<128x1xi32>,
    %eq3A_875 = vector.broadcast %broadcast_in_dim3A_865 : vector<128x1xi32> to vector<128x1792xi32>
    %eq3A_876 = arith.cmpi eq, %select_n3A_858, %eq3A_875 : vector<128x1792xi32>
    %jit3A_877 = arith.constant 0.000000e+00 : f32
    %broadcast_in_dim3A_878 = vector.broadcast %jit3A_877 : f32 to vector<128x1792xf32>
    %select_n3A_879 = arith.select %eq3A_876, %select_n3A_859, %broadcast_in_dim3A_878 : vector<128x1792xi1>, vector<128x1792xf32>
    %dot_general3A_880 = arith.constant dense<0.000000e+00> : vector<128x1xf32>
    %dot_general3A_881 = tpu.matmul %select_n3A_879, %broadcast_in_dim3A_27, %dot_general3A_880 {dimension_numbers = #tpu.dot_dimension_numbers<[1], [0], [0], [1], [0, 0, 1, 1], [], []>, transpose_lhs_hint = false} : vector<128x1792xf32>, vector<1792x1xf32>, vector<128x1xf32> -> vector<128x1xf32>
    %neg3A_882 = arith.constant 0.000000e+00 : f32
    %neg3A_883 = vector.broadcast %neg3A_882 : f32 to vector<128x1xf32>
    %neg3A_884 = arith.subf %neg3A_883, %dot_general3A_881 : vector<128x1xf32>
    %swap3A_885 = arith.constant 0 : index
    %swap3A_886 = arith.constant 28 : index
    %swap3A_887 = vector.load %arg4[%swap3A_885, %swap3A_886] : memref<128x32xf32, #tpu.memory_space<vmem>>, vector<128x1xf32>
    tpu.vector_store %arg4[%swap3A_885, %swap3A_886], %neg3A_884 {strides = array<i32>} : memref<128x32xf32, #tpu.memory_space<vmem>>, vector<128x1xf32>,
    %select_n3A_888 = arith.select %eq3A_876, %select_n3A_862, %select_n3A_858 : vector<128x1792xi1>, vector<128x1792xi32>
    %select_n3A_889 = arith.select %eq3A_876, %select_n3A_25, %select_n3A_859 : vector<128x1792xi1>, vector<128x1792xf32>
    %jit3A_890 = arith.constant 2147483647 : i32
    %broadcast_in_dim3A_891 = vector.broadcast %jit3A_890 : i32 to vector<128x1792xi32>
    %select_n3A_892 = arith.select %eq3A_876, %broadcast_in_dim3A_891, %select_n3A_862 : vector<128x1792xi1>, vector<128x1792xi32>
    %reduce_min3A_893 = arith.constant dense<2147483647> : vector<128xi32>
    %reduce_min3A_894 = vector.multi_reduction <minsi>, %select_n3A_888, %reduce_min3A_893 [1] : vector<128x1792xi32> to vector<128xi32>
    %broadcast_in_dim3A_895 = vector.shape_cast %reduce_min3A_894 : vector<128xi32> to vector<128x1xi32>
    %and3A_896 = arith.constant 4095 : i32
    %and3A_897 = vector.broadcast %and3A_896 : i32 to vector<128x1xi32>
    %and3A_898 = arith.andi %broadcast_in_dim3A_895, %and3A_897 : vector<128x1xi32>
    %add3A_899 = arith.constant 3584 : i32
    %add3A_900 = vector.broadcast %add3A_899 : i32 to vector<128x1xi32>
    %add3A_901 = arith.addi %and3A_898, %add3A_900 : vector<128x1xi32>
    %swap3A_902 = arith.constant 0 : index
    %swap3A_903 = arith.constant 29 : index
    %swap3A_904 = vector.load %arg3[%swap3A_902, %swap3A_903] : memref<128x32xi32, #tpu.memory_space<vmem>>, vector<128x1xi32>
    tpu.vector_store %arg3[%swap3A_902, %swap3A_903], %add3A_901 {strides = array<i32>} : memref<128x32xi32, #tpu.memory_space<vmem>>, vector<128x1xi32>,
    %eq3A_905 = vector.broadcast %broadcast_in_dim3A_895 : vector<128x1xi32> to vector<128x1792xi32>
    %eq3A_906 = arith.cmpi eq, %select_n3A_888, %eq3A_905 : vector<128x1792xi32>
    %jit3A_907 = arith.constant 0.000000e+00 : f32
    %broadcast_in_dim3A_908 = vector.broadcast %jit3A_907 : f32 to vector<128x1792xf32>
    %select_n3A_909 = arith.select %eq3A_906, %select_n3A_889, %broadcast_in_dim3A_908 : vector<128x1792xi1>, vector<128x1792xf32>
    %dot_general3A_910 = arith.constant dense<0.000000e+00> : vector<128x1xf32>
    %dot_general3A_911 = tpu.matmul %select_n3A_909, %broadcast_in_dim3A_27, %dot_general3A_910 {dimension_numbers = #tpu.dot_dimension_numbers<[1], [0], [0], [1], [0, 0, 1, 1], [], []>, transpose_lhs_hint = false} : vector<128x1792xf32>, vector<1792x1xf32>, vector<128x1xf32> -> vector<128x1xf32>
    %neg3A_912 = arith.constant 0.000000e+00 : f32
    %neg3A_913 = vector.broadcast %neg3A_912 : f32 to vector<128x1xf32>
    %neg3A_914 = arith.subf %neg3A_913, %dot_general3A_911 : vector<128x1xf32>
    %swap3A_915 = arith.constant 0 : index
    %swap3A_916 = arith.constant 29 : index
    %swap3A_917 = vector.load %arg4[%swap3A_915, %swap3A_916] : memref<128x32xf32, #tpu.memory_space<vmem>>, vector<128x1xf32>
    tpu.vector_store %arg4[%swap3A_915, %swap3A_916], %neg3A_914 {strides = array<i32>} : memref<128x32xf32, #tpu.memory_space<vmem>>, vector<128x1xf32>,
    %select_n3A_918 = arith.select %eq3A_906, %select_n3A_892, %select_n3A_888 : vector<128x1792xi1>, vector<128x1792xi32>
    %select_n3A_919 = arith.select %eq3A_906, %select_n3A_25, %select_n3A_889 : vector<128x1792xi1>, vector<128x1792xf32>
    %jit3A_920 = arith.constant 2147483647 : i32
    %broadcast_in_dim3A_921 = vector.broadcast %jit3A_920 : i32 to vector<128x1792xi32>
    %select_n3A_922 = arith.select %eq3A_906, %broadcast_in_dim3A_921, %select_n3A_892 : vector<128x1792xi1>, vector<128x1792xi32>
    %reduce_min3A_923 = arith.constant dense<2147483647> : vector<128xi32>
    %reduce_min3A_924 = vector.multi_reduction <minsi>, %select_n3A_918, %reduce_min3A_923 [1] : vector<128x1792xi32> to vector<128xi32>
    %broadcast_in_dim3A_925 = vector.shape_cast %reduce_min3A_924 : vector<128xi32> to vector<128x1xi32>
    %and3A_926 = arith.constant 4095 : i32
    %and3A_927 = vector.broadcast %and3A_926 : i32 to vector<128x1xi32>
    %and3A_928 = arith.andi %broadcast_in_dim3A_925, %and3A_927 : vector<128x1xi32>
    %add3A_929 = arith.constant 3584 : i32
    %add3A_930 = vector.broadcast %add3A_929 : i32 to vector<128x1xi32>
    %add3A_931 = arith.addi %and3A_928, %add3A_930 : vector<128x1xi32>
    %swap3A_932 = arith.constant 0 : index
    %swap3A_933 = arith.constant 30 : index
    %swap3A_934 = vector.load %arg3[%swap3A_932, %swap3A_933] : memref<128x32xi32, #tpu.memory_space<vmem>>, vector<128x1xi32>
    tpu.vector_store %arg3[%swap3A_932, %swap3A_933], %add3A_931 {strides = array<i32>} : memref<128x32xi32, #tpu.memory_space<vmem>>, vector<128x1xi32>,
    %eq3A_935 = vector.broadcast %broadcast_in_dim3A_925 : vector<128x1xi32> to vector<128x1792xi32>
    %eq3A_936 = arith.cmpi eq, %select_n3A_918, %eq3A_935 : vector<128x1792xi32>
    %jit3A_937 = arith.constant 0.000000e+00 : f32
    %broadcast_in_dim3A_938 = vector.broadcast %jit3A_937 : f32 to vector<128x1792xf32>
    %select_n3A_939 = arith.select %eq3A_936, %select_n3A_919, %broadcast_in_dim3A_938 : vector<128x1792xi1>, vector<128x1792xf32>
    %dot_general3A_940 = arith.constant dense<0.000000e+00> : vector<128x1xf32>
    %dot_general3A_941 = tpu.matmul %select_n3A_939, %broadcast_in_dim3A_27, %dot_general3A_940 {dimension_numbers = #tpu.dot_dimension_numbers<[1], [0], [0], [1], [0, 0, 1, 1], [], []>, transpose_lhs_hint = false} : vector<128x1792xf32>, vector<1792x1xf32>, vector<128x1xf32> -> vector<128x1xf32>
    %neg3A_942 = arith.constant 0.000000e+00 : f32
    %neg3A_943 = vector.broadcast %neg3A_942 : f32 to vector<128x1xf32>
    %neg3A_944 = arith.subf %neg3A_943, %dot_general3A_941 : vector<128x1xf32>
    %swap3A_945 = arith.constant 0 : index
    %swap3A_946 = arith.constant 30 : index
    %swap3A_947 = vector.load %arg4[%swap3A_945, %swap3A_946] : memref<128x32xf32, #tpu.memory_space<vmem>>, vector<128x1xf32>
    tpu.vector_store %arg4[%swap3A_945, %swap3A_946], %neg3A_944 {strides = array<i32>} : memref<128x32xf32, #tpu.memory_space<vmem>>, vector<128x1xf32>,
    %select_n3A_948 = arith.select %eq3A_936, %select_n3A_922, %select_n3A_918 : vector<128x1792xi1>, vector<128x1792xi32>
    %select_n3A_949 = arith.select %eq3A_936, %select_n3A_25, %select_n3A_919 : vector<128x1792xi1>, vector<128x1792xf32>
    %reduce_min3A_950 = arith.constant dense<2147483647> : vector<128xi32>
    %reduce_min3A_951 = vector.multi_reduction <minsi>, %select_n3A_948, %reduce_min3A_950 [1] : vector<128x1792xi32> to vector<128xi32>
    %broadcast_in_dim3A_952 = vector.shape_cast %reduce_min3A_951 : vector<128xi32> to vector<128x1xi32>
    %and3A_953 = arith.constant 4095 : i32
    %and3A_954 = vector.broadcast %and3A_953 : i32 to vector<128x1xi32>
    %and3A_955 = arith.andi %broadcast_in_dim3A_952, %and3A_954 : vector<128x1xi32>
    %add3A_956 = arith.constant 3584 : i32
    %add3A_957 = vector.broadcast %add3A_956 : i32 to vector<128x1xi32>
    %add3A_958 = arith.addi %and3A_955, %add3A_957 : vector<128x1xi32>
    %swap3A_959 = arith.constant 0 : index
    %swap3A_960 = arith.constant 31 : index
    %swap3A_961 = vector.load %arg3[%swap3A_959, %swap3A_960] : memref<128x32xi32, #tpu.memory_space<vmem>>, vector<128x1xi32>
    tpu.vector_store %arg3[%swap3A_959, %swap3A_960], %add3A_958 {strides = array<i32>} : memref<128x32xi32, #tpu.memory_space<vmem>>, vector<128x1xi32>,
    %eq3A_962 = vector.broadcast %broadcast_in_dim3A_952 : vector<128x1xi32> to vector<128x1792xi32>
    %eq3A_963 = arith.cmpi eq, %select_n3A_948, %eq3A_962 : vector<128x1792xi32>
    %jit3A_964 = arith.constant 0.000000e+00 : f32
    %broadcast_in_dim3A_965 = vector.broadcast %jit3A_964 : f32 to vector<128x1792xf32>
    %select_n3A_966 = arith.select %eq3A_963, %select_n3A_949, %broadcast_in_dim3A_965 : vector<128x1792xi1>, vector<128x1792xf32>
    %dot_general3A_967 = arith.constant dense<0.000000e+00> : vector<128x1xf32>
    %dot_general3A_968 = tpu.matmul %select_n3A_966, %broadcast_in_dim3A_27, %dot_general3A_967 {dimension_numbers = #tpu.dot_dimension_numbers<[1], [0], [0], [1], [0, 0, 1, 1], [], []>, transpose_lhs_hint = false} : vector<128x1792xf32>, vector<1792x1xf32>, vector<128x1xf32> -> vector<128x1xf32>
    %neg3A_969 = arith.constant 0.000000e+00 : f32
    %neg3A_970 = vector.broadcast %neg3A_969 : f32 to vector<128x1xf32>
    %neg3A_971 = arith.subf %neg3A_970, %dot_general3A_968 : vector<128x1xf32>
    %swap3A_972 = arith.constant 0 : index
    %swap3A_973 = arith.constant 31 : index
    %swap3A_974 = vector.load %arg4[%swap3A_972, %swap3A_973] : memref<128x32xf32, #tpu.memory_space<vmem>>, vector<128x1xf32>
    tpu.vector_store %arg4[%swap3A_972, %swap3A_973], %neg3A_971 {strides = array<i32>} : memref<128x32xf32, #tpu.memory_space<vmem>>, vector<128x1xf32>,
    return
  }
  func.func @transform_0(%arg0: i32) -> (i32, i32) {
    %c0_i32 = arith.constant 0 : i32
    %c0_i32_0 = arith.constant 0 : i32
    return %arg0, %c0_i32 : i32, i32
  }
  func.func @transform_1(%arg0: i32) -> (i32, i32) {
    %c0_i32 = arith.constant 0 : i32
    %c0_i32_0 = arith.constant 0 : i32
    %c0_i32_1 = arith.constant 0 : i32
    return %c0_i32, %c0_i32_0 : i32, i32
  }
  func.func @transform_2(%arg0: i32) -> (i32, i32) {
    %c0_i32 = arith.constant 0 : i32
    %c0_i32_0 = arith.constant 0 : i32
    return %arg0, %c0_i32 : i32, i32
  }
  func.func @transform_3(%arg0: i32) -> (i32, i32) {
    %c0_i32 = arith.constant 0 : i32
    %c0_i32_0 = arith.constant 0 : i32
    return %arg0, %c0_i32 : i32, i32
  }
}

module attributes {stable_mosaic.version = 14 : i64} {
  func.func @_prep_body(%arg0: i32, %arg1: memref<1x3584x3xf32, #tpu.memory_space<vmem>>, %arg2: memref<1x3584x3xf32, #tpu.memory_space<vmem>>, %arg3: memref<3x16xf32, #tpu.memory_space<vmem>>, %arg4: memref<16xf32, #tpu.memory_space<vmem>>, %arg5: memref<16x64xf32, #tpu.memory_space<vmem>>, %arg6: memref<64xf32, #tpu.memory_space<vmem>>, %arg7: memref<131x128xf32, #tpu.memory_space<vmem>>, %arg8: memref<128xf32, #tpu.memory_space<vmem>>, %arg9: memref<1x3584x128xf32, #tpu.memory_space<vmem>>, %arg10: memref<1x3584x128xf32, #tpu.memory_space<vmem>>) attributes {dimension_semantics = [#tpu.dimension_semantics<arbitrary>], iteration_bounds = array<i64: 2>, scalar_prefetch = 0 : i64, scratch_operands = 0 : i64, tpu.core_type = #tpu.core_type<tc>, window_params = [{transform_indices = @transform_0, window_bounds = array<i64: 1, 3584, 3>}, {transform_indices = @transform_1, window_bounds = array<i64: 1, 3584, 3>}, {pipeline_mode = #tpu.pipeline_mode<synchronous>, transform_indices = @transform_2, window_bounds = array<i64: 3, 16>}, {pipeline_mode = #tpu.pipeline_mode<synchronous>, transform_indices = @transform_3, window_bounds = array<i64: 16>}, {pipeline_mode = #tpu.pipeline_mode<synchronous>, transform_indices = @transform_4, window_bounds = array<i64: 16, 64>}, {pipeline_mode = #tpu.pipeline_mode<synchronous>, transform_indices = @transform_5, window_bounds = array<i64: 64>}, {pipeline_mode = #tpu.pipeline_mode<synchronous>, transform_indices = @transform_6, window_bounds = array<i64: 131, 128>}, {pipeline_mode = #tpu.pipeline_mode<synchronous>, transform_indices = @transform_7, window_bounds = array<i64: 128>}, {transform_indices = @transform_8, window_bounds = array<i64: 1, 3584, 128>}, {transform_indices = @transform_9, window_bounds = array<i64: 1, 3584, 128>}]} {
    %get3A = arith.constant 0 : index
    %get3A_0 = arith.constant 0 : index
    %get3A_1 = arith.constant 0 : index
    %get3A_2 = vector.load %arg1[%get3A, %get3A_0, %get3A_1] : memref<1x3584x3xf32, #tpu.memory_space<vmem>>, vector<1x3584x3xf32>
    %get3A_3 = vector.shape_cast %get3A_2 : vector<1x3584x3xf32> to vector<3584x3xf32>
    %get3A_4 = arith.constant 0 : index
    %get3A_5 = arith.constant 0 : index
    %get3A_6 = arith.constant 0 : index
    %get3A_7 = vector.load %arg2[%get3A_4, %get3A_5, %get3A_6] : memref<1x3584x3xf32, #tpu.memory_space<vmem>>, vector<1x3584x3xf32>
    %get3A_8 = vector.shape_cast %get3A_7 : vector<1x3584x3xf32> to vector<3584x3xf32>
    %get3A_9 = arith.constant 0 : index
    %get3A_10 = arith.constant 0 : index
    %get3A_11 = vector.load %arg3[%get3A_9, %get3A_10] : memref<3x16xf32, #tpu.memory_space<vmem>>, vector<3x16xf32>
    %get3A_12 = arith.constant 0 : index
    %get3A_13 = vector.load %arg4[%get3A_12] : memref<16xf32, #tpu.memory_space<vmem>>, vector<16xf32>
    %get3A_14 = arith.constant 0 : index
    %get3A_15 = arith.constant 0 : index
    %get3A_16 = vector.load %arg5[%get3A_14, %get3A_15] : memref<16x64xf32, #tpu.memory_space<vmem>>, vector<16x64xf32>
    %get3A_17 = arith.constant 0 : index
    %get3A_18 = vector.load %arg6[%get3A_17] : memref<64xf32, #tpu.memory_space<vmem>>, vector<64xf32>
    %get3A_19 = arith.constant 0 : index
    %get3A_20 = arith.constant 0 : index
    %get3A_21 = vector.load %arg7[%get3A_19, %get3A_20] : memref<131x128xf32, #tpu.memory_space<vmem>>, vector<131x128xf32>
    %get3A_22 = arith.constant 0 : index
    %get3A_23 = vector.load %arg8[%get3A_22] : memref<128xf32, #tpu.memory_space<vmem>>, vector<128xf32>
    %dot_general3A = arith.constant dense<0.000000e+00> : vector<3584x16xf32>
    %dot_general3A_24 = tpu.matmul %get3A_3, %get3A_11, %dot_general3A {dimension_numbers = #tpu.dot_dimension_numbers<[1], [0], [0], [1], [0, 0, 1, 1], [], []>, transpose_lhs_hint = false} : vector<3584x3xf32>, vector<3x16xf32>, vector<3584x16xf32> -> vector<3584x16xf32>
    %broadcast_in_dim3A = vector.shape_cast %get3A_13 : vector<16xf32> to vector<1x16xf32>
    %add3A = vector.broadcast %broadcast_in_dim3A : vector<1x16xf32> to vector<3584x16xf32>
    %add3A_25 = arith.addf %dot_general3A_24, %add3A : vector<3584x16xf32>
    %max3A = arith.constant 0.000000e+00 : f32
    %max3A_26 = vector.broadcast %max3A : f32 to vector<3584x16xf32>
    %max3A_27 = arith.maximumf %add3A_25, %max3A_26 : vector<3584x16xf32>
    %dot_general3A_28 = arith.constant dense<0.000000e+00> : vector<3584x64xf32>
    %dot_general3A_29 = tpu.matmul %max3A_27, %get3A_16, %dot_general3A_28 {dimension_numbers = #tpu.dot_dimension_numbers<[1], [0], [0], [1], [0, 0, 1, 1], [], []>, transpose_lhs_hint = false} : vector<3584x16xf32>, vector<16x64xf32>, vector<3584x64xf32> -> vector<3584x64xf32>
    %broadcast_in_dim3A_30 = vector.shape_cast %get3A_18 : vector<64xf32> to vector<1x64xf32>
    %add3A_31 = vector.broadcast %broadcast_in_dim3A_30 : vector<1x64xf32> to vector<3584x64xf32>
    %add3A_32 = arith.addf %dot_general3A_29, %add3A_31 : vector<3584x64xf32>
    %max3A_33 = arith.constant 0.000000e+00 : f32
    %max3A_34 = vector.broadcast %max3A_33 : f32 to vector<3584x64xf32>
    %max3A_35 = arith.maximumf %add3A_32, %max3A_34 : vector<3584x64xf32>
    %dot_general3A_36 = arith.constant dense<0.000000e+00> : vector<3584x16xf32>
    %dot_general3A_37 = tpu.matmul %get3A_8, %get3A_11, %dot_general3A_36 {dimension_numbers = #tpu.dot_dimension_numbers<[1], [0], [0], [1], [0, 0, 1, 1], [], []>, transpose_lhs_hint = false} : vector<3584x3xf32>, vector<3x16xf32>, vector<3584x16xf32> -> vector<3584x16xf32>
    %broadcast_in_dim3A_38 = vector.shape_cast %get3A_13 : vector<16xf32> to vector<1x16xf32>
    %add3A_39 = vector.broadcast %broadcast_in_dim3A_38 : vector<1x16xf32> to vector<3584x16xf32>
    %add3A_40 = arith.addf %dot_general3A_37, %add3A_39 : vector<3584x16xf32>
    %max3A_41 = arith.constant 0.000000e+00 : f32
    %max3A_42 = vector.broadcast %max3A_41 : f32 to vector<3584x16xf32>
    %max3A_43 = arith.maximumf %add3A_40, %max3A_42 : vector<3584x16xf32>
    %dot_general3A_44 = arith.constant dense<0.000000e+00> : vector<3584x64xf32>
    %dot_general3A_45 = tpu.matmul %max3A_43, %get3A_16, %dot_general3A_44 {dimension_numbers = #tpu.dot_dimension_numbers<[1], [0], [0], [1], [0, 0, 1, 1], [], []>, transpose_lhs_hint = false} : vector<3584x16xf32>, vector<16x64xf32>, vector<3584x64xf32> -> vector<3584x64xf32>
    %broadcast_in_dim3A_46 = vector.shape_cast %get3A_18 : vector<64xf32> to vector<1x64xf32>
    %add3A_47 = vector.broadcast %broadcast_in_dim3A_46 : vector<1x64xf32> to vector<3584x64xf32>
    %add3A_48 = arith.addf %dot_general3A_45, %add3A_47 : vector<3584x64xf32>
    %max3A_49 = arith.constant 0.000000e+00 : f32
    %max3A_50 = vector.broadcast %max3A_49 : f32 to vector<3584x64xf32>
    %max3A_51 = arith.maximumf %add3A_48, %max3A_50 : vector<3584x64xf32>
    %slice3A = vector.extract_strided_slice %get3A_21 {offsets = [0, 0], sizes = [64, 128], strides = [1, 1]} : vector<131x128xf32> to vector<64x128xf32>
    %slice3A_52 = vector.extract_strided_slice %get3A_21 {offsets = [64, 0], sizes = [64, 128], strides = [1, 1]} : vector<131x128xf32> to vector<64x128xf32>
    %slice3A_53 = vector.extract_strided_slice %get3A_21 {offsets = [128, 0], sizes = [3, 128], strides = [1, 1]} : vector<131x128xf32> to vector<3x128xf32>
    %dot_general3A_54 = arith.constant dense<0.000000e+00> : vector<3584x128xf32>
    %dot_general3A_55 = tpu.matmul %max3A_35, %slice3A, %dot_general3A_54 {dimension_numbers = #tpu.dot_dimension_numbers<[1], [0], [0], [1], [0, 0, 1, 1], [], []>, transpose_lhs_hint = false} : vector<3584x64xf32>, vector<64x128xf32>, vector<3584x128xf32> -> vector<3584x128xf32>
    %dot_general3A_56 = arith.constant dense<0.000000e+00> : vector<3584x128xf32>
    %dot_general3A_57 = tpu.matmul %get3A_3, %slice3A_53, %dot_general3A_56 {dimension_numbers = #tpu.dot_dimension_numbers<[1], [0], [0], [1], [0, 0, 1, 1], [], []>, transpose_lhs_hint = false} : vector<3584x3xf32>, vector<3x128xf32>, vector<3584x128xf32> -> vector<3584x128xf32>
    %sub3A = arith.subf %dot_general3A_55, %dot_general3A_57 : vector<3584x128xf32>
    %swap3A = arith.constant 0 : index
    %swap3A_58 = arith.constant 0 : index
    %swap3A_59 = arith.constant 0 : index
    %swap3A_60 = vector.load %arg9[%swap3A, %swap3A_58, %swap3A_59] : memref<1x3584x128xf32, #tpu.memory_space<vmem>>, vector<1x3584x128xf32>
    %swap3A_61 = vector.shape_cast %swap3A_60 : vector<1x3584x128xf32> to vector<3584x128xf32>
    %swap3A_62 = vector.shape_cast %sub3A : vector<3584x128xf32> to vector<1x3584x128xf32>
    tpu.vector_store %arg9[%swap3A, %swap3A_58, %swap3A_59], %swap3A_62 {strides = array<i32>} : memref<1x3584x128xf32, #tpu.memory_space<vmem>>, vector<1x3584x128xf32>,
    %dot_general3A_63 = arith.constant dense<0.000000e+00> : vector<3584x128xf32>
    %dot_general3A_64 = tpu.matmul %max3A_51, %slice3A_52, %dot_general3A_63 {dimension_numbers = #tpu.dot_dimension_numbers<[1], [0], [0], [1], [0, 0, 1, 1], [], []>, transpose_lhs_hint = false} : vector<3584x64xf32>, vector<64x128xf32>, vector<3584x128xf32> -> vector<3584x128xf32>
    %dot_general3A_65 = arith.constant dense<0.000000e+00> : vector<3584x128xf32>
    %dot_general3A_66 = tpu.matmul %get3A_8, %slice3A_53, %dot_general3A_65 {dimension_numbers = #tpu.dot_dimension_numbers<[1], [0], [0], [1], [0, 0, 1, 1], [], []>, transpose_lhs_hint = false} : vector<3584x3xf32>, vector<3x128xf32>, vector<3584x128xf32> -> vector<3584x128xf32>
    %add3A_67 = arith.addf %dot_general3A_64, %dot_general3A_66 : vector<3584x128xf32>
    %broadcast_in_dim3A_68 = vector.shape_cast %get3A_23 : vector<128xf32> to vector<1x128xf32>
    %add3A_69 = vector.broadcast %broadcast_in_dim3A_68 : vector<1x128xf32> to vector<3584x128xf32>
    %add3A_70 = arith.addf %add3A_67, %add3A_69 : vector<3584x128xf32>
    %swap3A_71 = arith.constant 0 : index
    %swap3A_72 = arith.constant 0 : index
    %swap3A_73 = arith.constant 0 : index
    %swap3A_74 = vector.load %arg10[%swap3A_71, %swap3A_72, %swap3A_73] : memref<1x3584x128xf32, #tpu.memory_space<vmem>>, vector<1x3584x128xf32>
    %swap3A_75 = vector.shape_cast %swap3A_74 : vector<1x3584x128xf32> to vector<3584x128xf32>
    %swap3A_76 = vector.shape_cast %add3A_70 : vector<3584x128xf32> to vector<1x3584x128xf32>
    tpu.vector_store %arg10[%swap3A_71, %swap3A_72, %swap3A_73], %swap3A_76 {strides = array<i32>} : memref<1x3584x128xf32, #tpu.memory_space<vmem>>, vector<1x3584x128xf32>,
    return
  }
  func.func @transform_0(%arg0: i32) -> (i32, i32, i32) {
    %c0_i32 = arith.constant 0 : i32
    %c0_i32_0 = arith.constant 0 : i32
    %c0_i32_1 = arith.constant 0 : i32
    return %arg0, %c0_i32, %c0_i32_0 : i32, i32, i32
  }
  func.func @transform_1(%arg0: i32) -> (i32, i32, i32) {
    %c0_i32 = arith.constant 0 : i32
    %c0_i32_0 = arith.constant 0 : i32
    %c0_i32_1 = arith.constant 0 : i32
    return %arg0, %c0_i32, %c0_i32_0 : i32, i32, i32
  }
  func.func @transform_2(%arg0: i32) -> (i32, i32) {
    %c0_i32 = arith.constant 0 : i32
    %c0_i32_0 = arith.constant 0 : i32
    %c0_i32_1 = arith.constant 0 : i32
    return %c0_i32, %c0_i32_0 : i32, i32
  }
  func.func @transform_3(%arg0: i32) -> i32 {
    %c0_i32 = arith.constant 0 : i32
    %c0_i32_0 = arith.constant 0 : i32
    return %c0_i32 : i32
  }
  func.func @transform_4(%arg0: i32) -> (i32, i32) {
    %c0_i32 = arith.constant 0 : i32
    %c0_i32_0 = arith.constant 0 : i32
    %c0_i32_1 = arith.constant 0 : i32
    return %c0_i32, %c0_i32_0 : i32, i32
  }
  func.func @transform_5(%arg0: i32) -> i32 {
    %c0_i32 = arith.constant 0 : i32
    %c0_i32_0 = arith.constant 0 : i32
    return %c0_i32 : i32
  }
  func.func @transform_6(%arg0: i32) -> (i32, i32) {
    %c0_i32 = arith.constant 0 : i32
    %c0_i32_0 = arith.constant 0 : i32
    %c0_i32_1 = arith.constant 0 : i32
    return %c0_i32, %c0_i32_0 : i32, i32
  }
  func.func @transform_7(%arg0: i32) -> i32 {
    %c0_i32 = arith.constant 0 : i32
    %c0_i32_0 = arith.constant 0 : i32
    return %c0_i32 : i32
  }
  func.func @transform_8(%arg0: i32) -> (i32, i32, i32) {
    %c0_i32 = arith.constant 0 : i32
    %c0_i32_0 = arith.constant 0 : i32
    %c0_i32_1 = arith.constant 0 : i32
    return %arg0, %c0_i32, %c0_i32_0 : i32, i32, i32
  }
  func.func @transform_9(%arg0: i32) -> (i32, i32, i32) {
    %c0_i32 = arith.constant 0 : i32
    %c0_i32_0 = arith.constant 0 : i32
    %c0_i32_1 = arith.constant 0 : i32
    return %arg0, %c0_i32, %c0_i32_0 : i32, i32, i32
  }
}

module attributes {stable_mosaic.version = 14 : i64} {
  func.func @_topk_body(%arg0: i32, %arg1: memref<128x3xf32, #tpu.memory_space<vmem>>, %arg2: memref<3584x3xf32, #tpu.memory_space<vmem>>, %arg3: memref<128x32xi32, #tpu.memory_space<vmem>>, %arg4: memref<128x32xf32, #tpu.memory_space<vmem>>) attributes {dimension_semantics = [#tpu.dimension_semantics<arbitrary>], iteration_bounds = array<i64: 14>, scalar_prefetch = 0 : i64, scratch_operands = 0 : i64, tpu.core_type = #tpu.core_type<tc>, window_params = [{transform_indices = @transform_0, window_bounds = array<i64: 128, 3>}, {pipeline_mode = #tpu.pipeline_mode<synchronous>, transform_indices = @transform_1, window_bounds = array<i64: 3584, 3>}, {transform_indices = @transform_2, window_bounds = array<i64: 128, 32>}, {transform_indices = @transform_3, window_bounds = array<i64: 128, 32>}]} {
    %get3A = arith.constant 0 : index
    %get3A_0 = arith.constant 0 : index
    %get3A_1 = vector.load %arg1[%get3A, %get3A_0] : memref<128x3xf32, #tpu.memory_space<vmem>>, vector<128x3xf32>
    %get3A_2 = arith.constant 0 : index
    %get3A_3 = arith.constant 0 : index
    %get3A_4 = vector.load %arg2[%get3A_2, %get3A_3] : memref<3584x3xf32, #tpu.memory_space<vmem>>, vector<3584x3xf32>
    %mul3A = arith.mulf %get3A_1, %get3A_1 : vector<128x3xf32>
    %reduce_sum3A = arith.constant dense<0.000000e+00> : vector<128xf32>
    %reduce_sum3A_5 = vector.multi_reduction <add>, %mul3A, %reduce_sum3A [1] : vector<128x3xf32> to vector<128xf32>
    %broadcast_in_dim3A = vector.shape_cast %reduce_sum3A_5 : vector<128xf32> to vector<128x1xf32>
    %mul3A_6 = arith.mulf %get3A_4, %get3A_4 : vector<3584x3xf32>
    %reduce_sum3A_7 = arith.constant dense<0.000000e+00> : vector<3584xf32>
    %reduce_sum3A_8 = vector.multi_reduction <add>, %mul3A_6, %reduce_sum3A_7 [1] : vector<3584x3xf32> to vector<3584xf32>
    %broadcast_in_dim3A_9 = vector.shape_cast %reduce_sum3A_8 : vector<3584xf32> to vector<1x3584xf32>
    %dot_general3A = arith.constant dense<0.000000e+00> : vector<128x3584xf32>
    %dot_general3A_10 = tpu.matmul %get3A_1, %get3A_4, %dot_general3A {dimension_numbers = #tpu.dot_dimension_numbers<[1], [1], [0], [0], [0, 0, 1, 0], [], []>, transpose_lhs_hint = false} : vector<128x3xf32>, vector<3584x3xf32>, vector<128x3584xf32> -> vector<128x3584xf32>
    %mul3A_11 = arith.constant 2.000000e+00 : f32
    %mul3A_12 = vector.broadcast %mul3A_11 : f32 to vector<128x3584xf32>
    %mul3A_13 = arith.mulf %mul3A_12, %dot_general3A_10 : vector<128x3584xf32>
    %sub3A = vector.broadcast %broadcast_in_dim3A : vector<128x1xf32> to vector<128x3584xf32>
    %sub3A_14 = arith.subf %sub3A, %mul3A_13 : vector<128x3584xf32>
    %add3A = vector.broadcast %broadcast_in_dim3A_9 : vector<1x3584xf32> to vector<128x3584xf32>
    %add3A_15 = arith.addf %sub3A_14, %add3A : vector<128x3584xf32>
    %max3A = arith.constant 0.000000e+00 : f32
    %max3A_16 = vector.broadcast %max3A : f32 to vector<128x3584xf32>
    %max3A_17 = arith.maximumf %add3A_15, %max3A_16 : vector<128x3584xf32>
    %bitcast_convert_type3A = tpu.bitcast %max3A_17 : vector<128x3584xf32> -> vector<128x3584xi32>
    %iota3A = tpu.iota {dimensions = array<i32: 1>} : vector<128x3584xi32>
    %and3A = arith.constant -4096 : i32
    %and3A_18 = vector.broadcast %and3A : i32 to vector<128x3584xi32>
    %and3A_19 = arith.andi %bitcast_convert_type3A, %and3A_18 : vector<128x3584xi32>
    %or3A = arith.ori %and3A_19, %iota3A : vector<128x3584xi32>
    %slice3A = vector.extract_strided_slice %or3A {offsets = [0, 0], sizes = [128, 1792], strides = [1, 1]} : vector<128x3584xi32> to vector<128x1792xi32>
    %slice3A_20 = vector.extract_strided_slice %or3A {offsets = [0, 1792], sizes = [128, 1792], strides = [1, 1]} : vector<128x3584xi32> to vector<128x1792xi32>
    %slice3A_21 = vector.extract_strided_slice %add3A_15 {offsets = [0, 0], sizes = [128, 1792], strides = [1, 1]} : vector<128x3584xf32> to vector<128x1792xf32>
    %slice3A_22 = vector.extract_strided_slice %add3A_15 {offsets = [0, 1792], sizes = [128, 1792], strides = [1, 1]} : vector<128x3584xf32> to vector<128x1792xf32>
    %lt3A = arith.cmpi slt, %slice3A_20, %slice3A : vector<128x1792xi32>
    %select_n3A = arith.select %lt3A, %slice3A_20, %slice3A : vector<128x1792xi1>, vector<128x1792xi32>
    %select_n3A_23 = arith.select %lt3A, %slice3A, %slice3A_20 : vector<128x1792xi1>, vector<128x1792xi32>
    %select_n3A_24 = arith.select %lt3A, %slice3A_22, %slice3A_21 : vector<128x1792xi1>, vector<128x1792xf32>
    %select_n3A_25 = arith.select %lt3A, %slice3A_21, %slice3A_22 : vector<128x1792xi1>, vector<128x1792xf32>
    %broadcast_in_dim3A_26 = arith.constant 1.000000e+00 : f32
    %broadcast_in_dim3A_27 = vector.broadcast %broadcast_in_dim3A_26 : f32 to vector<1792x1xf32>
    %reduce_min3A = arith.constant dense<2147483647> : vector<128xi32>
    %reduce_min3A_28 = vector.multi_reduction <minsi>, %select_n3A, %reduce_min3A [1] : vector<128x1792xi32> to vector<128xi32>
    %broadcast_in_dim3A_29 = vector.shape_cast %reduce_min3A_28 : vector<128xi32> to vector<128x1xi32>
    %and3A_30 = arith.constant 4095 : i32
    %and3A_31 = vector.broadcast %and3A_30 : i32 to vector<128x1xi32>
    %and3A_32 = arith.andi %broadcast_in_dim3A_29, %and3A_31 : vector<128x1xi32>
    %add3A_33 = arith.constant 0 : i32
    %add3A_34 = vector.broadcast %add3A_33 : i32 to vector<128x1xi32>
    %add3A_35 = arith.addi %and3A_32, %add3A_34 : vector<128x1xi32>
    %swap3A = arith.constant 0 : index
    %swap3A_36 = arith.constant 0 : index
    %swap3A_37 = vector.load %arg3[%swap3A, %swap3A_36] : memref<128x32xi32, #tpu.memory_space<vmem>>, vector<128x1xi32>
    tpu.vector_store %arg3[%swap3A, %swap3A_36], %add3A_35 {strides = array<i32>} : memref<128x32xi32, #tpu.memory_space<vmem>>, vector<128x1xi32>,
    %eq3A = vector.broadcast %broadcast_in_dim3A_29 : vector<128x1xi32> to vector<128x1792xi32>
    %eq3A_38 = arith.cmpi eq, %select_n3A, %eq3A : vector<128x1792xi32>
    %jit3A = arith.constant 0.000000e+00 : f32
    %broadcast_in_dim3A_39 = vector.broadcast %jit3A : f32 to vector<128x1792xf32>
    %select_n3A_40 = arith.select %eq3A_38, %select_n3A_24, %broadcast_in_dim3A_39 : vector<128x1792xi1>, vector<128x1792xf32>
    %dot_general3A_41 = arith.constant dense<0.000000e+00> : vector<128x1xf32>
    %dot_general3A_42 = tpu.matmul %select_n3A_40, %broadcast_in_dim3A_27, %dot_general3A_41 {dimension_numbers = #tpu.dot_dimension_numbers<[1], [0], [0], [1], [0, 0, 1, 1], [], []>, transpose_lhs_hint = false} : vector<128x1792xf32>, vector<1792x1xf32>, vector<128x1xf32> -> vector<128x1xf32>
    %neg3A = arith.constant 0.000000e+00 : f32
    %neg3A_43 = vector.broadcast %neg3A : f32 to vector<128x1xf32>
    %neg3A_44 = arith.subf %neg3A_43, %dot_general3A_42 : vector<128x1xf32>
    %swap3A_45 = arith.constant 0 : index
    %swap3A_46 = arith.constant 0 : index
    %swap3A_47 = vector.load %arg4[%swap3A_45, %swap3A_46] : memref<128x32xf32, #tpu.memory_space<vmem>>, vector<128x1xf32>
    tpu.vector_store %arg4[%swap3A_45, %swap3A_46], %neg3A_44 {strides = array<i32>} : memref<128x32xf32, #tpu.memory_space<vmem>>, vector<128x1xf32>,
    %select_n3A_48 = arith.select %eq3A_38, %select_n3A_23, %select_n3A : vector<128x1792xi1>, vector<128x1792xi32>
    %select_n3A_49 = arith.select %eq3A_38, %select_n3A_25, %select_n3A_24 : vector<128x1792xi1>, vector<128x1792xf32>
    %jit3A_50 = arith.constant 2147483647 : i32
    %broadcast_in_dim3A_51 = vector.broadcast %jit3A_50 : i32 to vector<128x1792xi32>
    %select_n3A_52 = arith.select %eq3A_38, %broadcast_in_dim3A_51, %select_n3A_23 : vector<128x1792xi1>, vector<128x1792xi32>
    %reduce_min3A_53 = arith.constant dense<2147483647> : vector<128xi32>
    %reduce_min3A_54 = vector.multi_reduction <minsi>, %select_n3A_48, %reduce_min3A_53 [1] : vector<128x1792xi32> to vector<128xi32>
    %broadcast_in_dim3A_55 = vector.shape_cast %reduce_min3A_54 : vector<128xi32> to vector<128x1xi32>
    %and3A_56 = arith.constant 4095 : i32
    %and3A_57 = vector.broadcast %and3A_56 : i32 to vector<128x1xi32>
    %and3A_58 = arith.andi %broadcast_in_dim3A_55, %and3A_57 : vector<128x1xi32>
    %add3A_59 = arith.constant 0 : i32
    %add3A_60 = vector.broadcast %add3A_59 : i32 to vector<128x1xi32>
    %add3A_61 = arith.addi %and3A_58, %add3A_60 : vector<128x1xi32>
    %swap3A_62 = arith.constant 0 : index
    %swap3A_63 = arith.constant 1 : index
    %swap3A_64 = vector.load %arg3[%swap3A_62, %swap3A_63] : memref<128x32xi32, #tpu.memory_space<vmem>>, vector<128x1xi32>
    tpu.vector_store %arg3[%swap3A_62, %swap3A_63], %add3A_61 {strides = array<i32>} : memref<128x32xi32, #tpu.memory_space<vmem>>, vector<128x1xi32>,
    %eq3A_65 = vector.broadcast %broadcast_in_dim3A_55 : vector<128x1xi32> to vector<128x1792xi32>
    %eq3A_66 = arith.cmpi eq, %select_n3A_48, %eq3A_65 : vector<128x1792xi32>
    %jit3A_67 = arith.constant 0.000000e+00 : f32
    %broadcast_in_dim3A_68 = vector.broadcast %jit3A_67 : f32 to vector<128x1792xf32>
    %select_n3A_69 = arith.select %eq3A_66, %select_n3A_49, %broadcast_in_dim3A_68 : vector<128x1792xi1>, vector<128x1792xf32>
    %dot_general3A_70 = arith.constant dense<0.000000e+00> : vector<128x1xf32>
    %dot_general3A_71 = tpu.matmul %select_n3A_69, %broadcast_in_dim3A_27, %dot_general3A_70 {dimension_numbers = #tpu.dot_dimension_numbers<[1], [0], [0], [1], [0, 0, 1, 1], [], []>, transpose_lhs_hint = false} : vector<128x1792xf32>, vector<1792x1xf32>, vector<128x1xf32> -> vector<128x1xf32>
    %neg3A_72 = arith.constant 0.000000e+00 : f32
    %neg3A_73 = vector.broadcast %neg3A_72 : f32 to vector<128x1xf32>
    %neg3A_74 = arith.subf %neg3A_73, %dot_general3A_71 : vector<128x1xf32>
    %swap3A_75 = arith.constant 0 : index
    %swap3A_76 = arith.constant 1 : index
    %swap3A_77 = vector.load %arg4[%swap3A_75, %swap3A_76] : memref<128x32xf32, #tpu.memory_space<vmem>>, vector<128x1xf32>
    tpu.vector_store %arg4[%swap3A_75, %swap3A_76], %neg3A_74 {strides = array<i32>} : memref<128x32xf32, #tpu.memory_space<vmem>>, vector<128x1xf32>,
    %select_n3A_78 = arith.select %eq3A_66, %select_n3A_52, %select_n3A_48 : vector<128x1792xi1>, vector<128x1792xi32>
    %select_n3A_79 = arith.select %eq3A_66, %select_n3A_25, %select_n3A_49 : vector<128x1792xi1>, vector<128x1792xf32>
    %jit3A_80 = arith.constant 2147483647 : i32
    %broadcast_in_dim3A_81 = vector.broadcast %jit3A_80 : i32 to vector<128x1792xi32>
    %select_n3A_82 = arith.select %eq3A_66, %broadcast_in_dim3A_81, %select_n3A_52 : vector<128x1792xi1>, vector<128x1792xi32>
    %reduce_min3A_83 = arith.constant dense<2147483647> : vector<128xi32>
    %reduce_min3A_84 = vector.multi_reduction <minsi>, %select_n3A_78, %reduce_min3A_83 [1] : vector<128x1792xi32> to vector<128xi32>
    %broadcast_in_dim3A_85 = vector.shape_cast %reduce_min3A_84 : vector<128xi32> to vector<128x1xi32>
    %and3A_86 = arith.constant 4095 : i32
    %and3A_87 = vector.broadcast %and3A_86 : i32 to vector<128x1xi32>
    %and3A_88 = arith.andi %broadcast_in_dim3A_85, %and3A_87 : vector<128x1xi32>
    %add3A_89 = arith.constant 0 : i32
    %add3A_90 = vector.broadcast %add3A_89 : i32 to vector<128x1xi32>
    %add3A_91 = arith.addi %and3A_88, %add3A_90 : vector<128x1xi32>
    %swap3A_92 = arith.constant 0 : index
    %swap3A_93 = arith.constant 2 : index
    %swap3A_94 = vector.load %arg3[%swap3A_92, %swap3A_93] : memref<128x32xi32, #tpu.memory_space<vmem>>, vector<128x1xi32>
    tpu.vector_store %arg3[%swap3A_92, %swap3A_93], %add3A_91 {strides = array<i32>} : memref<128x32xi32, #tpu.memory_space<vmem>>, vector<128x1xi32>,
    %eq3A_95 = vector.broadcast %broadcast_in_dim3A_85 : vector<128x1xi32> to vector<128x1792xi32>
    %eq3A_96 = arith.cmpi eq, %select_n3A_78, %eq3A_95 : vector<128x1792xi32>
    %jit3A_97 = arith.constant 0.000000e+00 : f32
    %broadcast_in_dim3A_98 = vector.broadcast %jit3A_97 : f32 to vector<128x1792xf32>
    %select_n3A_99 = arith.select %eq3A_96, %select_n3A_79, %broadcast_in_dim3A_98 : vector<128x1792xi1>, vector<128x1792xf32>
    %dot_general3A_100 = arith.constant dense<0.000000e+00> : vector<128x1xf32>
    %dot_general3A_101 = tpu.matmul %select_n3A_99, %broadcast_in_dim3A_27, %dot_general3A_100 {dimension_numbers = #tpu.dot_dimension_numbers<[1], [0], [0], [1], [0, 0, 1, 1], [], []>, transpose_lhs_hint = false} : vector<128x1792xf32>, vector<1792x1xf32>, vector<128x1xf32> -> vector<128x1xf32>
    %neg3A_102 = arith.constant 0.000000e+00 : f32
    %neg3A_103 = vector.broadcast %neg3A_102 : f32 to vector<128x1xf32>
    %neg3A_104 = arith.subf %neg3A_103, %dot_general3A_101 : vector<128x1xf32>
    %swap3A_105 = arith.constant 0 : index
    %swap3A_106 = arith.constant 2 : index
    %swap3A_107 = vector.load %arg4[%swap3A_105, %swap3A_106] : memref<128x32xf32, #tpu.memory_space<vmem>>, vector<128x1xf32>
    tpu.vector_store %arg4[%swap3A_105, %swap3A_106], %neg3A_104 {strides = array<i32>} : memref<128x32xf32, #tpu.memory_space<vmem>>, vector<128x1xf32>,
    %select_n3A_108 = arith.select %eq3A_96, %select_n3A_82, %select_n3A_78 : vector<128x1792xi1>, vector<128x1792xi32>
    %select_n3A_109 = arith.select %eq3A_96, %select_n3A_25, %select_n3A_79 : vector<128x1792xi1>, vector<128x1792xf32>
    %jit3A_110 = arith.constant 2147483647 : i32
    %broadcast_in_dim3A_111 = vector.broadcast %jit3A_110 : i32 to vector<128x1792xi32>
    %select_n3A_112 = arith.select %eq3A_96, %broadcast_in_dim3A_111, %select_n3A_82 : vector<128x1792xi1>, vector<128x1792xi32>
    %reduce_min3A_113 = arith.constant dense<2147483647> : vector<128xi32>
    %reduce_min3A_114 = vector.multi_reduction <minsi>, %select_n3A_108, %reduce_min3A_113 [1] : vector<128x1792xi32> to vector<128xi32>
    %broadcast_in_dim3A_115 = vector.shape_cast %reduce_min3A_114 : vector<128xi32> to vector<128x1xi32>
    %and3A_116 = arith.constant 4095 : i32
    %and3A_117 = vector.broadcast %and3A_116 : i32 to vector<128x1xi32>
    %and3A_118 = arith.andi %broadcast_in_dim3A_115, %and3A_117 : vector<128x1xi32>
    %add3A_119 = arith.constant 0 : i32
    %add3A_120 = vector.broadcast %add3A_119 : i32 to vector<128x1xi32>
    %add3A_121 = arith.addi %and3A_118, %add3A_120 : vector<128x1xi32>
    %swap3A_122 = arith.constant 0 : index
    %swap3A_123 = arith.constant 3 : index
    %swap3A_124 = vector.load %arg3[%swap3A_122, %swap3A_123] : memref<128x32xi32, #tpu.memory_space<vmem>>, vector<128x1xi32>
    tpu.vector_store %arg3[%swap3A_122, %swap3A_123], %add3A_121 {strides = array<i32>} : memref<128x32xi32, #tpu.memory_space<vmem>>, vector<128x1xi32>,
    %eq3A_125 = vector.broadcast %broadcast_in_dim3A_115 : vector<128x1xi32> to vector<128x1792xi32>
    %eq3A_126 = arith.cmpi eq, %select_n3A_108, %eq3A_125 : vector<128x1792xi32>
    %jit3A_127 = arith.constant 0.000000e+00 : f32
    %broadcast_in_dim3A_128 = vector.broadcast %jit3A_127 : f32 to vector<128x1792xf32>
    %select_n3A_129 = arith.select %eq3A_126, %select_n3A_109, %broadcast_in_dim3A_128 : vector<128x1792xi1>, vector<128x1792xf32>
    %dot_general3A_130 = arith.constant dense<0.000000e+00> : vector<128x1xf32>
    %dot_general3A_131 = tpu.matmul %select_n3A_129, %broadcast_in_dim3A_27, %dot_general3A_130 {dimension_numbers = #tpu.dot_dimension_numbers<[1], [0], [0], [1], [0, 0, 1, 1], [], []>, transpose_lhs_hint = false} : vector<128x1792xf32>, vector<1792x1xf32>, vector<128x1xf32> -> vector<128x1xf32>
    %neg3A_132 = arith.constant 0.000000e+00 : f32
    %neg3A_133 = vector.broadcast %neg3A_132 : f32 to vector<128x1xf32>
    %neg3A_134 = arith.subf %neg3A_133, %dot_general3A_131 : vector<128x1xf32>
    %swap3A_135 = arith.constant 0 : index
    %swap3A_136 = arith.constant 3 : index
    %swap3A_137 = vector.load %arg4[%swap3A_135, %swap3A_136] : memref<128x32xf32, #tpu.memory_space<vmem>>, vector<128x1xf32>
    tpu.vector_store %arg4[%swap3A_135, %swap3A_136], %neg3A_134 {strides = array<i32>} : memref<128x32xf32, #tpu.memory_space<vmem>>, vector<128x1xf32>,
    %select_n3A_138 = arith.select %eq3A_126, %select_n3A_112, %select_n3A_108 : vector<128x1792xi1>, vector<128x1792xi32>
    %select_n3A_139 = arith.select %eq3A_126, %select_n3A_25, %select_n3A_109 : vector<128x1792xi1>, vector<128x1792xf32>
    %jit3A_140 = arith.constant 2147483647 : i32
    %broadcast_in_dim3A_141 = vector.broadcast %jit3A_140 : i32 to vector<128x1792xi32>
    %select_n3A_142 = arith.select %eq3A_126, %broadcast_in_dim3A_141, %select_n3A_112 : vector<128x1792xi1>, vector<128x1792xi32>
    %reduce_min3A_143 = arith.constant dense<2147483647> : vector<128xi32>
    %reduce_min3A_144 = vector.multi_reduction <minsi>, %select_n3A_138, %reduce_min3A_143 [1] : vector<128x1792xi32> to vector<128xi32>
    %broadcast_in_dim3A_145 = vector.shape_cast %reduce_min3A_144 : vector<128xi32> to vector<128x1xi32>
    %and3A_146 = arith.constant 4095 : i32
    %and3A_147 = vector.broadcast %and3A_146 : i32 to vector<128x1xi32>
    %and3A_148 = arith.andi %broadcast_in_dim3A_145, %and3A_147 : vector<128x1xi32>
    %add3A_149 = arith.constant 0 : i32
    %add3A_150 = vector.broadcast %add3A_149 : i32 to vector<128x1xi32>
    %add3A_151 = arith.addi %and3A_148, %add3A_150 : vector<128x1xi32>
    %swap3A_152 = arith.constant 0 : index
    %swap3A_153 = arith.constant 4 : index
    %swap3A_154 = vector.load %arg3[%swap3A_152, %swap3A_153] : memref<128x32xi32, #tpu.memory_space<vmem>>, vector<128x1xi32>
    tpu.vector_store %arg3[%swap3A_152, %swap3A_153], %add3A_151 {strides = array<i32>} : memref<128x32xi32, #tpu.memory_space<vmem>>, vector<128x1xi32>,
    %eq3A_155 = vector.broadcast %broadcast_in_dim3A_145 : vector<128x1xi32> to vector<128x1792xi32>
    %eq3A_156 = arith.cmpi eq, %select_n3A_138, %eq3A_155 : vector<128x1792xi32>
    %jit3A_157 = arith.constant 0.000000e+00 : f32
    %broadcast_in_dim3A_158 = vector.broadcast %jit3A_157 : f32 to vector<128x1792xf32>
    %select_n3A_159 = arith.select %eq3A_156, %select_n3A_139, %broadcast_in_dim3A_158 : vector<128x1792xi1>, vector<128x1792xf32>
    %dot_general3A_160 = arith.constant dense<0.000000e+00> : vector<128x1xf32>
    %dot_general3A_161 = tpu.matmul %select_n3A_159, %broadcast_in_dim3A_27, %dot_general3A_160 {dimension_numbers = #tpu.dot_dimension_numbers<[1], [0], [0], [1], [0, 0, 1, 1], [], []>, transpose_lhs_hint = false} : vector<128x1792xf32>, vector<1792x1xf32>, vector<128x1xf32> -> vector<128x1xf32>
    %neg3A_162 = arith.constant 0.000000e+00 : f32
    %neg3A_163 = vector.broadcast %neg3A_162 : f32 to vector<128x1xf32>
    %neg3A_164 = arith.subf %neg3A_163, %dot_general3A_161 : vector<128x1xf32>
    %swap3A_165 = arith.constant 0 : index
    %swap3A_166 = arith.constant 4 : index
    %swap3A_167 = vector.load %arg4[%swap3A_165, %swap3A_166] : memref<128x32xf32, #tpu.memory_space<vmem>>, vector<128x1xf32>
    tpu.vector_store %arg4[%swap3A_165, %swap3A_166], %neg3A_164 {strides = array<i32>} : memref<128x32xf32, #tpu.memory_space<vmem>>, vector<128x1xf32>,
    %select_n3A_168 = arith.select %eq3A_156, %select_n3A_142, %select_n3A_138 : vector<128x1792xi1>, vector<128x1792xi32>
    %select_n3A_169 = arith.select %eq3A_156, %select_n3A_25, %select_n3A_139 : vector<128x1792xi1>, vector<128x1792xf32>
    %jit3A_170 = arith.constant 2147483647 : i32
    %broadcast_in_dim3A_171 = vector.broadcast %jit3A_170 : i32 to vector<128x1792xi32>
    %select_n3A_172 = arith.select %eq3A_156, %broadcast_in_dim3A_171, %select_n3A_142 : vector<128x1792xi1>, vector<128x1792xi32>
    %reduce_min3A_173 = arith.constant dense<2147483647> : vector<128xi32>
    %reduce_min3A_174 = vector.multi_reduction <minsi>, %select_n3A_168, %reduce_min3A_173 [1] : vector<128x1792xi32> to vector<128xi32>
    %broadcast_in_dim3A_175 = vector.shape_cast %reduce_min3A_174 : vector<128xi32> to vector<128x1xi32>
    %and3A_176 = arith.constant 4095 : i32
    %and3A_177 = vector.broadcast %and3A_176 : i32 to vector<128x1xi32>
    %and3A_178 = arith.andi %broadcast_in_dim3A_175, %and3A_177 : vector<128x1xi32>
    %add3A_179 = arith.constant 0 : i32
    %add3A_180 = vector.broadcast %add3A_179 : i32 to vector<128x1xi32>
    %add3A_181 = arith.addi %and3A_178, %add3A_180 : vector<128x1xi32>
    %swap3A_182 = arith.constant 0 : index
    %swap3A_183 = arith.constant 5 : index
    %swap3A_184 = vector.load %arg3[%swap3A_182, %swap3A_183] : memref<128x32xi32, #tpu.memory_space<vmem>>, vector<128x1xi32>
    tpu.vector_store %arg3[%swap3A_182, %swap3A_183], %add3A_181 {strides = array<i32>} : memref<128x32xi32, #tpu.memory_space<vmem>>, vector<128x1xi32>,
    %eq3A_185 = vector.broadcast %broadcast_in_dim3A_175 : vector<128x1xi32> to vector<128x1792xi32>
    %eq3A_186 = arith.cmpi eq, %select_n3A_168, %eq3A_185 : vector<128x1792xi32>
    %jit3A_187 = arith.constant 0.000000e+00 : f32
    %broadcast_in_dim3A_188 = vector.broadcast %jit3A_187 : f32 to vector<128x1792xf32>
    %select_n3A_189 = arith.select %eq3A_186, %select_n3A_169, %broadcast_in_dim3A_188 : vector<128x1792xi1>, vector<128x1792xf32>
    %dot_general3A_190 = arith.constant dense<0.000000e+00> : vector<128x1xf32>
    %dot_general3A_191 = tpu.matmul %select_n3A_189, %broadcast_in_dim3A_27, %dot_general3A_190 {dimension_numbers = #tpu.dot_dimension_numbers<[1], [0], [0], [1], [0, 0, 1, 1], [], []>, transpose_lhs_hint = false} : vector<128x1792xf32>, vector<1792x1xf32>, vector<128x1xf32> -> vector<128x1xf32>
    %neg3A_192 = arith.constant 0.000000e+00 : f32
    %neg3A_193 = vector.broadcast %neg3A_192 : f32 to vector<128x1xf32>
    %neg3A_194 = arith.subf %neg3A_193, %dot_general3A_191 : vector<128x1xf32>
    %swap3A_195 = arith.constant 0 : index
    %swap3A_196 = arith.constant 5 : index
    %swap3A_197 = vector.load %arg4[%swap3A_195, %swap3A_196] : memref<128x32xf32, #tpu.memory_space<vmem>>, vector<128x1xf32>
    tpu.vector_store %arg4[%swap3A_195, %swap3A_196], %neg3A_194 {strides = array<i32>} : memref<128x32xf32, #tpu.memory_space<vmem>>, vector<128x1xf32>,
    %select_n3A_198 = arith.select %eq3A_186, %select_n3A_172, %select_n3A_168 : vector<128x1792xi1>, vector<128x1792xi32>
    %select_n3A_199 = arith.select %eq3A_186, %select_n3A_25, %select_n3A_169 : vector<128x1792xi1>, vector<128x1792xf32>
    %jit3A_200 = arith.constant 2147483647 : i32
    %broadcast_in_dim3A_201 = vector.broadcast %jit3A_200 : i32 to vector<128x1792xi32>
    %select_n3A_202 = arith.select %eq3A_186, %broadcast_in_dim3A_201, %select_n3A_172 : vector<128x1792xi1>, vector<128x1792xi32>
    %reduce_min3A_203 = arith.constant dense<2147483647> : vector<128xi32>
    %reduce_min3A_204 = vector.multi_reduction <minsi>, %select_n3A_198, %reduce_min3A_203 [1] : vector<128x1792xi32> to vector<128xi32>
    %broadcast_in_dim3A_205 = vector.shape_cast %reduce_min3A_204 : vector<128xi32> to vector<128x1xi32>
    %and3A_206 = arith.constant 4095 : i32
    %and3A_207 = vector.broadcast %and3A_206 : i32 to vector<128x1xi32>
    %and3A_208 = arith.andi %broadcast_in_dim3A_205, %and3A_207 : vector<128x1xi32>
    %add3A_209 = arith.constant 0 : i32
    %add3A_210 = vector.broadcast %add3A_209 : i32 to vector<128x1xi32>
    %add3A_211 = arith.addi %and3A_208, %add3A_210 : vector<128x1xi32>
    %swap3A_212 = arith.constant 0 : index
    %swap3A_213 = arith.constant 6 : index
    %swap3A_214 = vector.load %arg3[%swap3A_212, %swap3A_213] : memref<128x32xi32, #tpu.memory_space<vmem>>, vector<128x1xi32>
    tpu.vector_store %arg3[%swap3A_212, %swap3A_213], %add3A_211 {strides = array<i32>} : memref<128x32xi32, #tpu.memory_space<vmem>>, vector<128x1xi32>,
    %eq3A_215 = vector.broadcast %broadcast_in_dim3A_205 : vector<128x1xi32> to vector<128x1792xi32>
    %eq3A_216 = arith.cmpi eq, %select_n3A_198, %eq3A_215 : vector<128x1792xi32>
    %jit3A_217 = arith.constant 0.000000e+00 : f32
    %broadcast_in_dim3A_218 = vector.broadcast %jit3A_217 : f32 to vector<128x1792xf32>
    %select_n3A_219 = arith.select %eq3A_216, %select_n3A_199, %broadcast_in_dim3A_218 : vector<128x1792xi1>, vector<128x1792xf32>
    %dot_general3A_220 = arith.constant dense<0.000000e+00> : vector<128x1xf32>
    %dot_general3A_221 = tpu.matmul %select_n3A_219, %broadcast_in_dim3A_27, %dot_general3A_220 {dimension_numbers = #tpu.dot_dimension_numbers<[1], [0], [0], [1], [0, 0, 1, 1], [], []>, transpose_lhs_hint = false} : vector<128x1792xf32>, vector<1792x1xf32>, vector<128x1xf32> -> vector<128x1xf32>
    %neg3A_222 = arith.constant 0.000000e+00 : f32
    %neg3A_223 = vector.broadcast %neg3A_222 : f32 to vector<128x1xf32>
    %neg3A_224 = arith.subf %neg3A_223, %dot_general3A_221 : vector<128x1xf32>
    %swap3A_225 = arith.constant 0 : index
    %swap3A_226 = arith.constant 6 : index
    %swap3A_227 = vector.load %arg4[%swap3A_225, %swap3A_226] : memref<128x32xf32, #tpu.memory_space<vmem>>, vector<128x1xf32>
    tpu.vector_store %arg4[%swap3A_225, %swap3A_226], %neg3A_224 {strides = array<i32>} : memref<128x32xf32, #tpu.memory_space<vmem>>, vector<128x1xf32>,
    %select_n3A_228 = arith.select %eq3A_216, %select_n3A_202, %select_n3A_198 : vector<128x1792xi1>, vector<128x1792xi32>
    %select_n3A_229 = arith.select %eq3A_216, %select_n3A_25, %select_n3A_199 : vector<128x1792xi1>, vector<128x1792xf32>
    %jit3A_230 = arith.constant 2147483647 : i32
    %broadcast_in_dim3A_231 = vector.broadcast %jit3A_230 : i32 to vector<128x1792xi32>
    %select_n3A_232 = arith.select %eq3A_216, %broadcast_in_dim3A_231, %select_n3A_202 : vector<128x1792xi1>, vector<128x1792xi32>
    %reduce_min3A_233 = arith.constant dense<2147483647> : vector<128xi32>
    %reduce_min3A_234 = vector.multi_reduction <minsi>, %select_n3A_228, %reduce_min3A_233 [1] : vector<128x1792xi32> to vector<128xi32>
    %broadcast_in_dim3A_235 = vector.shape_cast %reduce_min3A_234 : vector<128xi32> to vector<128x1xi32>
    %and3A_236 = arith.constant 4095 : i32
    %and3A_237 = vector.broadcast %and3A_236 : i32 to vector<128x1xi32>
    %and3A_238 = arith.andi %broadcast_in_dim3A_235, %and3A_237 : vector<128x1xi32>
    %add3A_239 = arith.constant 0 : i32
    %add3A_240 = vector.broadcast %add3A_239 : i32 to vector<128x1xi32>
    %add3A_241 = arith.addi %and3A_238, %add3A_240 : vector<128x1xi32>
    %swap3A_242 = arith.constant 0 : index
    %swap3A_243 = arith.constant 7 : index
    %swap3A_244 = vector.load %arg3[%swap3A_242, %swap3A_243] : memref<128x32xi32, #tpu.memory_space<vmem>>, vector<128x1xi32>
    tpu.vector_store %arg3[%swap3A_242, %swap3A_243], %add3A_241 {strides = array<i32>} : memref<128x32xi32, #tpu.memory_space<vmem>>, vector<128x1xi32>,
    %eq3A_245 = vector.broadcast %broadcast_in_dim3A_235 : vector<128x1xi32> to vector<128x1792xi32>
    %eq3A_246 = arith.cmpi eq, %select_n3A_228, %eq3A_245 : vector<128x1792xi32>
    %jit3A_247 = arith.constant 0.000000e+00 : f32
    %broadcast_in_dim3A_248 = vector.broadcast %jit3A_247 : f32 to vector<128x1792xf32>
    %select_n3A_249 = arith.select %eq3A_246, %select_n3A_229, %broadcast_in_dim3A_248 : vector<128x1792xi1>, vector<128x1792xf32>
    %dot_general3A_250 = arith.constant dense<0.000000e+00> : vector<128x1xf32>
    %dot_general3A_251 = tpu.matmul %select_n3A_249, %broadcast_in_dim3A_27, %dot_general3A_250 {dimension_numbers = #tpu.dot_dimension_numbers<[1], [0], [0], [1], [0, 0, 1, 1], [], []>, transpose_lhs_hint = false} : vector<128x1792xf32>, vector<1792x1xf32>, vector<128x1xf32> -> vector<128x1xf32>
    %neg3A_252 = arith.constant 0.000000e+00 : f32
    %neg3A_253 = vector.broadcast %neg3A_252 : f32 to vector<128x1xf32>
    %neg3A_254 = arith.subf %neg3A_253, %dot_general3A_251 : vector<128x1xf32>
    %swap3A_255 = arith.constant 0 : index
    %swap3A_256 = arith.constant 7 : index
    %swap3A_257 = vector.load %arg4[%swap3A_255, %swap3A_256] : memref<128x32xf32, #tpu.memory_space<vmem>>, vector<128x1xf32>
    tpu.vector_store %arg4[%swap3A_255, %swap3A_256], %neg3A_254 {strides = array<i32>} : memref<128x32xf32, #tpu.memory_space<vmem>>, vector<128x1xf32>,
    %select_n3A_258 = arith.select %eq3A_246, %select_n3A_232, %select_n3A_228 : vector<128x1792xi1>, vector<128x1792xi32>
    %select_n3A_259 = arith.select %eq3A_246, %select_n3A_25, %select_n3A_229 : vector<128x1792xi1>, vector<128x1792xf32>
    %jit3A_260 = arith.constant 2147483647 : i32
    %broadcast_in_dim3A_261 = vector.broadcast %jit3A_260 : i32 to vector<128x1792xi32>
    %select_n3A_262 = arith.select %eq3A_246, %broadcast_in_dim3A_261, %select_n3A_232 : vector<128x1792xi1>, vector<128x1792xi32>
    %reduce_min3A_263 = arith.constant dense<2147483647> : vector<128xi32>
    %reduce_min3A_264 = vector.multi_reduction <minsi>, %select_n3A_258, %reduce_min3A_263 [1] : vector<128x1792xi32> to vector<128xi32>
    %broadcast_in_dim3A_265 = vector.shape_cast %reduce_min3A_264 : vector<128xi32> to vector<128x1xi32>
    %and3A_266 = arith.constant 4095 : i32
    %and3A_267 = vector.broadcast %and3A_266 : i32 to vector<128x1xi32>
    %and3A_268 = arith.andi %broadcast_in_dim3A_265, %and3A_267 : vector<128x1xi32>
    %add3A_269 = arith.constant 0 : i32
    %add3A_270 = vector.broadcast %add3A_269 : i32 to vector<128x1xi32>
    %add3A_271 = arith.addi %and3A_268, %add3A_270 : vector<128x1xi32>
    %swap3A_272 = arith.constant 0 : index
    %swap3A_273 = arith.constant 8 : index
    %swap3A_274 = vector.load %arg3[%swap3A_272, %swap3A_273] : memref<128x32xi32, #tpu.memory_space<vmem>>, vector<128x1xi32>
    tpu.vector_store %arg3[%swap3A_272, %swap3A_273], %add3A_271 {strides = array<i32>} : memref<128x32xi32, #tpu.memory_space<vmem>>, vector<128x1xi32>,
    %eq3A_275 = vector.broadcast %broadcast_in_dim3A_265 : vector<128x1xi32> to vector<128x1792xi32>
    %eq3A_276 = arith.cmpi eq, %select_n3A_258, %eq3A_275 : vector<128x1792xi32>
    %jit3A_277 = arith.constant 0.000000e+00 : f32
    %broadcast_in_dim3A_278 = vector.broadcast %jit3A_277 : f32 to vector<128x1792xf32>
    %select_n3A_279 = arith.select %eq3A_276, %select_n3A_259, %broadcast_in_dim3A_278 : vector<128x1792xi1>, vector<128x1792xf32>
    %dot_general3A_280 = arith.constant dense<0.000000e+00> : vector<128x1xf32>
    %dot_general3A_281 = tpu.matmul %select_n3A_279, %broadcast_in_dim3A_27, %dot_general3A_280 {dimension_numbers = #tpu.dot_dimension_numbers<[1], [0], [0], [1], [0, 0, 1, 1], [], []>, transpose_lhs_hint = false} : vector<128x1792xf32>, vector<1792x1xf32>, vector<128x1xf32> -> vector<128x1xf32>
    %neg3A_282 = arith.constant 0.000000e+00 : f32
    %neg3A_283 = vector.broadcast %neg3A_282 : f32 to vector<128x1xf32>
    %neg3A_284 = arith.subf %neg3A_283, %dot_general3A_281 : vector<128x1xf32>
    %swap3A_285 = arith.constant 0 : index
    %swap3A_286 = arith.constant 8 : index
    %swap3A_287 = vector.load %arg4[%swap3A_285, %swap3A_286] : memref<128x32xf32, #tpu.memory_space<vmem>>, vector<128x1xf32>
    tpu.vector_store %arg4[%swap3A_285, %swap3A_286], %neg3A_284 {strides = array<i32>} : memref<128x32xf32, #tpu.memory_space<vmem>>, vector<128x1xf32>,
    %select_n3A_288 = arith.select %eq3A_276, %select_n3A_262, %select_n3A_258 : vector<128x1792xi1>, vector<128x1792xi32>
    %select_n3A_289 = arith.select %eq3A_276, %select_n3A_25, %select_n3A_259 : vector<128x1792xi1>, vector<128x1792xf32>
    %jit3A_290 = arith.constant 2147483647 : i32
    %broadcast_in_dim3A_291 = vector.broadcast %jit3A_290 : i32 to vector<128x1792xi32>
    %select_n3A_292 = arith.select %eq3A_276, %broadcast_in_dim3A_291, %select_n3A_262 : vector<128x1792xi1>, vector<128x1792xi32>
    %reduce_min3A_293 = arith.constant dense<2147483647> : vector<128xi32>
    %reduce_min3A_294 = vector.multi_reduction <minsi>, %select_n3A_288, %reduce_min3A_293 [1] : vector<128x1792xi32> to vector<128xi32>
    %broadcast_in_dim3A_295 = vector.shape_cast %reduce_min3A_294 : vector<128xi32> to vector<128x1xi32>
    %and3A_296 = arith.constant 4095 : i32
    %and3A_297 = vector.broadcast %and3A_296 : i32 to vector<128x1xi32>
    %and3A_298 = arith.andi %broadcast_in_dim3A_295, %and3A_297 : vector<128x1xi32>
    %add3A_299 = arith.constant 0 : i32
    %add3A_300 = vector.broadcast %add3A_299 : i32 to vector<128x1xi32>
    %add3A_301 = arith.addi %and3A_298, %add3A_300 : vector<128x1xi32>
    %swap3A_302 = arith.constant 0 : index
    %swap3A_303 = arith.constant 9 : index
    %swap3A_304 = vector.load %arg3[%swap3A_302, %swap3A_303] : memref<128x32xi32, #tpu.memory_space<vmem>>, vector<128x1xi32>
    tpu.vector_store %arg3[%swap3A_302, %swap3A_303], %add3A_301 {strides = array<i32>} : memref<128x32xi32, #tpu.memory_space<vmem>>, vector<128x1xi32>,
    %eq3A_305 = vector.broadcast %broadcast_in_dim3A_295 : vector<128x1xi32> to vector<128x1792xi32>
    %eq3A_306 = arith.cmpi eq, %select_n3A_288, %eq3A_305 : vector<128x1792xi32>
    %jit3A_307 = arith.constant 0.000000e+00 : f32
    %broadcast_in_dim3A_308 = vector.broadcast %jit3A_307 : f32 to vector<128x1792xf32>
    %select_n3A_309 = arith.select %eq3A_306, %select_n3A_289, %broadcast_in_dim3A_308 : vector<128x1792xi1>, vector<128x1792xf32>
    %dot_general3A_310 = arith.constant dense<0.000000e+00> : vector<128x1xf32>
    %dot_general3A_311 = tpu.matmul %select_n3A_309, %broadcast_in_dim3A_27, %dot_general3A_310 {dimension_numbers = #tpu.dot_dimension_numbers<[1], [0], [0], [1], [0, 0, 1, 1], [], []>, transpose_lhs_hint = false} : vector<128x1792xf32>, vector<1792x1xf32>, vector<128x1xf32> -> vector<128x1xf32>
    %neg3A_312 = arith.constant 0.000000e+00 : f32
    %neg3A_313 = vector.broadcast %neg3A_312 : f32 to vector<128x1xf32>
    %neg3A_314 = arith.subf %neg3A_313, %dot_general3A_311 : vector<128x1xf32>
    %swap3A_315 = arith.constant 0 : index
    %swap3A_316 = arith.constant 9 : index
    %swap3A_317 = vector.load %arg4[%swap3A_315, %swap3A_316] : memref<128x32xf32, #tpu.memory_space<vmem>>, vector<128x1xf32>
    tpu.vector_store %arg4[%swap3A_315, %swap3A_316], %neg3A_314 {strides = array<i32>} : memref<128x32xf32, #tpu.memory_space<vmem>>, vector<128x1xf32>,
    %select_n3A_318 = arith.select %eq3A_306, %select_n3A_292, %select_n3A_288 : vector<128x1792xi1>, vector<128x1792xi32>
    %select_n3A_319 = arith.select %eq3A_306, %select_n3A_25, %select_n3A_289 : vector<128x1792xi1>, vector<128x1792xf32>
    %jit3A_320 = arith.constant 2147483647 : i32
    %broadcast_in_dim3A_321 = vector.broadcast %jit3A_320 : i32 to vector<128x1792xi32>
    %select_n3A_322 = arith.select %eq3A_306, %broadcast_in_dim3A_321, %select_n3A_292 : vector<128x1792xi1>, vector<128x1792xi32>
    %reduce_min3A_323 = arith.constant dense<2147483647> : vector<128xi32>
    %reduce_min3A_324 = vector.multi_reduction <minsi>, %select_n3A_318, %reduce_min3A_323 [1] : vector<128x1792xi32> to vector<128xi32>
    %broadcast_in_dim3A_325 = vector.shape_cast %reduce_min3A_324 : vector<128xi32> to vector<128x1xi32>
    %and3A_326 = arith.constant 4095 : i32
    %and3A_327 = vector.broadcast %and3A_326 : i32 to vector<128x1xi32>
    %and3A_328 = arith.andi %broadcast_in_dim3A_325, %and3A_327 : vector<128x1xi32>
    %add3A_329 = arith.constant 0 : i32
    %add3A_330 = vector.broadcast %add3A_329 : i32 to vector<128x1xi32>
    %add3A_331 = arith.addi %and3A_328, %add3A_330 : vector<128x1xi32>
    %swap3A_332 = arith.constant 0 : index
    %swap3A_333 = arith.constant 10 : index
    %swap3A_334 = vector.load %arg3[%swap3A_332, %swap3A_333] : memref<128x32xi32, #tpu.memory_space<vmem>>, vector<128x1xi32>
    tpu.vector_store %arg3[%swap3A_332, %swap3A_333], %add3A_331 {strides = array<i32>} : memref<128x32xi32, #tpu.memory_space<vmem>>, vector<128x1xi32>,
    %eq3A_335 = vector.broadcast %broadcast_in_dim3A_325 : vector<128x1xi32> to vector<128x1792xi32>
    %eq3A_336 = arith.cmpi eq, %select_n3A_318, %eq3A_335 : vector<128x1792xi32>
    %jit3A_337 = arith.constant 0.000000e+00 : f32
    %broadcast_in_dim3A_338 = vector.broadcast %jit3A_337 : f32 to vector<128x1792xf32>
    %select_n3A_339 = arith.select %eq3A_336, %select_n3A_319, %broadcast_in_dim3A_338 : vector<128x1792xi1>, vector<128x1792xf32>
    %dot_general3A_340 = arith.constant dense<0.000000e+00> : vector<128x1xf32>
    %dot_general3A_341 = tpu.matmul %select_n3A_339, %broadcast_in_dim3A_27, %dot_general3A_340 {dimension_numbers = #tpu.dot_dimension_numbers<[1], [0], [0], [1], [0, 0, 1, 1], [], []>, transpose_lhs_hint = false} : vector<128x1792xf32>, vector<1792x1xf32>, vector<128x1xf32> -> vector<128x1xf32>
    %neg3A_342 = arith.constant 0.000000e+00 : f32
    %neg3A_343 = vector.broadcast %neg3A_342 : f32 to vector<128x1xf32>
    %neg3A_344 = arith.subf %neg3A_343, %dot_general3A_341 : vector<128x1xf32>
    %swap3A_345 = arith.constant 0 : index
    %swap3A_346 = arith.constant 10 : index
    %swap3A_347 = vector.load %arg4[%swap3A_345, %swap3A_346] : memref<128x32xf32, #tpu.memory_space<vmem>>, vector<128x1xf32>
    tpu.vector_store %arg4[%swap3A_345, %swap3A_346], %neg3A_344 {strides = array<i32>} : memref<128x32xf32, #tpu.memory_space<vmem>>, vector<128x1xf32>,
    %select_n3A_348 = arith.select %eq3A_336, %select_n3A_322, %select_n3A_318 : vector<128x1792xi1>, vector<128x1792xi32>
    %select_n3A_349 = arith.select %eq3A_336, %select_n3A_25, %select_n3A_319 : vector<128x1792xi1>, vector<128x1792xf32>
    %jit3A_350 = arith.constant 2147483647 : i32
    %broadcast_in_dim3A_351 = vector.broadcast %jit3A_350 : i32 to vector<128x1792xi32>
    %select_n3A_352 = arith.select %eq3A_336, %broadcast_in_dim3A_351, %select_n3A_322 : vector<128x1792xi1>, vector<128x1792xi32>
    %reduce_min3A_353 = arith.constant dense<2147483647> : vector<128xi32>
    %reduce_min3A_354 = vector.multi_reduction <minsi>, %select_n3A_348, %reduce_min3A_353 [1] : vector<128x1792xi32> to vector<128xi32>
    %broadcast_in_dim3A_355 = vector.shape_cast %reduce_min3A_354 : vector<128xi32> to vector<128x1xi32>
    %and3A_356 = arith.constant 4095 : i32
    %and3A_357 = vector.broadcast %and3A_356 : i32 to vector<128x1xi32>
    %and3A_358 = arith.andi %broadcast_in_dim3A_355, %and3A_357 : vector<128x1xi32>
    %add3A_359 = arith.constant 0 : i32
    %add3A_360 = vector.broadcast %add3A_359 : i32 to vector<128x1xi32>
    %add3A_361 = arith.addi %and3A_358, %add3A_360 : vector<128x1xi32>
    %swap3A_362 = arith.constant 0 : index
    %swap3A_363 = arith.constant 11 : index
    %swap3A_364 = vector.load %arg3[%swap3A_362, %swap3A_363] : memref<128x32xi32, #tpu.memory_space<vmem>>, vector<128x1xi32>
    tpu.vector_store %arg3[%swap3A_362, %swap3A_363], %add3A_361 {strides = array<i32>} : memref<128x32xi32, #tpu.memory_space<vmem>>, vector<128x1xi32>,
    %eq3A_365 = vector.broadcast %broadcast_in_dim3A_355 : vector<128x1xi32> to vector<128x1792xi32>
    %eq3A_366 = arith.cmpi eq, %select_n3A_348, %eq3A_365 : vector<128x1792xi32>
    %jit3A_367 = arith.constant 0.000000e+00 : f32
    %broadcast_in_dim3A_368 = vector.broadcast %jit3A_367 : f32 to vector<128x1792xf32>
    %select_n3A_369 = arith.select %eq3A_366, %select_n3A_349, %broadcast_in_dim3A_368 : vector<128x1792xi1>, vector<128x1792xf32>
    %dot_general3A_370 = arith.constant dense<0.000000e+00> : vector<128x1xf32>
    %dot_general3A_371 = tpu.matmul %select_n3A_369, %broadcast_in_dim3A_27, %dot_general3A_370 {dimension_numbers = #tpu.dot_dimension_numbers<[1], [0], [0], [1], [0, 0, 1, 1], [], []>, transpose_lhs_hint = false} : vector<128x1792xf32>, vector<1792x1xf32>, vector<128x1xf32> -> vector<128x1xf32>
    %neg3A_372 = arith.constant 0.000000e+00 : f32
    %neg3A_373 = vector.broadcast %neg3A_372 : f32 to vector<128x1xf32>
    %neg3A_374 = arith.subf %neg3A_373, %dot_general3A_371 : vector<128x1xf32>
    %swap3A_375 = arith.constant 0 : index
    %swap3A_376 = arith.constant 11 : index
    %swap3A_377 = vector.load %arg4[%swap3A_375, %swap3A_376] : memref<128x32xf32, #tpu.memory_space<vmem>>, vector<128x1xf32>
    tpu.vector_store %arg4[%swap3A_375, %swap3A_376], %neg3A_374 {strides = array<i32>} : memref<128x32xf32, #tpu.memory_space<vmem>>, vector<128x1xf32>,
    %select_n3A_378 = arith.select %eq3A_366, %select_n3A_352, %select_n3A_348 : vector<128x1792xi1>, vector<128x1792xi32>
    %select_n3A_379 = arith.select %eq3A_366, %select_n3A_25, %select_n3A_349 : vector<128x1792xi1>, vector<128x1792xf32>
    %jit3A_380 = arith.constant 2147483647 : i32
    %broadcast_in_dim3A_381 = vector.broadcast %jit3A_380 : i32 to vector<128x1792xi32>
    %select_n3A_382 = arith.select %eq3A_366, %broadcast_in_dim3A_381, %select_n3A_352 : vector<128x1792xi1>, vector<128x1792xi32>
    %reduce_min3A_383 = arith.constant dense<2147483647> : vector<128xi32>
    %reduce_min3A_384 = vector.multi_reduction <minsi>, %select_n3A_378, %reduce_min3A_383 [1] : vector<128x1792xi32> to vector<128xi32>
    %broadcast_in_dim3A_385 = vector.shape_cast %reduce_min3A_384 : vector<128xi32> to vector<128x1xi32>
    %and3A_386 = arith.constant 4095 : i32
    %and3A_387 = vector.broadcast %and3A_386 : i32 to vector<128x1xi32>
    %and3A_388 = arith.andi %broadcast_in_dim3A_385, %and3A_387 : vector<128x1xi32>
    %add3A_389 = arith.constant 0 : i32
    %add3A_390 = vector.broadcast %add3A_389 : i32 to vector<128x1xi32>
    %add3A_391 = arith.addi %and3A_388, %add3A_390 : vector<128x1xi32>
    %swap3A_392 = arith.constant 0 : index
    %swap3A_393 = arith.constant 12 : index
    %swap3A_394 = vector.load %arg3[%swap3A_392, %swap3A_393] : memref<128x32xi32, #tpu.memory_space<vmem>>, vector<128x1xi32>
    tpu.vector_store %arg3[%swap3A_392, %swap3A_393], %add3A_391 {strides = array<i32>} : memref<128x32xi32, #tpu.memory_space<vmem>>, vector<128x1xi32>,
    %eq3A_395 = vector.broadcast %broadcast_in_dim3A_385 : vector<128x1xi32> to vector<128x1792xi32>
    %eq3A_396 = arith.cmpi eq, %select_n3A_378, %eq3A_395 : vector<128x1792xi32>
    %jit3A_397 = arith.constant 0.000000e+00 : f32
    %broadcast_in_dim3A_398 = vector.broadcast %jit3A_397 : f32 to vector<128x1792xf32>
    %select_n3A_399 = arith.select %eq3A_396, %select_n3A_379, %broadcast_in_dim3A_398 : vector<128x1792xi1>, vector<128x1792xf32>
    %dot_general3A_400 = arith.constant dense<0.000000e+00> : vector<128x1xf32>
    %dot_general3A_401 = tpu.matmul %select_n3A_399, %broadcast_in_dim3A_27, %dot_general3A_400 {dimension_numbers = #tpu.dot_dimension_numbers<[1], [0], [0], [1], [0, 0, 1, 1], [], []>, transpose_lhs_hint = false} : vector<128x1792xf32>, vector<1792x1xf32>, vector<128x1xf32> -> vector<128x1xf32>
    %neg3A_402 = arith.constant 0.000000e+00 : f32
    %neg3A_403 = vector.broadcast %neg3A_402 : f32 to vector<128x1xf32>
    %neg3A_404 = arith.subf %neg3A_403, %dot_general3A_401 : vector<128x1xf32>
    %swap3A_405 = arith.constant 0 : index
    %swap3A_406 = arith.constant 12 : index
    %swap3A_407 = vector.load %arg4[%swap3A_405, %swap3A_406] : memref<128x32xf32, #tpu.memory_space<vmem>>, vector<128x1xf32>
    tpu.vector_store %arg4[%swap3A_405, %swap3A_406], %neg3A_404 {strides = array<i32>} : memref<128x32xf32, #tpu.memory_space<vmem>>, vector<128x1xf32>,
    %select_n3A_408 = arith.select %eq3A_396, %select_n3A_382, %select_n3A_378 : vector<128x1792xi1>, vector<128x1792xi32>
    %select_n3A_409 = arith.select %eq3A_396, %select_n3A_25, %select_n3A_379 : vector<128x1792xi1>, vector<128x1792xf32>
    %jit3A_410 = arith.constant 2147483647 : i32
    %broadcast_in_dim3A_411 = vector.broadcast %jit3A_410 : i32 to vector<128x1792xi32>
    %select_n3A_412 = arith.select %eq3A_396, %broadcast_in_dim3A_411, %select_n3A_382 : vector<128x1792xi1>, vector<128x1792xi32>
    %reduce_min3A_413 = arith.constant dense<2147483647> : vector<128xi32>
    %reduce_min3A_414 = vector.multi_reduction <minsi>, %select_n3A_408, %reduce_min3A_413 [1] : vector<128x1792xi32> to vector<128xi32>
    %broadcast_in_dim3A_415 = vector.shape_cast %reduce_min3A_414 : vector<128xi32> to vector<128x1xi32>
    %and3A_416 = arith.constant 4095 : i32
    %and3A_417 = vector.broadcast %and3A_416 : i32 to vector<128x1xi32>
    %and3A_418 = arith.andi %broadcast_in_dim3A_415, %and3A_417 : vector<128x1xi32>
    %add3A_419 = arith.constant 0 : i32
    %add3A_420 = vector.broadcast %add3A_419 : i32 to vector<128x1xi32>
    %add3A_421 = arith.addi %and3A_418, %add3A_420 : vector<128x1xi32>
    %swap3A_422 = arith.constant 0 : index
    %swap3A_423 = arith.constant 13 : index
    %swap3A_424 = vector.load %arg3[%swap3A_422, %swap3A_423] : memref<128x32xi32, #tpu.memory_space<vmem>>, vector<128x1xi32>
    tpu.vector_store %arg3[%swap3A_422, %swap3A_423], %add3A_421 {strides = array<i32>} : memref<128x32xi32, #tpu.memory_space<vmem>>, vector<128x1xi32>,
    %eq3A_425 = vector.broadcast %broadcast_in_dim3A_415 : vector<128x1xi32> to vector<128x1792xi32>
    %eq3A_426 = arith.cmpi eq, %select_n3A_408, %eq3A_425 : vector<128x1792xi32>
    %jit3A_427 = arith.constant 0.000000e+00 : f32
    %broadcast_in_dim3A_428 = vector.broadcast %jit3A_427 : f32 to vector<128x1792xf32>
    %select_n3A_429 = arith.select %eq3A_426, %select_n3A_409, %broadcast_in_dim3A_428 : vector<128x1792xi1>, vector<128x1792xf32>
    %dot_general3A_430 = arith.constant dense<0.000000e+00> : vector<128x1xf32>
    %dot_general3A_431 = tpu.matmul %select_n3A_429, %broadcast_in_dim3A_27, %dot_general3A_430 {dimension_numbers = #tpu.dot_dimension_numbers<[1], [0], [0], [1], [0, 0, 1, 1], [], []>, transpose_lhs_hint = false} : vector<128x1792xf32>, vector<1792x1xf32>, vector<128x1xf32> -> vector<128x1xf32>
    %neg3A_432 = arith.constant 0.000000e+00 : f32
    %neg3A_433 = vector.broadcast %neg3A_432 : f32 to vector<128x1xf32>
    %neg3A_434 = arith.subf %neg3A_433, %dot_general3A_431 : vector<128x1xf32>
    %swap3A_435 = arith.constant 0 : index
    %swap3A_436 = arith.constant 13 : index
    %swap3A_437 = vector.load %arg4[%swap3A_435, %swap3A_436] : memref<128x32xf32, #tpu.memory_space<vmem>>, vector<128x1xf32>
    tpu.vector_store %arg4[%swap3A_435, %swap3A_436], %neg3A_434 {strides = array<i32>} : memref<128x32xf32, #tpu.memory_space<vmem>>, vector<128x1xf32>,
    %select_n3A_438 = arith.select %eq3A_426, %select_n3A_412, %select_n3A_408 : vector<128x1792xi1>, vector<128x1792xi32>
    %select_n3A_439 = arith.select %eq3A_426, %select_n3A_25, %select_n3A_409 : vector<128x1792xi1>, vector<128x1792xf32>
    %jit3A_440 = arith.constant 2147483647 : i32
    %broadcast_in_dim3A_441 = vector.broadcast %jit3A_440 : i32 to vector<128x1792xi32>
    %select_n3A_442 = arith.select %eq3A_426, %broadcast_in_dim3A_441, %select_n3A_412 : vector<128x1792xi1>, vector<128x1792xi32>
    %reduce_min3A_443 = arith.constant dense<2147483647> : vector<128xi32>
    %reduce_min3A_444 = vector.multi_reduction <minsi>, %select_n3A_438, %reduce_min3A_443 [1] : vector<128x1792xi32> to vector<128xi32>
    %broadcast_in_dim3A_445 = vector.shape_cast %reduce_min3A_444 : vector<128xi32> to vector<128x1xi32>
    %and3A_446 = arith.constant 4095 : i32
    %and3A_447 = vector.broadcast %and3A_446 : i32 to vector<128x1xi32>
    %and3A_448 = arith.andi %broadcast_in_dim3A_445, %and3A_447 : vector<128x1xi32>
    %add3A_449 = arith.constant 0 : i32
    %add3A_450 = vector.broadcast %add3A_449 : i32 to vector<128x1xi32>
    %add3A_451 = arith.addi %and3A_448, %add3A_450 : vector<128x1xi32>
    %swap3A_452 = arith.constant 0 : index
    %swap3A_453 = arith.constant 14 : index
    %swap3A_454 = vector.load %arg3[%swap3A_452, %swap3A_453] : memref<128x32xi32, #tpu.memory_space<vmem>>, vector<128x1xi32>
    tpu.vector_store %arg3[%swap3A_452, %swap3A_453], %add3A_451 {strides = array<i32>} : memref<128x32xi32, #tpu.memory_space<vmem>>, vector<128x1xi32>,
    %eq3A_455 = vector.broadcast %broadcast_in_dim3A_445 : vector<128x1xi32> to vector<128x1792xi32>
    %eq3A_456 = arith.cmpi eq, %select_n3A_438, %eq3A_455 : vector<128x1792xi32>
    %jit3A_457 = arith.constant 0.000000e+00 : f32
    %broadcast_in_dim3A_458 = vector.broadcast %jit3A_457 : f32 to vector<128x1792xf32>
    %select_n3A_459 = arith.select %eq3A_456, %select_n3A_439, %broadcast_in_dim3A_458 : vector<128x1792xi1>, vector<128x1792xf32>
    %dot_general3A_460 = arith.constant dense<0.000000e+00> : vector<128x1xf32>
    %dot_general3A_461 = tpu.matmul %select_n3A_459, %broadcast_in_dim3A_27, %dot_general3A_460 {dimension_numbers = #tpu.dot_dimension_numbers<[1], [0], [0], [1], [0, 0, 1, 1], [], []>, transpose_lhs_hint = false} : vector<128x1792xf32>, vector<1792x1xf32>, vector<128x1xf32> -> vector<128x1xf32>
    %neg3A_462 = arith.constant 0.000000e+00 : f32
    %neg3A_463 = vector.broadcast %neg3A_462 : f32 to vector<128x1xf32>
    %neg3A_464 = arith.subf %neg3A_463, %dot_general3A_461 : vector<128x1xf32>
    %swap3A_465 = arith.constant 0 : index
    %swap3A_466 = arith.constant 14 : index
    %swap3A_467 = vector.load %arg4[%swap3A_465, %swap3A_466] : memref<128x32xf32, #tpu.memory_space<vmem>>, vector<128x1xf32>
    tpu.vector_store %arg4[%swap3A_465, %swap3A_466], %neg3A_464 {strides = array<i32>} : memref<128x32xf32, #tpu.memory_space<vmem>>, vector<128x1xf32>,
    %select_n3A_468 = arith.select %eq3A_456, %select_n3A_442, %select_n3A_438 : vector<128x1792xi1>, vector<128x1792xi32>
    %select_n3A_469 = arith.select %eq3A_456, %select_n3A_25, %select_n3A_439 : vector<128x1792xi1>, vector<128x1792xf32>
    %jit3A_470 = arith.constant 2147483647 : i32
    %broadcast_in_dim3A_471 = vector.broadcast %jit3A_470 : i32 to vector<128x1792xi32>
    %select_n3A_472 = arith.select %eq3A_456, %broadcast_in_dim3A_471, %select_n3A_442 : vector<128x1792xi1>, vector<128x1792xi32>
    %reduce_min3A_473 = arith.constant dense<2147483647> : vector<128xi32>
    %reduce_min3A_474 = vector.multi_reduction <minsi>, %select_n3A_468, %reduce_min3A_473 [1] : vector<128x1792xi32> to vector<128xi32>
    %broadcast_in_dim3A_475 = vector.shape_cast %reduce_min3A_474 : vector<128xi32> to vector<128x1xi32>
    %and3A_476 = arith.constant 4095 : i32
    %and3A_477 = vector.broadcast %and3A_476 : i32 to vector<128x1xi32>
    %and3A_478 = arith.andi %broadcast_in_dim3A_475, %and3A_477 : vector<128x1xi32>
    %add3A_479 = arith.constant 0 : i32
    %add3A_480 = vector.broadcast %add3A_479 : i32 to vector<128x1xi32>
    %add3A_481 = arith.addi %and3A_478, %add3A_480 : vector<128x1xi32>
    %swap3A_482 = arith.constant 0 : index
    %swap3A_483 = arith.constant 15 : index
    %swap3A_484 = vector.load %arg3[%swap3A_482, %swap3A_483] : memref<128x32xi32, #tpu.memory_space<vmem>>, vector<128x1xi32>
    tpu.vector_store %arg3[%swap3A_482, %swap3A_483], %add3A_481 {strides = array<i32>} : memref<128x32xi32, #tpu.memory_space<vmem>>, vector<128x1xi32>,
    %eq3A_485 = vector.broadcast %broadcast_in_dim3A_475 : vector<128x1xi32> to vector<128x1792xi32>
    %eq3A_486 = arith.cmpi eq, %select_n3A_468, %eq3A_485 : vector<128x1792xi32>
    %jit3A_487 = arith.constant 0.000000e+00 : f32
    %broadcast_in_dim3A_488 = vector.broadcast %jit3A_487 : f32 to vector<128x1792xf32>
    %select_n3A_489 = arith.select %eq3A_486, %select_n3A_469, %broadcast_in_dim3A_488 : vector<128x1792xi1>, vector<128x1792xf32>
    %dot_general3A_490 = arith.constant dense<0.000000e+00> : vector<128x1xf32>
    %dot_general3A_491 = tpu.matmul %select_n3A_489, %broadcast_in_dim3A_27, %dot_general3A_490 {dimension_numbers = #tpu.dot_dimension_numbers<[1], [0], [0], [1], [0, 0, 1, 1], [], []>, transpose_lhs_hint = false} : vector<128x1792xf32>, vector<1792x1xf32>, vector<128x1xf32> -> vector<128x1xf32>
    %neg3A_492 = arith.constant 0.000000e+00 : f32
    %neg3A_493 = vector.broadcast %neg3A_492 : f32 to vector<128x1xf32>
    %neg3A_494 = arith.subf %neg3A_493, %dot_general3A_491 : vector<128x1xf32>
    %swap3A_495 = arith.constant 0 : index
    %swap3A_496 = arith.constant 15 : index
    %swap3A_497 = vector.load %arg4[%swap3A_495, %swap3A_496] : memref<128x32xf32, #tpu.memory_space<vmem>>, vector<128x1xf32>
    tpu.vector_store %arg4[%swap3A_495, %swap3A_496], %neg3A_494 {strides = array<i32>} : memref<128x32xf32, #tpu.memory_space<vmem>>, vector<128x1xf32>,
    %select_n3A_498 = arith.select %eq3A_486, %select_n3A_472, %select_n3A_468 : vector<128x1792xi1>, vector<128x1792xi32>
    %select_n3A_499 = arith.select %eq3A_486, %select_n3A_25, %select_n3A_469 : vector<128x1792xi1>, vector<128x1792xf32>
    %jit3A_500 = arith.constant 2147483647 : i32
    %broadcast_in_dim3A_501 = vector.broadcast %jit3A_500 : i32 to vector<128x1792xi32>
    %select_n3A_502 = arith.select %eq3A_486, %broadcast_in_dim3A_501, %select_n3A_472 : vector<128x1792xi1>, vector<128x1792xi32>
    %reduce_min3A_503 = arith.constant dense<2147483647> : vector<128xi32>
    %reduce_min3A_504 = vector.multi_reduction <minsi>, %select_n3A_498, %reduce_min3A_503 [1] : vector<128x1792xi32> to vector<128xi32>
    %broadcast_in_dim3A_505 = vector.shape_cast %reduce_min3A_504 : vector<128xi32> to vector<128x1xi32>
    %and3A_506 = arith.constant 4095 : i32
    %and3A_507 = vector.broadcast %and3A_506 : i32 to vector<128x1xi32>
    %and3A_508 = arith.andi %broadcast_in_dim3A_505, %and3A_507 : vector<128x1xi32>
    %add3A_509 = arith.constant 0 : i32
    %add3A_510 = vector.broadcast %add3A_509 : i32 to vector<128x1xi32>
    %add3A_511 = arith.addi %and3A_508, %add3A_510 : vector<128x1xi32>
    %swap3A_512 = arith.constant 0 : index
    %swap3A_513 = arith.constant 16 : index
    %swap3A_514 = vector.load %arg3[%swap3A_512, %swap3A_513] : memref<128x32xi32, #tpu.memory_space<vmem>>, vector<128x1xi32>
    tpu.vector_store %arg3[%swap3A_512, %swap3A_513], %add3A_511 {strides = array<i32>} : memref<128x32xi32, #tpu.memory_space<vmem>>, vector<128x1xi32>,
    %eq3A_515 = vector.broadcast %broadcast_in_dim3A_505 : vector<128x1xi32> to vector<128x1792xi32>
    %eq3A_516 = arith.cmpi eq, %select_n3A_498, %eq3A_515 : vector<128x1792xi32>
    %jit3A_517 = arith.constant 0.000000e+00 : f32
    %broadcast_in_dim3A_518 = vector.broadcast %jit3A_517 : f32 to vector<128x1792xf32>
    %select_n3A_519 = arith.select %eq3A_516, %select_n3A_499, %broadcast_in_dim3A_518 : vector<128x1792xi1>, vector<128x1792xf32>
    %dot_general3A_520 = arith.constant dense<0.000000e+00> : vector<128x1xf32>
    %dot_general3A_521 = tpu.matmul %select_n3A_519, %broadcast_in_dim3A_27, %dot_general3A_520 {dimension_numbers = #tpu.dot_dimension_numbers<[1], [0], [0], [1], [0, 0, 1, 1], [], []>, transpose_lhs_hint = false} : vector<128x1792xf32>, vector<1792x1xf32>, vector<128x1xf32> -> vector<128x1xf32>
    %neg3A_522 = arith.constant 0.000000e+00 : f32
    %neg3A_523 = vector.broadcast %neg3A_522 : f32 to vector<128x1xf32>
    %neg3A_524 = arith.subf %neg3A_523, %dot_general3A_521 : vector<128x1xf32>
    %swap3A_525 = arith.constant 0 : index
    %swap3A_526 = arith.constant 16 : index
    %swap3A_527 = vector.load %arg4[%swap3A_525, %swap3A_526] : memref<128x32xf32, #tpu.memory_space<vmem>>, vector<128x1xf32>
    tpu.vector_store %arg4[%swap3A_525, %swap3A_526], %neg3A_524 {strides = array<i32>} : memref<128x32xf32, #tpu.memory_space<vmem>>, vector<128x1xf32>,
    %select_n3A_528 = arith.select %eq3A_516, %select_n3A_502, %select_n3A_498 : vector<128x1792xi1>, vector<128x1792xi32>
    %select_n3A_529 = arith.select %eq3A_516, %select_n3A_25, %select_n3A_499 : vector<128x1792xi1>, vector<128x1792xf32>
    %jit3A_530 = arith.constant 2147483647 : i32
    %broadcast_in_dim3A_531 = vector.broadcast %jit3A_530 : i32 to vector<128x1792xi32>
    %select_n3A_532 = arith.select %eq3A_516, %broadcast_in_dim3A_531, %select_n3A_502 : vector<128x1792xi1>, vector<128x1792xi32>
    %reduce_min3A_533 = arith.constant dense<2147483647> : vector<128xi32>
    %reduce_min3A_534 = vector.multi_reduction <minsi>, %select_n3A_528, %reduce_min3A_533 [1] : vector<128x1792xi32> to vector<128xi32>
    %broadcast_in_dim3A_535 = vector.shape_cast %reduce_min3A_534 : vector<128xi32> to vector<128x1xi32>
    %and3A_536 = arith.constant 4095 : i32
    %and3A_537 = vector.broadcast %and3A_536 : i32 to vector<128x1xi32>
    %and3A_538 = arith.andi %broadcast_in_dim3A_535, %and3A_537 : vector<128x1xi32>
    %add3A_539 = arith.constant 0 : i32
    %add3A_540 = vector.broadcast %add3A_539 : i32 to vector<128x1xi32>
    %add3A_541 = arith.addi %and3A_538, %add3A_540 : vector<128x1xi32>
    %swap3A_542 = arith.constant 0 : index
    %swap3A_543 = arith.constant 17 : index
    %swap3A_544 = vector.load %arg3[%swap3A_542, %swap3A_543] : memref<128x32xi32, #tpu.memory_space<vmem>>, vector<128x1xi32>
    tpu.vector_store %arg3[%swap3A_542, %swap3A_543], %add3A_541 {strides = array<i32>} : memref<128x32xi32, #tpu.memory_space<vmem>>, vector<128x1xi32>,
    %eq3A_545 = vector.broadcast %broadcast_in_dim3A_535 : vector<128x1xi32> to vector<128x1792xi32>
    %eq3A_546 = arith.cmpi eq, %select_n3A_528, %eq3A_545 : vector<128x1792xi32>
    %jit3A_547 = arith.constant 0.000000e+00 : f32
    %broadcast_in_dim3A_548 = vector.broadcast %jit3A_547 : f32 to vector<128x1792xf32>
    %select_n3A_549 = arith.select %eq3A_546, %select_n3A_529, %broadcast_in_dim3A_548 : vector<128x1792xi1>, vector<128x1792xf32>
    %dot_general3A_550 = arith.constant dense<0.000000e+00> : vector<128x1xf32>
    %dot_general3A_551 = tpu.matmul %select_n3A_549, %broadcast_in_dim3A_27, %dot_general3A_550 {dimension_numbers = #tpu.dot_dimension_numbers<[1], [0], [0], [1], [0, 0, 1, 1], [], []>, transpose_lhs_hint = false} : vector<128x1792xf32>, vector<1792x1xf32>, vector<128x1xf32> -> vector<128x1xf32>
    %neg3A_552 = arith.constant 0.000000e+00 : f32
    %neg3A_553 = vector.broadcast %neg3A_552 : f32 to vector<128x1xf32>
    %neg3A_554 = arith.subf %neg3A_553, %dot_general3A_551 : vector<128x1xf32>
    %swap3A_555 = arith.constant 0 : index
    %swap3A_556 = arith.constant 17 : index
    %swap3A_557 = vector.load %arg4[%swap3A_555, %swap3A_556] : memref<128x32xf32, #tpu.memory_space<vmem>>, vector<128x1xf32>
    tpu.vector_store %arg4[%swap3A_555, %swap3A_556], %neg3A_554 {strides = array<i32>} : memref<128x32xf32, #tpu.memory_space<vmem>>, vector<128x1xf32>,
    %select_n3A_558 = arith.select %eq3A_546, %select_n3A_532, %select_n3A_528 : vector<128x1792xi1>, vector<128x1792xi32>
    %select_n3A_559 = arith.select %eq3A_546, %select_n3A_25, %select_n3A_529 : vector<128x1792xi1>, vector<128x1792xf32>
    %jit3A_560 = arith.constant 2147483647 : i32
    %broadcast_in_dim3A_561 = vector.broadcast %jit3A_560 : i32 to vector<128x1792xi32>
    %select_n3A_562 = arith.select %eq3A_546, %broadcast_in_dim3A_561, %select_n3A_532 : vector<128x1792xi1>, vector<128x1792xi32>
    %reduce_min3A_563 = arith.constant dense<2147483647> : vector<128xi32>
    %reduce_min3A_564 = vector.multi_reduction <minsi>, %select_n3A_558, %reduce_min3A_563 [1] : vector<128x1792xi32> to vector<128xi32>
    %broadcast_in_dim3A_565 = vector.shape_cast %reduce_min3A_564 : vector<128xi32> to vector<128x1xi32>
    %and3A_566 = arith.constant 4095 : i32
    %and3A_567 = vector.broadcast %and3A_566 : i32 to vector<128x1xi32>
    %and3A_568 = arith.andi %broadcast_in_dim3A_565, %and3A_567 : vector<128x1xi32>
    %add3A_569 = arith.constant 0 : i32
    %add3A_570 = vector.broadcast %add3A_569 : i32 to vector<128x1xi32>
    %add3A_571 = arith.addi %and3A_568, %add3A_570 : vector<128x1xi32>
    %swap3A_572 = arith.constant 0 : index
    %swap3A_573 = arith.constant 18 : index
    %swap3A_574 = vector.load %arg3[%swap3A_572, %swap3A_573] : memref<128x32xi32, #tpu.memory_space<vmem>>, vector<128x1xi32>
    tpu.vector_store %arg3[%swap3A_572, %swap3A_573], %add3A_571 {strides = array<i32>} : memref<128x32xi32, #tpu.memory_space<vmem>>, vector<128x1xi32>,
    %eq3A_575 = vector.broadcast %broadcast_in_dim3A_565 : vector<128x1xi32> to vector<128x1792xi32>
    %eq3A_576 = arith.cmpi eq, %select_n3A_558, %eq3A_575 : vector<128x1792xi32>
    %jit3A_577 = arith.constant 0.000000e+00 : f32
    %broadcast_in_dim3A_578 = vector.broadcast %jit3A_577 : f32 to vector<128x1792xf32>
    %select_n3A_579 = arith.select %eq3A_576, %select_n3A_559, %broadcast_in_dim3A_578 : vector<128x1792xi1>, vector<128x1792xf32>
    %dot_general3A_580 = arith.constant dense<0.000000e+00> : vector<128x1xf32>
    %dot_general3A_581 = tpu.matmul %select_n3A_579, %broadcast_in_dim3A_27, %dot_general3A_580 {dimension_numbers = #tpu.dot_dimension_numbers<[1], [0], [0], [1], [0, 0, 1, 1], [], []>, transpose_lhs_hint = false} : vector<128x1792xf32>, vector<1792x1xf32>, vector<128x1xf32> -> vector<128x1xf32>
    %neg3A_582 = arith.constant 0.000000e+00 : f32
    %neg3A_583 = vector.broadcast %neg3A_582 : f32 to vector<128x1xf32>
    %neg3A_584 = arith.subf %neg3A_583, %dot_general3A_581 : vector<128x1xf32>
    %swap3A_585 = arith.constant 0 : index
    %swap3A_586 = arith.constant 18 : index
    %swap3A_587 = vector.load %arg4[%swap3A_585, %swap3A_586] : memref<128x32xf32, #tpu.memory_space<vmem>>, vector<128x1xf32>
    tpu.vector_store %arg4[%swap3A_585, %swap3A_586], %neg3A_584 {strides = array<i32>} : memref<128x32xf32, #tpu.memory_space<vmem>>, vector<128x1xf32>,
    %select_n3A_588 = arith.select %eq3A_576, %select_n3A_562, %select_n3A_558 : vector<128x1792xi1>, vector<128x1792xi32>
    %select_n3A_589 = arith.select %eq3A_576, %select_n3A_25, %select_n3A_559 : vector<128x1792xi1>, vector<128x1792xf32>
    %jit3A_590 = arith.constant 2147483647 : i32
    %broadcast_in_dim3A_591 = vector.broadcast %jit3A_590 : i32 to vector<128x1792xi32>
    %select_n3A_592 = arith.select %eq3A_576, %broadcast_in_dim3A_591, %select_n3A_562 : vector<128x1792xi1>, vector<128x1792xi32>
    %reduce_min3A_593 = arith.constant dense<2147483647> : vector<128xi32>
    %reduce_min3A_594 = vector.multi_reduction <minsi>, %select_n3A_588, %reduce_min3A_593 [1] : vector<128x1792xi32> to vector<128xi32>
    %broadcast_in_dim3A_595 = vector.shape_cast %reduce_min3A_594 : vector<128xi32> to vector<128x1xi32>
    %and3A_596 = arith.constant 4095 : i32
    %and3A_597 = vector.broadcast %and3A_596 : i32 to vector<128x1xi32>
    %and3A_598 = arith.andi %broadcast_in_dim3A_595, %and3A_597 : vector<128x1xi32>
    %add3A_599 = arith.constant 0 : i32
    %add3A_600 = vector.broadcast %add3A_599 : i32 to vector<128x1xi32>
    %add3A_601 = arith.addi %and3A_598, %add3A_600 : vector<128x1xi32>
    %swap3A_602 = arith.constant 0 : index
    %swap3A_603 = arith.constant 19 : index
    %swap3A_604 = vector.load %arg3[%swap3A_602, %swap3A_603] : memref<128x32xi32, #tpu.memory_space<vmem>>, vector<128x1xi32>
    tpu.vector_store %arg3[%swap3A_602, %swap3A_603], %add3A_601 {strides = array<i32>} : memref<128x32xi32, #tpu.memory_space<vmem>>, vector<128x1xi32>,
    %eq3A_605 = vector.broadcast %broadcast_in_dim3A_595 : vector<128x1xi32> to vector<128x1792xi32>
    %eq3A_606 = arith.cmpi eq, %select_n3A_588, %eq3A_605 : vector<128x1792xi32>
    %jit3A_607 = arith.constant 0.000000e+00 : f32
    %broadcast_in_dim3A_608 = vector.broadcast %jit3A_607 : f32 to vector<128x1792xf32>
    %select_n3A_609 = arith.select %eq3A_606, %select_n3A_589, %broadcast_in_dim3A_608 : vector<128x1792xi1>, vector<128x1792xf32>
    %dot_general3A_610 = arith.constant dense<0.000000e+00> : vector<128x1xf32>
    %dot_general3A_611 = tpu.matmul %select_n3A_609, %broadcast_in_dim3A_27, %dot_general3A_610 {dimension_numbers = #tpu.dot_dimension_numbers<[1], [0], [0], [1], [0, 0, 1, 1], [], []>, transpose_lhs_hint = false} : vector<128x1792xf32>, vector<1792x1xf32>, vector<128x1xf32> -> vector<128x1xf32>
    %neg3A_612 = arith.constant 0.000000e+00 : f32
    %neg3A_613 = vector.broadcast %neg3A_612 : f32 to vector<128x1xf32>
    %neg3A_614 = arith.subf %neg3A_613, %dot_general3A_611 : vector<128x1xf32>
    %swap3A_615 = arith.constant 0 : index
    %swap3A_616 = arith.constant 19 : index
    %swap3A_617 = vector.load %arg4[%swap3A_615, %swap3A_616] : memref<128x32xf32, #tpu.memory_space<vmem>>, vector<128x1xf32>
    tpu.vector_store %arg4[%swap3A_615, %swap3A_616], %neg3A_614 {strides = array<i32>} : memref<128x32xf32, #tpu.memory_space<vmem>>, vector<128x1xf32>,
    %select_n3A_618 = arith.select %eq3A_606, %select_n3A_592, %select_n3A_588 : vector<128x1792xi1>, vector<128x1792xi32>
    %select_n3A_619 = arith.select %eq3A_606, %select_n3A_25, %select_n3A_589 : vector<128x1792xi1>, vector<128x1792xf32>
    %jit3A_620 = arith.constant 2147483647 : i32
    %broadcast_in_dim3A_621 = vector.broadcast %jit3A_620 : i32 to vector<128x1792xi32>
    %select_n3A_622 = arith.select %eq3A_606, %broadcast_in_dim3A_621, %select_n3A_592 : vector<128x1792xi1>, vector<128x1792xi32>
    %reduce_min3A_623 = arith.constant dense<2147483647> : vector<128xi32>
    %reduce_min3A_624 = vector.multi_reduction <minsi>, %select_n3A_618, %reduce_min3A_623 [1] : vector<128x1792xi32> to vector<128xi32>
    %broadcast_in_dim3A_625 = vector.shape_cast %reduce_min3A_624 : vector<128xi32> to vector<128x1xi32>
    %and3A_626 = arith.constant 4095 : i32
    %and3A_627 = vector.broadcast %and3A_626 : i32 to vector<128x1xi32>
    %and3A_628 = arith.andi %broadcast_in_dim3A_625, %and3A_627 : vector<128x1xi32>
    %add3A_629 = arith.constant 0 : i32
    %add3A_630 = vector.broadcast %add3A_629 : i32 to vector<128x1xi32>
    %add3A_631 = arith.addi %and3A_628, %add3A_630 : vector<128x1xi32>
    %swap3A_632 = arith.constant 0 : index
    %swap3A_633 = arith.constant 20 : index
    %swap3A_634 = vector.load %arg3[%swap3A_632, %swap3A_633] : memref<128x32xi32, #tpu.memory_space<vmem>>, vector<128x1xi32>
    tpu.vector_store %arg3[%swap3A_632, %swap3A_633], %add3A_631 {strides = array<i32>} : memref<128x32xi32, #tpu.memory_space<vmem>>, vector<128x1xi32>,
    %eq3A_635 = vector.broadcast %broadcast_in_dim3A_625 : vector<128x1xi32> to vector<128x1792xi32>
    %eq3A_636 = arith.cmpi eq, %select_n3A_618, %eq3A_635 : vector<128x1792xi32>
    %jit3A_637 = arith.constant 0.000000e+00 : f32
    %broadcast_in_dim3A_638 = vector.broadcast %jit3A_637 : f32 to vector<128x1792xf32>
    %select_n3A_639 = arith.select %eq3A_636, %select_n3A_619, %broadcast_in_dim3A_638 : vector<128x1792xi1>, vector<128x1792xf32>
    %dot_general3A_640 = arith.constant dense<0.000000e+00> : vector<128x1xf32>
    %dot_general3A_641 = tpu.matmul %select_n3A_639, %broadcast_in_dim3A_27, %dot_general3A_640 {dimension_numbers = #tpu.dot_dimension_numbers<[1], [0], [0], [1], [0, 0, 1, 1], [], []>, transpose_lhs_hint = false} : vector<128x1792xf32>, vector<1792x1xf32>, vector<128x1xf32> -> vector<128x1xf32>
    %neg3A_642 = arith.constant 0.000000e+00 : f32
    %neg3A_643 = vector.broadcast %neg3A_642 : f32 to vector<128x1xf32>
    %neg3A_644 = arith.subf %neg3A_643, %dot_general3A_641 : vector<128x1xf32>
    %swap3A_645 = arith.constant 0 : index
    %swap3A_646 = arith.constant 20 : index
    %swap3A_647 = vector.load %arg4[%swap3A_645, %swap3A_646] : memref<128x32xf32, #tpu.memory_space<vmem>>, vector<128x1xf32>
    tpu.vector_store %arg4[%swap3A_645, %swap3A_646], %neg3A_644 {strides = array<i32>} : memref<128x32xf32, #tpu.memory_space<vmem>>, vector<128x1xf32>,
    %select_n3A_648 = arith.select %eq3A_636, %select_n3A_622, %select_n3A_618 : vector<128x1792xi1>, vector<128x1792xi32>
    %select_n3A_649 = arith.select %eq3A_636, %select_n3A_25, %select_n3A_619 : vector<128x1792xi1>, vector<128x1792xf32>
    %jit3A_650 = arith.constant 2147483647 : i32
    %broadcast_in_dim3A_651 = vector.broadcast %jit3A_650 : i32 to vector<128x1792xi32>
    %select_n3A_652 = arith.select %eq3A_636, %broadcast_in_dim3A_651, %select_n3A_622 : vector<128x1792xi1>, vector<128x1792xi32>
    %reduce_min3A_653 = arith.constant dense<2147483647> : vector<128xi32>
    %reduce_min3A_654 = vector.multi_reduction <minsi>, %select_n3A_648, %reduce_min3A_653 [1] : vector<128x1792xi32> to vector<128xi32>
    %broadcast_in_dim3A_655 = vector.shape_cast %reduce_min3A_654 : vector<128xi32> to vector<128x1xi32>
    %and3A_656 = arith.constant 4095 : i32
    %and3A_657 = vector.broadcast %and3A_656 : i32 to vector<128x1xi32>
    %and3A_658 = arith.andi %broadcast_in_dim3A_655, %and3A_657 : vector<128x1xi32>
    %add3A_659 = arith.constant 0 : i32
    %add3A_660 = vector.broadcast %add3A_659 : i32 to vector<128x1xi32>
    %add3A_661 = arith.addi %and3A_658, %add3A_660 : vector<128x1xi32>
    %swap3A_662 = arith.constant 0 : index
    %swap3A_663 = arith.constant 21 : index
    %swap3A_664 = vector.load %arg3[%swap3A_662, %swap3A_663] : memref<128x32xi32, #tpu.memory_space<vmem>>, vector<128x1xi32>
    tpu.vector_store %arg3[%swap3A_662, %swap3A_663], %add3A_661 {strides = array<i32>} : memref<128x32xi32, #tpu.memory_space<vmem>>, vector<128x1xi32>,
    %eq3A_665 = vector.broadcast %broadcast_in_dim3A_655 : vector<128x1xi32> to vector<128x1792xi32>
    %eq3A_666 = arith.cmpi eq, %select_n3A_648, %eq3A_665 : vector<128x1792xi32>
    %jit3A_667 = arith.constant 0.000000e+00 : f32
    %broadcast_in_dim3A_668 = vector.broadcast %jit3A_667 : f32 to vector<128x1792xf32>
    %select_n3A_669 = arith.select %eq3A_666, %select_n3A_649, %broadcast_in_dim3A_668 : vector<128x1792xi1>, vector<128x1792xf32>
    %dot_general3A_670 = arith.constant dense<0.000000e+00> : vector<128x1xf32>
    %dot_general3A_671 = tpu.matmul %select_n3A_669, %broadcast_in_dim3A_27, %dot_general3A_670 {dimension_numbers = #tpu.dot_dimension_numbers<[1], [0], [0], [1], [0, 0, 1, 1], [], []>, transpose_lhs_hint = false} : vector<128x1792xf32>, vector<1792x1xf32>, vector<128x1xf32> -> vector<128x1xf32>
    %neg3A_672 = arith.constant 0.000000e+00 : f32
    %neg3A_673 = vector.broadcast %neg3A_672 : f32 to vector<128x1xf32>
    %neg3A_674 = arith.subf %neg3A_673, %dot_general3A_671 : vector<128x1xf32>
    %swap3A_675 = arith.constant 0 : index
    %swap3A_676 = arith.constant 21 : index
    %swap3A_677 = vector.load %arg4[%swap3A_675, %swap3A_676] : memref<128x32xf32, #tpu.memory_space<vmem>>, vector<128x1xf32>
    tpu.vector_store %arg4[%swap3A_675, %swap3A_676], %neg3A_674 {strides = array<i32>} : memref<128x32xf32, #tpu.memory_space<vmem>>, vector<128x1xf32>,
    %select_n3A_678 = arith.select %eq3A_666, %select_n3A_652, %select_n3A_648 : vector<128x1792xi1>, vector<128x1792xi32>
    %select_n3A_679 = arith.select %eq3A_666, %select_n3A_25, %select_n3A_649 : vector<128x1792xi1>, vector<128x1792xf32>
    %jit3A_680 = arith.constant 2147483647 : i32
    %broadcast_in_dim3A_681 = vector.broadcast %jit3A_680 : i32 to vector<128x1792xi32>
    %select_n3A_682 = arith.select %eq3A_666, %broadcast_in_dim3A_681, %select_n3A_652 : vector<128x1792xi1>, vector<128x1792xi32>
    %reduce_min3A_683 = arith.constant dense<2147483647> : vector<128xi32>
    %reduce_min3A_684 = vector.multi_reduction <minsi>, %select_n3A_678, %reduce_min3A_683 [1] : vector<128x1792xi32> to vector<128xi32>
    %broadcast_in_dim3A_685 = vector.shape_cast %reduce_min3A_684 : vector<128xi32> to vector<128x1xi32>
    %and3A_686 = arith.constant 4095 : i32
    %and3A_687 = vector.broadcast %and3A_686 : i32 to vector<128x1xi32>
    %and3A_688 = arith.andi %broadcast_in_dim3A_685, %and3A_687 : vector<128x1xi32>
    %add3A_689 = arith.constant 0 : i32
    %add3A_690 = vector.broadcast %add3A_689 : i32 to vector<128x1xi32>
    %add3A_691 = arith.addi %and3A_688, %add3A_690 : vector<128x1xi32>
    %swap3A_692 = arith.constant 0 : index
    %swap3A_693 = arith.constant 22 : index
    %swap3A_694 = vector.load %arg3[%swap3A_692, %swap3A_693] : memref<128x32xi32, #tpu.memory_space<vmem>>, vector<128x1xi32>
    tpu.vector_store %arg3[%swap3A_692, %swap3A_693], %add3A_691 {strides = array<i32>} : memref<128x32xi32, #tpu.memory_space<vmem>>, vector<128x1xi32>,
    %eq3A_695 = vector.broadcast %broadcast_in_dim3A_685 : vector<128x1xi32> to vector<128x1792xi32>
    %eq3A_696 = arith.cmpi eq, %select_n3A_678, %eq3A_695 : vector<128x1792xi32>
    %jit3A_697 = arith.constant 0.000000e+00 : f32
    %broadcast_in_dim3A_698 = vector.broadcast %jit3A_697 : f32 to vector<128x1792xf32>
    %select_n3A_699 = arith.select %eq3A_696, %select_n3A_679, %broadcast_in_dim3A_698 : vector<128x1792xi1>, vector<128x1792xf32>
    %dot_general3A_700 = arith.constant dense<0.000000e+00> : vector<128x1xf32>
    %dot_general3A_701 = tpu.matmul %select_n3A_699, %broadcast_in_dim3A_27, %dot_general3A_700 {dimension_numbers = #tpu.dot_dimension_numbers<[1], [0], [0], [1], [0, 0, 1, 1], [], []>, transpose_lhs_hint = false} : vector<128x1792xf32>, vector<1792x1xf32>, vector<128x1xf32> -> vector<128x1xf32>
    %neg3A_702 = arith.constant 0.000000e+00 : f32
    %neg3A_703 = vector.broadcast %neg3A_702 : f32 to vector<128x1xf32>
    %neg3A_704 = arith.subf %neg3A_703, %dot_general3A_701 : vector<128x1xf32>
    %swap3A_705 = arith.constant 0 : index
    %swap3A_706 = arith.constant 22 : index
    %swap3A_707 = vector.load %arg4[%swap3A_705, %swap3A_706] : memref<128x32xf32, #tpu.memory_space<vmem>>, vector<128x1xf32>
    tpu.vector_store %arg4[%swap3A_705, %swap3A_706], %neg3A_704 {strides = array<i32>} : memref<128x32xf32, #tpu.memory_space<vmem>>, vector<128x1xf32>,
    %select_n3A_708 = arith.select %eq3A_696, %select_n3A_682, %select_n3A_678 : vector<128x1792xi1>, vector<128x1792xi32>
    %select_n3A_709 = arith.select %eq3A_696, %select_n3A_25, %select_n3A_679 : vector<128x1792xi1>, vector<128x1792xf32>
    %jit3A_710 = arith.constant 2147483647 : i32
    %broadcast_in_dim3A_711 = vector.broadcast %jit3A_710 : i32 to vector<128x1792xi32>
    %select_n3A_712 = arith.select %eq3A_696, %broadcast_in_dim3A_711, %select_n3A_682 : vector<128x1792xi1>, vector<128x1792xi32>
    %reduce_min3A_713 = arith.constant dense<2147483647> : vector<128xi32>
    %reduce_min3A_714 = vector.multi_reduction <minsi>, %select_n3A_708, %reduce_min3A_713 [1] : vector<128x1792xi32> to vector<128xi32>
    %broadcast_in_dim3A_715 = vector.shape_cast %reduce_min3A_714 : vector<128xi32> to vector<128x1xi32>
    %and3A_716 = arith.constant 4095 : i32
    %and3A_717 = vector.broadcast %and3A_716 : i32 to vector<128x1xi32>
    %and3A_718 = arith.andi %broadcast_in_dim3A_715, %and3A_717 : vector<128x1xi32>
    %add3A_719 = arith.constant 0 : i32
    %add3A_720 = vector.broadcast %add3A_719 : i32 to vector<128x1xi32>
    %add3A_721 = arith.addi %and3A_718, %add3A_720 : vector<128x1xi32>
    %swap3A_722 = arith.constant 0 : index
    %swap3A_723 = arith.constant 23 : index
    %swap3A_724 = vector.load %arg3[%swap3A_722, %swap3A_723] : memref<128x32xi32, #tpu.memory_space<vmem>>, vector<128x1xi32>
    tpu.vector_store %arg3[%swap3A_722, %swap3A_723], %add3A_721 {strides = array<i32>} : memref<128x32xi32, #tpu.memory_space<vmem>>, vector<128x1xi32>,
    %eq3A_725 = vector.broadcast %broadcast_in_dim3A_715 : vector<128x1xi32> to vector<128x1792xi32>
    %eq3A_726 = arith.cmpi eq, %select_n3A_708, %eq3A_725 : vector<128x1792xi32>
    %jit3A_727 = arith.constant 0.000000e+00 : f32
    %broadcast_in_dim3A_728 = vector.broadcast %jit3A_727 : f32 to vector<128x1792xf32>
    %select_n3A_729 = arith.select %eq3A_726, %select_n3A_709, %broadcast_in_dim3A_728 : vector<128x1792xi1>, vector<128x1792xf32>
    %dot_general3A_730 = arith.constant dense<0.000000e+00> : vector<128x1xf32>
    %dot_general3A_731 = tpu.matmul %select_n3A_729, %broadcast_in_dim3A_27, %dot_general3A_730 {dimension_numbers = #tpu.dot_dimension_numbers<[1], [0], [0], [1], [0, 0, 1, 1], [], []>, transpose_lhs_hint = false} : vector<128x1792xf32>, vector<1792x1xf32>, vector<128x1xf32> -> vector<128x1xf32>
    %neg3A_732 = arith.constant 0.000000e+00 : f32
    %neg3A_733 = vector.broadcast %neg3A_732 : f32 to vector<128x1xf32>
    %neg3A_734 = arith.subf %neg3A_733, %dot_general3A_731 : vector<128x1xf32>
    %swap3A_735 = arith.constant 0 : index
    %swap3A_736 = arith.constant 23 : index
    %swap3A_737 = vector.load %arg4[%swap3A_735, %swap3A_736] : memref<128x32xf32, #tpu.memory_space<vmem>>, vector<128x1xf32>
    tpu.vector_store %arg4[%swap3A_735, %swap3A_736], %neg3A_734 {strides = array<i32>} : memref<128x32xf32, #tpu.memory_space<vmem>>, vector<128x1xf32>,
    %select_n3A_738 = arith.select %eq3A_726, %select_n3A_712, %select_n3A_708 : vector<128x1792xi1>, vector<128x1792xi32>
    %select_n3A_739 = arith.select %eq3A_726, %select_n3A_25, %select_n3A_709 : vector<128x1792xi1>, vector<128x1792xf32>
    %jit3A_740 = arith.constant 2147483647 : i32
    %broadcast_in_dim3A_741 = vector.broadcast %jit3A_740 : i32 to vector<128x1792xi32>
    %select_n3A_742 = arith.select %eq3A_726, %broadcast_in_dim3A_741, %select_n3A_712 : vector<128x1792xi1>, vector<128x1792xi32>
    %reduce_min3A_743 = arith.constant dense<2147483647> : vector<128xi32>
    %reduce_min3A_744 = vector.multi_reduction <minsi>, %select_n3A_738, %reduce_min3A_743 [1] : vector<128x1792xi32> to vector<128xi32>
    %broadcast_in_dim3A_745 = vector.shape_cast %reduce_min3A_744 : vector<128xi32> to vector<128x1xi32>
    %and3A_746 = arith.constant 4095 : i32
    %and3A_747 = vector.broadcast %and3A_746 : i32 to vector<128x1xi32>
    %and3A_748 = arith.andi %broadcast_in_dim3A_745, %and3A_747 : vector<128x1xi32>
    %add3A_749 = arith.constant 0 : i32
    %add3A_750 = vector.broadcast %add3A_749 : i32 to vector<128x1xi32>
    %add3A_751 = arith.addi %and3A_748, %add3A_750 : vector<128x1xi32>
    %swap3A_752 = arith.constant 0 : index
    %swap3A_753 = arith.constant 24 : index
    %swap3A_754 = vector.load %arg3[%swap3A_752, %swap3A_753] : memref<128x32xi32, #tpu.memory_space<vmem>>, vector<128x1xi32>
    tpu.vector_store %arg3[%swap3A_752, %swap3A_753], %add3A_751 {strides = array<i32>} : memref<128x32xi32, #tpu.memory_space<vmem>>, vector<128x1xi32>,
    %eq3A_755 = vector.broadcast %broadcast_in_dim3A_745 : vector<128x1xi32> to vector<128x1792xi32>
    %eq3A_756 = arith.cmpi eq, %select_n3A_738, %eq3A_755 : vector<128x1792xi32>
    %jit3A_757 = arith.constant 0.000000e+00 : f32
    %broadcast_in_dim3A_758 = vector.broadcast %jit3A_757 : f32 to vector<128x1792xf32>
    %select_n3A_759 = arith.select %eq3A_756, %select_n3A_739, %broadcast_in_dim3A_758 : vector<128x1792xi1>, vector<128x1792xf32>
    %dot_general3A_760 = arith.constant dense<0.000000e+00> : vector<128x1xf32>
    %dot_general3A_761 = tpu.matmul %select_n3A_759, %broadcast_in_dim3A_27, %dot_general3A_760 {dimension_numbers = #tpu.dot_dimension_numbers<[1], [0], [0], [1], [0, 0, 1, 1], [], []>, transpose_lhs_hint = false} : vector<128x1792xf32>, vector<1792x1xf32>, vector<128x1xf32> -> vector<128x1xf32>
    %neg3A_762 = arith.constant 0.000000e+00 : f32
    %neg3A_763 = vector.broadcast %neg3A_762 : f32 to vector<128x1xf32>
    %neg3A_764 = arith.subf %neg3A_763, %dot_general3A_761 : vector<128x1xf32>
    %swap3A_765 = arith.constant 0 : index
    %swap3A_766 = arith.constant 24 : index
    %swap3A_767 = vector.load %arg4[%swap3A_765, %swap3A_766] : memref<128x32xf32, #tpu.memory_space<vmem>>, vector<128x1xf32>
    tpu.vector_store %arg4[%swap3A_765, %swap3A_766], %neg3A_764 {strides = array<i32>} : memref<128x32xf32, #tpu.memory_space<vmem>>, vector<128x1xf32>,
    %select_n3A_768 = arith.select %eq3A_756, %select_n3A_742, %select_n3A_738 : vector<128x1792xi1>, vector<128x1792xi32>
    %select_n3A_769 = arith.select %eq3A_756, %select_n3A_25, %select_n3A_739 : vector<128x1792xi1>, vector<128x1792xf32>
    %jit3A_770 = arith.constant 2147483647 : i32
    %broadcast_in_dim3A_771 = vector.broadcast %jit3A_770 : i32 to vector<128x1792xi32>
    %select_n3A_772 = arith.select %eq3A_756, %broadcast_in_dim3A_771, %select_n3A_742 : vector<128x1792xi1>, vector<128x1792xi32>
    %reduce_min3A_773 = arith.constant dense<2147483647> : vector<128xi32>
    %reduce_min3A_774 = vector.multi_reduction <minsi>, %select_n3A_768, %reduce_min3A_773 [1] : vector<128x1792xi32> to vector<128xi32>
    %broadcast_in_dim3A_775 = vector.shape_cast %reduce_min3A_774 : vector<128xi32> to vector<128x1xi32>
    %and3A_776 = arith.constant 4095 : i32
    %and3A_777 = vector.broadcast %and3A_776 : i32 to vector<128x1xi32>
    %and3A_778 = arith.andi %broadcast_in_dim3A_775, %and3A_777 : vector<128x1xi32>
    %add3A_779 = arith.constant 0 : i32
    %add3A_780 = vector.broadcast %add3A_779 : i32 to vector<128x1xi32>
    %add3A_781 = arith.addi %and3A_778, %add3A_780 : vector<128x1xi32>
    %swap3A_782 = arith.constant 0 : index
    %swap3A_783 = arith.constant 25 : index
    %swap3A_784 = vector.load %arg3[%swap3A_782, %swap3A_783] : memref<128x32xi32, #tpu.memory_space<vmem>>, vector<128x1xi32>
    tpu.vector_store %arg3[%swap3A_782, %swap3A_783], %add3A_781 {strides = array<i32>} : memref<128x32xi32, #tpu.memory_space<vmem>>, vector<128x1xi32>,
    %eq3A_785 = vector.broadcast %broadcast_in_dim3A_775 : vector<128x1xi32> to vector<128x1792xi32>
    %eq3A_786 = arith.cmpi eq, %select_n3A_768, %eq3A_785 : vector<128x1792xi32>
    %jit3A_787 = arith.constant 0.000000e+00 : f32
    %broadcast_in_dim3A_788 = vector.broadcast %jit3A_787 : f32 to vector<128x1792xf32>
    %select_n3A_789 = arith.select %eq3A_786, %select_n3A_769, %broadcast_in_dim3A_788 : vector<128x1792xi1>, vector<128x1792xf32>
    %dot_general3A_790 = arith.constant dense<0.000000e+00> : vector<128x1xf32>
    %dot_general3A_791 = tpu.matmul %select_n3A_789, %broadcast_in_dim3A_27, %dot_general3A_790 {dimension_numbers = #tpu.dot_dimension_numbers<[1], [0], [0], [1], [0, 0, 1, 1], [], []>, transpose_lhs_hint = false} : vector<128x1792xf32>, vector<1792x1xf32>, vector<128x1xf32> -> vector<128x1xf32>
    %neg3A_792 = arith.constant 0.000000e+00 : f32
    %neg3A_793 = vector.broadcast %neg3A_792 : f32 to vector<128x1xf32>
    %neg3A_794 = arith.subf %neg3A_793, %dot_general3A_791 : vector<128x1xf32>
    %swap3A_795 = arith.constant 0 : index
    %swap3A_796 = arith.constant 25 : index
    %swap3A_797 = vector.load %arg4[%swap3A_795, %swap3A_796] : memref<128x32xf32, #tpu.memory_space<vmem>>, vector<128x1xf32>
    tpu.vector_store %arg4[%swap3A_795, %swap3A_796], %neg3A_794 {strides = array<i32>} : memref<128x32xf32, #tpu.memory_space<vmem>>, vector<128x1xf32>,
    %select_n3A_798 = arith.select %eq3A_786, %select_n3A_772, %select_n3A_768 : vector<128x1792xi1>, vector<128x1792xi32>
    %select_n3A_799 = arith.select %eq3A_786, %select_n3A_25, %select_n3A_769 : vector<128x1792xi1>, vector<128x1792xf32>
    %jit3A_800 = arith.constant 2147483647 : i32
    %broadcast_in_dim3A_801 = vector.broadcast %jit3A_800 : i32 to vector<128x1792xi32>
    %select_n3A_802 = arith.select %eq3A_786, %broadcast_in_dim3A_801, %select_n3A_772 : vector<128x1792xi1>, vector<128x1792xi32>
    %reduce_min3A_803 = arith.constant dense<2147483647> : vector<128xi32>
    %reduce_min3A_804 = vector.multi_reduction <minsi>, %select_n3A_798, %reduce_min3A_803 [1] : vector<128x1792xi32> to vector<128xi32>
    %broadcast_in_dim3A_805 = vector.shape_cast %reduce_min3A_804 : vector<128xi32> to vector<128x1xi32>
    %and3A_806 = arith.constant 4095 : i32
    %and3A_807 = vector.broadcast %and3A_806 : i32 to vector<128x1xi32>
    %and3A_808 = arith.andi %broadcast_in_dim3A_805, %and3A_807 : vector<128x1xi32>
    %add3A_809 = arith.constant 0 : i32
    %add3A_810 = vector.broadcast %add3A_809 : i32 to vector<128x1xi32>
    %add3A_811 = arith.addi %and3A_808, %add3A_810 : vector<128x1xi32>
    %swap3A_812 = arith.constant 0 : index
    %swap3A_813 = arith.constant 26 : index
    %swap3A_814 = vector.load %arg3[%swap3A_812, %swap3A_813] : memref<128x32xi32, #tpu.memory_space<vmem>>, vector<128x1xi32>
    tpu.vector_store %arg3[%swap3A_812, %swap3A_813], %add3A_811 {strides = array<i32>} : memref<128x32xi32, #tpu.memory_space<vmem>>, vector<128x1xi32>,
    %eq3A_815 = vector.broadcast %broadcast_in_dim3A_805 : vector<128x1xi32> to vector<128x1792xi32>
    %eq3A_816 = arith.cmpi eq, %select_n3A_798, %eq3A_815 : vector<128x1792xi32>
    %jit3A_817 = arith.constant 0.000000e+00 : f32
    %broadcast_in_dim3A_818 = vector.broadcast %jit3A_817 : f32 to vector<128x1792xf32>
    %select_n3A_819 = arith.select %eq3A_816, %select_n3A_799, %broadcast_in_dim3A_818 : vector<128x1792xi1>, vector<128x1792xf32>
    %dot_general3A_820 = arith.constant dense<0.000000e+00> : vector<128x1xf32>
    %dot_general3A_821 = tpu.matmul %select_n3A_819, %broadcast_in_dim3A_27, %dot_general3A_820 {dimension_numbers = #tpu.dot_dimension_numbers<[1], [0], [0], [1], [0, 0, 1, 1], [], []>, transpose_lhs_hint = false} : vector<128x1792xf32>, vector<1792x1xf32>, vector<128x1xf32> -> vector<128x1xf32>
    %neg3A_822 = arith.constant 0.000000e+00 : f32
    %neg3A_823 = vector.broadcast %neg3A_822 : f32 to vector<128x1xf32>
    %neg3A_824 = arith.subf %neg3A_823, %dot_general3A_821 : vector<128x1xf32>
    %swap3A_825 = arith.constant 0 : index
    %swap3A_826 = arith.constant 26 : index
    %swap3A_827 = vector.load %arg4[%swap3A_825, %swap3A_826] : memref<128x32xf32, #tpu.memory_space<vmem>>, vector<128x1xf32>
    tpu.vector_store %arg4[%swap3A_825, %swap3A_826], %neg3A_824 {strides = array<i32>} : memref<128x32xf32, #tpu.memory_space<vmem>>, vector<128x1xf32>,
    %select_n3A_828 = arith.select %eq3A_816, %select_n3A_802, %select_n3A_798 : vector<128x1792xi1>, vector<128x1792xi32>
    %select_n3A_829 = arith.select %eq3A_816, %select_n3A_25, %select_n3A_799 : vector<128x1792xi1>, vector<128x1792xf32>
    %jit3A_830 = arith.constant 2147483647 : i32
    %broadcast_in_dim3A_831 = vector.broadcast %jit3A_830 : i32 to vector<128x1792xi32>
    %select_n3A_832 = arith.select %eq3A_816, %broadcast_in_dim3A_831, %select_n3A_802 : vector<128x1792xi1>, vector<128x1792xi32>
    %reduce_min3A_833 = arith.constant dense<2147483647> : vector<128xi32>
    %reduce_min3A_834 = vector.multi_reduction <minsi>, %select_n3A_828, %reduce_min3A_833 [1] : vector<128x1792xi32> to vector<128xi32>
    %broadcast_in_dim3A_835 = vector.shape_cast %reduce_min3A_834 : vector<128xi32> to vector<128x1xi32>
    %and3A_836 = arith.constant 4095 : i32
    %and3A_837 = vector.broadcast %and3A_836 : i32 to vector<128x1xi32>
    %and3A_838 = arith.andi %broadcast_in_dim3A_835, %and3A_837 : vector<128x1xi32>
    %add3A_839 = arith.constant 0 : i32
    %add3A_840 = vector.broadcast %add3A_839 : i32 to vector<128x1xi32>
    %add3A_841 = arith.addi %and3A_838, %add3A_840 : vector<128x1xi32>
    %swap3A_842 = arith.constant 0 : index
    %swap3A_843 = arith.constant 27 : index
    %swap3A_844 = vector.load %arg3[%swap3A_842, %swap3A_843] : memref<128x32xi32, #tpu.memory_space<vmem>>, vector<128x1xi32>
    tpu.vector_store %arg3[%swap3A_842, %swap3A_843], %add3A_841 {strides = array<i32>} : memref<128x32xi32, #tpu.memory_space<vmem>>, vector<128x1xi32>,
    %eq3A_845 = vector.broadcast %broadcast_in_dim3A_835 : vector<128x1xi32> to vector<128x1792xi32>
    %eq3A_846 = arith.cmpi eq, %select_n3A_828, %eq3A_845 : vector<128x1792xi32>
    %jit3A_847 = arith.constant 0.000000e+00 : f32
    %broadcast_in_dim3A_848 = vector.broadcast %jit3A_847 : f32 to vector<128x1792xf32>
    %select_n3A_849 = arith.select %eq3A_846, %select_n3A_829, %broadcast_in_dim3A_848 : vector<128x1792xi1>, vector<128x1792xf32>
    %dot_general3A_850 = arith.constant dense<0.000000e+00> : vector<128x1xf32>
    %dot_general3A_851 = tpu.matmul %select_n3A_849, %broadcast_in_dim3A_27, %dot_general3A_850 {dimension_numbers = #tpu.dot_dimension_numbers<[1], [0], [0], [1], [0, 0, 1, 1], [], []>, transpose_lhs_hint = false} : vector<128x1792xf32>, vector<1792x1xf32>, vector<128x1xf32> -> vector<128x1xf32>
    %neg3A_852 = arith.constant 0.000000e+00 : f32
    %neg3A_853 = vector.broadcast %neg3A_852 : f32 to vector<128x1xf32>
    %neg3A_854 = arith.subf %neg3A_853, %dot_general3A_851 : vector<128x1xf32>
    %swap3A_855 = arith.constant 0 : index
    %swap3A_856 = arith.constant 27 : index
    %swap3A_857 = vector.load %arg4[%swap3A_855, %swap3A_856] : memref<128x32xf32, #tpu.memory_space<vmem>>, vector<128x1xf32>
    tpu.vector_store %arg4[%swap3A_855, %swap3A_856], %neg3A_854 {strides = array<i32>} : memref<128x32xf32, #tpu.memory_space<vmem>>, vector<128x1xf32>,
    %select_n3A_858 = arith.select %eq3A_846, %select_n3A_832, %select_n3A_828 : vector<128x1792xi1>, vector<128x1792xi32>
    %select_n3A_859 = arith.select %eq3A_846, %select_n3A_25, %select_n3A_829 : vector<128x1792xi1>, vector<128x1792xf32>
    %jit3A_860 = arith.constant 2147483647 : i32
    %broadcast_in_dim3A_861 = vector.broadcast %jit3A_860 : i32 to vector<128x1792xi32>
    %select_n3A_862 = arith.select %eq3A_846, %broadcast_in_dim3A_861, %select_n3A_832 : vector<128x1792xi1>, vector<128x1792xi32>
    %reduce_min3A_863 = arith.constant dense<2147483647> : vector<128xi32>
    %reduce_min3A_864 = vector.multi_reduction <minsi>, %select_n3A_858, %reduce_min3A_863 [1] : vector<128x1792xi32> to vector<128xi32>
    %broadcast_in_dim3A_865 = vector.shape_cast %reduce_min3A_864 : vector<128xi32> to vector<128x1xi32>
    %and3A_866 = arith.constant 4095 : i32
    %and3A_867 = vector.broadcast %and3A_866 : i32 to vector<128x1xi32>
    %and3A_868 = arith.andi %broadcast_in_dim3A_865, %and3A_867 : vector<128x1xi32>
    %add3A_869 = arith.constant 0 : i32
    %add3A_870 = vector.broadcast %add3A_869 : i32 to vector<128x1xi32>
    %add3A_871 = arith.addi %and3A_868, %add3A_870 : vector<128x1xi32>
    %swap3A_872 = arith.constant 0 : index
    %swap3A_873 = arith.constant 28 : index
    %swap3A_874 = vector.load %arg3[%swap3A_872, %swap3A_873] : memref<128x32xi32, #tpu.memory_space<vmem>>, vector<128x1xi32>
    tpu.vector_store %arg3[%swap3A_872, %swap3A_873], %add3A_871 {strides = array<i32>} : memref<128x32xi32, #tpu.memory_space<vmem>>, vector<128x1xi32>,
    %eq3A_875 = vector.broadcast %broadcast_in_dim3A_865 : vector<128x1xi32> to vector<128x1792xi32>
    %eq3A_876 = arith.cmpi eq, %select_n3A_858, %eq3A_875 : vector<128x1792xi32>
    %jit3A_877 = arith.constant 0.000000e+00 : f32
    %broadcast_in_dim3A_878 = vector.broadcast %jit3A_877 : f32 to vector<128x1792xf32>
    %select_n3A_879 = arith.select %eq3A_876, %select_n3A_859, %broadcast_in_dim3A_878 : vector<128x1792xi1>, vector<128x1792xf32>
    %dot_general3A_880 = arith.constant dense<0.000000e+00> : vector<128x1xf32>
    %dot_general3A_881 = tpu.matmul %select_n3A_879, %broadcast_in_dim3A_27, %dot_general3A_880 {dimension_numbers = #tpu.dot_dimension_numbers<[1], [0], [0], [1], [0, 0, 1, 1], [], []>, transpose_lhs_hint = false} : vector<128x1792xf32>, vector<1792x1xf32>, vector<128x1xf32> -> vector<128x1xf32>
    %neg3A_882 = arith.constant 0.000000e+00 : f32
    %neg3A_883 = vector.broadcast %neg3A_882 : f32 to vector<128x1xf32>
    %neg3A_884 = arith.subf %neg3A_883, %dot_general3A_881 : vector<128x1xf32>
    %swap3A_885 = arith.constant 0 : index
    %swap3A_886 = arith.constant 28 : index
    %swap3A_887 = vector.load %arg4[%swap3A_885, %swap3A_886] : memref<128x32xf32, #tpu.memory_space<vmem>>, vector<128x1xf32>
    tpu.vector_store %arg4[%swap3A_885, %swap3A_886], %neg3A_884 {strides = array<i32>} : memref<128x32xf32, #tpu.memory_space<vmem>>, vector<128x1xf32>,
    %select_n3A_888 = arith.select %eq3A_876, %select_n3A_862, %select_n3A_858 : vector<128x1792xi1>, vector<128x1792xi32>
    %select_n3A_889 = arith.select %eq3A_876, %select_n3A_25, %select_n3A_859 : vector<128x1792xi1>, vector<128x1792xf32>
    %jit3A_890 = arith.constant 2147483647 : i32
    %broadcast_in_dim3A_891 = vector.broadcast %jit3A_890 : i32 to vector<128x1792xi32>
    %select_n3A_892 = arith.select %eq3A_876, %broadcast_in_dim3A_891, %select_n3A_862 : vector<128x1792xi1>, vector<128x1792xi32>
    %reduce_min3A_893 = arith.constant dense<2147483647> : vector<128xi32>
    %reduce_min3A_894 = vector.multi_reduction <minsi>, %select_n3A_888, %reduce_min3A_893 [1] : vector<128x1792xi32> to vector<128xi32>
    %broadcast_in_dim3A_895 = vector.shape_cast %reduce_min3A_894 : vector<128xi32> to vector<128x1xi32>
    %and3A_896 = arith.constant 4095 : i32
    %and3A_897 = vector.broadcast %and3A_896 : i32 to vector<128x1xi32>
    %and3A_898 = arith.andi %broadcast_in_dim3A_895, %and3A_897 : vector<128x1xi32>
    %add3A_899 = arith.constant 0 : i32
    %add3A_900 = vector.broadcast %add3A_899 : i32 to vector<128x1xi32>
    %add3A_901 = arith.addi %and3A_898, %add3A_900 : vector<128x1xi32>
    %swap3A_902 = arith.constant 0 : index
    %swap3A_903 = arith.constant 29 : index
    %swap3A_904 = vector.load %arg3[%swap3A_902, %swap3A_903] : memref<128x32xi32, #tpu.memory_space<vmem>>, vector<128x1xi32>
    tpu.vector_store %arg3[%swap3A_902, %swap3A_903], %add3A_901 {strides = array<i32>} : memref<128x32xi32, #tpu.memory_space<vmem>>, vector<128x1xi32>,
    %eq3A_905 = vector.broadcast %broadcast_in_dim3A_895 : vector<128x1xi32> to vector<128x1792xi32>
    %eq3A_906 = arith.cmpi eq, %select_n3A_888, %eq3A_905 : vector<128x1792xi32>
    %jit3A_907 = arith.constant 0.000000e+00 : f32
    %broadcast_in_dim3A_908 = vector.broadcast %jit3A_907 : f32 to vector<128x1792xf32>
    %select_n3A_909 = arith.select %eq3A_906, %select_n3A_889, %broadcast_in_dim3A_908 : vector<128x1792xi1>, vector<128x1792xf32>
    %dot_general3A_910 = arith.constant dense<0.000000e+00> : vector<128x1xf32>
    %dot_general3A_911 = tpu.matmul %select_n3A_909, %broadcast_in_dim3A_27, %dot_general3A_910 {dimension_numbers = #tpu.dot_dimension_numbers<[1], [0], [0], [1], [0, 0, 1, 1], [], []>, transpose_lhs_hint = false} : vector<128x1792xf32>, vector<1792x1xf32>, vector<128x1xf32> -> vector<128x1xf32>
    %neg3A_912 = arith.constant 0.000000e+00 : f32
    %neg3A_913 = vector.broadcast %neg3A_912 : f32 to vector<128x1xf32>
    %neg3A_914 = arith.subf %neg3A_913, %dot_general3A_911 : vector<128x1xf32>
    %swap3A_915 = arith.constant 0 : index
    %swap3A_916 = arith.constant 29 : index
    %swap3A_917 = vector.load %arg4[%swap3A_915, %swap3A_916] : memref<128x32xf32, #tpu.memory_space<vmem>>, vector<128x1xf32>
    tpu.vector_store %arg4[%swap3A_915, %swap3A_916], %neg3A_914 {strides = array<i32>} : memref<128x32xf32, #tpu.memory_space<vmem>>, vector<128x1xf32>,
    %select_n3A_918 = arith.select %eq3A_906, %select_n3A_892, %select_n3A_888 : vector<128x1792xi1>, vector<128x1792xi32>
    %select_n3A_919 = arith.select %eq3A_906, %select_n3A_25, %select_n3A_889 : vector<128x1792xi1>, vector<128x1792xf32>
    %jit3A_920 = arith.constant 2147483647 : i32
    %broadcast_in_dim3A_921 = vector.broadcast %jit3A_920 : i32 to vector<128x1792xi32>
    %select_n3A_922 = arith.select %eq3A_906, %broadcast_in_dim3A_921, %select_n3A_892 : vector<128x1792xi1>, vector<128x1792xi32>
    %reduce_min3A_923 = arith.constant dense<2147483647> : vector<128xi32>
    %reduce_min3A_924 = vector.multi_reduction <minsi>, %select_n3A_918, %reduce_min3A_923 [1] : vector<128x1792xi32> to vector<128xi32>
    %broadcast_in_dim3A_925 = vector.shape_cast %reduce_min3A_924 : vector<128xi32> to vector<128x1xi32>
    %and3A_926 = arith.constant 4095 : i32
    %and3A_927 = vector.broadcast %and3A_926 : i32 to vector<128x1xi32>
    %and3A_928 = arith.andi %broadcast_in_dim3A_925, %and3A_927 : vector<128x1xi32>
    %add3A_929 = arith.constant 0 : i32
    %add3A_930 = vector.broadcast %add3A_929 : i32 to vector<128x1xi32>
    %add3A_931 = arith.addi %and3A_928, %add3A_930 : vector<128x1xi32>
    %swap3A_932 = arith.constant 0 : index
    %swap3A_933 = arith.constant 30 : index
    %swap3A_934 = vector.load %arg3[%swap3A_932, %swap3A_933] : memref<128x32xi32, #tpu.memory_space<vmem>>, vector<128x1xi32>
    tpu.vector_store %arg3[%swap3A_932, %swap3A_933], %add3A_931 {strides = array<i32>} : memref<128x32xi32, #tpu.memory_space<vmem>>, vector<128x1xi32>,
    %eq3A_935 = vector.broadcast %broadcast_in_dim3A_925 : vector<128x1xi32> to vector<128x1792xi32>
    %eq3A_936 = arith.cmpi eq, %select_n3A_918, %eq3A_935 : vector<128x1792xi32>
    %jit3A_937 = arith.constant 0.000000e+00 : f32
    %broadcast_in_dim3A_938 = vector.broadcast %jit3A_937 : f32 to vector<128x1792xf32>
    %select_n3A_939 = arith.select %eq3A_936, %select_n3A_919, %broadcast_in_dim3A_938 : vector<128x1792xi1>, vector<128x1792xf32>
    %dot_general3A_940 = arith.constant dense<0.000000e+00> : vector<128x1xf32>
    %dot_general3A_941 = tpu.matmul %select_n3A_939, %broadcast_in_dim3A_27, %dot_general3A_940 {dimension_numbers = #tpu.dot_dimension_numbers<[1], [0], [0], [1], [0, 0, 1, 1], [], []>, transpose_lhs_hint = false} : vector<128x1792xf32>, vector<1792x1xf32>, vector<128x1xf32> -> vector<128x1xf32>
    %neg3A_942 = arith.constant 0.000000e+00 : f32
    %neg3A_943 = vector.broadcast %neg3A_942 : f32 to vector<128x1xf32>
    %neg3A_944 = arith.subf %neg3A_943, %dot_general3A_941 : vector<128x1xf32>
    %swap3A_945 = arith.constant 0 : index
    %swap3A_946 = arith.constant 30 : index
    %swap3A_947 = vector.load %arg4[%swap3A_945, %swap3A_946] : memref<128x32xf32, #tpu.memory_space<vmem>>, vector<128x1xf32>
    tpu.vector_store %arg4[%swap3A_945, %swap3A_946], %neg3A_944 {strides = array<i32>} : memref<128x32xf32, #tpu.memory_space<vmem>>, vector<128x1xf32>,
    %select_n3A_948 = arith.select %eq3A_936, %select_n3A_922, %select_n3A_918 : vector<128x1792xi1>, vector<128x1792xi32>
    %select_n3A_949 = arith.select %eq3A_936, %select_n3A_25, %select_n3A_919 : vector<128x1792xi1>, vector<128x1792xf32>
    %reduce_min3A_950 = arith.constant dense<2147483647> : vector<128xi32>
    %reduce_min3A_951 = vector.multi_reduction <minsi>, %select_n3A_948, %reduce_min3A_950 [1] : vector<128x1792xi32> to vector<128xi32>
    %broadcast_in_dim3A_952 = vector.shape_cast %reduce_min3A_951 : vector<128xi32> to vector<128x1xi32>
    %and3A_953 = arith.constant 4095 : i32
    %and3A_954 = vector.broadcast %and3A_953 : i32 to vector<128x1xi32>
    %and3A_955 = arith.andi %broadcast_in_dim3A_952, %and3A_954 : vector<128x1xi32>
    %add3A_956 = arith.constant 0 : i32
    %add3A_957 = vector.broadcast %add3A_956 : i32 to vector<128x1xi32>
    %add3A_958 = arith.addi %and3A_955, %add3A_957 : vector<128x1xi32>
    %swap3A_959 = arith.constant 0 : index
    %swap3A_960 = arith.constant 31 : index
    %swap3A_961 = vector.load %arg3[%swap3A_959, %swap3A_960] : memref<128x32xi32, #tpu.memory_space<vmem>>, vector<128x1xi32>
    tpu.vector_store %arg3[%swap3A_959, %swap3A_960], %add3A_958 {strides = array<i32>} : memref<128x32xi32, #tpu.memory_space<vmem>>, vector<128x1xi32>,
    %eq3A_962 = vector.broadcast %broadcast_in_dim3A_952 : vector<128x1xi32> to vector<128x1792xi32>
    %eq3A_963 = arith.cmpi eq, %select_n3A_948, %eq3A_962 : vector<128x1792xi32>
    %jit3A_964 = arith.constant 0.000000e+00 : f32
    %broadcast_in_dim3A_965 = vector.broadcast %jit3A_964 : f32 to vector<128x1792xf32>
    %select_n3A_966 = arith.select %eq3A_963, %select_n3A_949, %broadcast_in_dim3A_965 : vector<128x1792xi1>, vector<128x1792xf32>
    %dot_general3A_967 = arith.constant dense<0.000000e+00> : vector<128x1xf32>
    %dot_general3A_968 = tpu.matmul %select_n3A_966, %broadcast_in_dim3A_27, %dot_general3A_967 {dimension_numbers = #tpu.dot_dimension_numbers<[1], [0], [0], [1], [0, 0, 1, 1], [], []>, transpose_lhs_hint = false} : vector<128x1792xf32>, vector<1792x1xf32>, vector<128x1xf32> -> vector<128x1xf32>
    %neg3A_969 = arith.constant 0.000000e+00 : f32
    %neg3A_970 = vector.broadcast %neg3A_969 : f32 to vector<128x1xf32>
    %neg3A_971 = arith.subf %neg3A_970, %dot_general3A_968 : vector<128x1xf32>
    %swap3A_972 = arith.constant 0 : index
    %swap3A_973 = arith.constant 31 : index
    %swap3A_974 = vector.load %arg4[%swap3A_972, %swap3A_973] : memref<128x32xf32, #tpu.memory_space<vmem>>, vector<128x1xf32>
    tpu.vector_store %arg4[%swap3A_972, %swap3A_973], %neg3A_971 {strides = array<i32>} : memref<128x32xf32, #tpu.memory_space<vmem>>, vector<128x1xf32>,
    return
  }
  func.func @transform_0(%arg0: i32) -> (i32, i32) {
    %c0_i32 = arith.constant 0 : i32
    %c0_i32_0 = arith.constant 0 : i32
    return %arg0, %c0_i32 : i32, i32
  }
  func.func @transform_1(%arg0: i32) -> (i32, i32) {
    %c0_i32 = arith.constant 0 : i32
    %c0_i32_0 = arith.constant 0 : i32
    %c0_i32_1 = arith.constant 0 : i32
    return %c0_i32, %c0_i32_0 : i32, i32
  }
  func.func @transform_2(%arg0: i32) -> (i32, i32) {
    %c0_i32 = arith.constant 0 : i32
    %c0_i32_0 = arith.constant 0 : i32
    return %arg0, %c0_i32 : i32, i32
  }
  func.func @transform_3(%arg0: i32) -> (i32, i32) {
    %c0_i32 = arith.constant 0 : i32
    %c0_i32_0 = arith.constant 0 : i32
    return %arg0, %c0_i32 : i32, i32
  }
}

module attributes {stable_mosaic.version = 14 : i64} {
  func.func @_cv_body(%arg0: i32, %arg1: memref<128x128xf32, #tpu.memory_space<vmem>>, %arg2: memref<4096x128xf32, #tpu.memory_space<vmem>>, %arg3: memref<128x32xf32, #tpu.memory_space<vmem>>, %arg4: memref<128x64xf32, #tpu.memory_space<vmem>>, %arg5: memref<64xf32, #tpu.memory_space<vmem>>, %arg6: memref<64x64xf32, #tpu.memory_space<vmem>>, %arg7: memref<64xf32, #tpu.memory_space<vmem>>, %arg8: memref<128x64xf32, #tpu.memory_space<vmem>>) attributes {dimension_semantics = [#tpu.dimension_semantics<arbitrary>], iteration_bounds = array<i64: 14>, scalar_prefetch = 0 : i64, scratch_operands = 0 : i64, tpu.core_type = #tpu.core_type<tc>, window_params = [{transform_indices = @transform_0, window_bounds = array<i64: 128, 128>}, {transform_indices = @transform_1, window_bounds = array<i64: 4096, 128>}, {transform_indices = @transform_2, window_bounds = array<i64: 128, 32>}, {pipeline_mode = #tpu.pipeline_mode<synchronous>, transform_indices = @transform_3, window_bounds = array<i64: 128, 64>}, {pipeline_mode = #tpu.pipeline_mode<synchronous>, transform_indices = @transform_4, window_bounds = array<i64: 64>}, {pipeline_mode = #tpu.pipeline_mode<synchronous>, transform_indices = @transform_5, window_bounds = array<i64: 64, 64>}, {pipeline_mode = #tpu.pipeline_mode<synchronous>, transform_indices = @transform_6, window_bounds = array<i64: 64>}, {transform_indices = @transform_7, window_bounds = array<i64: 128, 64>}]} {
    %get3A = arith.constant 0 : index
    %get3A_0 = arith.constant 0 : index
    %get3A_1 = vector.load %arg1[%get3A, %get3A_0] : memref<128x128xf32, #tpu.memory_space<vmem>>, vector<128x128xf32>
    %get3A_2 = arith.constant 0 : index
    %get3A_3 = arith.constant 0 : index
    %get3A_4 = vector.load %arg2[%get3A_2, %get3A_3] : memref<4096x128xf32, #tpu.memory_space<vmem>>, vector<4096x128xf32>
    %reshape3A = vector.shape_cast %get3A_4 : vector<4096x128xf32> to vector<128x32x128xf32>
    %broadcast_in_dim3A = vector.shape_cast %get3A_1 : vector<128x128xf32> to vector<128x1x128xf32>
    %add3A = vector.broadcast %broadcast_in_dim3A : vector<128x1x128xf32> to vector<128x32x128xf32>
    %add3A_5 = arith.addf %reshape3A, %add3A : vector<128x32x128xf32>
    %max3A = arith.constant 0.000000e+00 : f32
    %max3A_6 = vector.broadcast %max3A : f32 to vector<128x32x128xf32>
    %max3A_7 = arith.maximumf %add3A_5, %max3A_6 : vector<128x32x128xf32>
    %reshape3A_8 = vector.shape_cast %max3A_7 : vector<128x32x128xf32> to vector<4096x128xf32>
    %get3A_9 = arith.constant 0 : index
    %get3A_10 = arith.constant 0 : index
    %get3A_11 = vector.load %arg4[%get3A_9, %get3A_10] : memref<128x64xf32, #tpu.memory_space<vmem>>, vector<128x64xf32>
    %dot_general3A = arith.constant dense<0.000000e+00> : vector<4096x64xf32>
    %dot_general3A_12 = tpu.matmul %reshape3A_8, %get3A_11, %dot_general3A {dimension_numbers = #tpu.dot_dimension_numbers<[1], [0], [0], [1], [0, 0, 1, 1], [], []>, transpose_lhs_hint = false} : vector<4096x128xf32>, vector<128x64xf32>, vector<4096x64xf32> -> vector<4096x64xf32>
    %get3A_13 = arith.constant 0 : index
    %get3A_14 = vector.load %arg5[%get3A_13] : memref<64xf32, #tpu.memory_space<vmem>>, vector<64xf32>
    %broadcast_in_dim3A_15 = vector.shape_cast %get3A_14 : vector<64xf32> to vector<1x64xf32>
    %add3A_16 = vector.broadcast %broadcast_in_dim3A_15 : vector<1x64xf32> to vector<4096x64xf32>
    %add3A_17 = arith.addf %dot_general3A_12, %add3A_16 : vector<4096x64xf32>
    %max3A_18 = arith.constant 0.000000e+00 : f32
    %max3A_19 = vector.broadcast %max3A_18 : f32 to vector<4096x64xf32>
    %max3A_20 = arith.maximumf %add3A_17, %max3A_19 : vector<4096x64xf32>
    %get3A_21 = arith.constant 0 : index
    %get3A_22 = arith.constant 0 : index
    %get3A_23 = vector.load %arg6[%get3A_21, %get3A_22] : memref<64x64xf32, #tpu.memory_space<vmem>>, vector<64x64xf32>
    %dot_general3A_24 = arith.constant dense<0.000000e+00> : vector<4096x64xf32>
    %dot_general3A_25 = tpu.matmul %max3A_20, %get3A_23, %dot_general3A_24 {dimension_numbers = #tpu.dot_dimension_numbers<[1], [0], [0], [1], [0, 0, 1, 1], [], []>, transpose_lhs_hint = false} : vector<4096x64xf32>, vector<64x64xf32>, vector<4096x64xf32> -> vector<4096x64xf32>
    %get3A_26 = arith.constant 0 : index
    %get3A_27 = vector.load %arg7[%get3A_26] : memref<64xf32, #tpu.memory_space<vmem>>, vector<64xf32>
    %broadcast_in_dim3A_28 = vector.shape_cast %get3A_27 : vector<64xf32> to vector<1x64xf32>
    %add3A_29 = vector.broadcast %broadcast_in_dim3A_28 : vector<1x64xf32> to vector<4096x64xf32>
    %add3A_30 = arith.addf %dot_general3A_25, %add3A_29 : vector<4096x64xf32>
    %max3A_31 = arith.constant 0.000000e+00 : f32
    %max3A_32 = vector.broadcast %max3A_31 : f32 to vector<4096x64xf32>
    %max3A_33 = arith.maximumf %add3A_30, %max3A_32 : vector<4096x64xf32>
    %get3A_34 = arith.constant 0 : index
    %get3A_35 = arith.constant 0 : index
    %get3A_36 = vector.load %arg3[%get3A_34, %get3A_35] : memref<128x32xf32, #tpu.memory_space<vmem>>, vector<128x32xf32>
    %reduce_max3A = arith.constant dense<0xFF800000> : vector<128xf32>
    %reduce_max3A_37 = vector.multi_reduction <maximumf>, %get3A_36, %reduce_max3A [1] : vector<128x32xf32> to vector<128xf32>
    %broadcast_in_dim3A_38 = vector.shape_cast %reduce_max3A_37 : vector<128xf32> to vector<128x1xf32>
    %sub3A = vector.broadcast %broadcast_in_dim3A_38 : vector<128x1xf32> to vector<128x32xf32>
    %sub3A_39 = arith.subf %get3A_36, %sub3A : vector<128x32xf32>
    %exp3A = math.exp %sub3A_39 : vector<128x32xf32>
    %reduce_sum3A = arith.constant dense<0.000000e+00> : vector<128xf32>
    %reduce_sum3A_40 = vector.multi_reduction <add>, %exp3A, %reduce_sum3A [1] : vector<128x32xf32> to vector<128xf32>
    %broadcast_in_dim3A_41 = vector.shape_cast %reduce_sum3A_40 : vector<128xf32> to vector<128x1xf32>
    %div3A = vector.broadcast %broadcast_in_dim3A_41 : vector<128x1xf32> to vector<128x32xf32>
    %div3A_42 = arith.divf %exp3A, %div3A : vector<128x32xf32>
    %reshape3A_43 = vector.shape_cast %max3A_33 : vector<4096x64xf32> to vector<128x32x64xf32>
    %broadcast_in_dim3A_44 = vector.shape_cast %div3A_42 : vector<128x32xf32> to vector<128x32x1xf32>
    %mul3A = vector.broadcast %broadcast_in_dim3A_44 : vector<128x32x1xf32> to vector<128x32x64xf32>
    %mul3A_45 = arith.mulf %reshape3A_43, %mul3A : vector<128x32x64xf32>
    %reduce_sum3A_46 = arith.constant dense<0.000000e+00> : vector<128x64xf32>
    %reduce_sum3A_47 = vector.multi_reduction <add>, %mul3A_45, %reduce_sum3A_46 [1] : vector<128x32x64xf32> to vector<128x64xf32>
    %swap3A = arith.constant 0 : index
    %swap3A_48 = arith.constant 0 : index
    %swap3A_49 = vector.load %arg8[%swap3A, %swap3A_48] : memref<128x64xf32, #tpu.memory_space<vmem>>, vector<128x64xf32>
    tpu.vector_store %arg8[%swap3A, %swap3A_48], %reduce_sum3A_47 {strides = array<i32>} : memref<128x64xf32, #tpu.memory_space<vmem>>, vector<128x64xf32>,
    return
  }
  func.func @transform_0(%arg0: i32) -> (i32, i32) {
    %c0_i32 = arith.constant 0 : i32
    %c0_i32_0 = arith.constant 0 : i32
    return %arg0, %c0_i32 : i32, i32
  }
  func.func @transform_1(%arg0: i32) -> (i32, i32) {
    %c0_i32 = arith.constant 0 : i32
    %c0_i32_0 = arith.constant 0 : i32
    return %arg0, %c0_i32 : i32, i32
  }
  func.func @transform_2(%arg0: i32) -> (i32, i32) {
    %c0_i32 = arith.constant 0 : i32
    %c0_i32_0 = arith.constant 0 : i32
    return %arg0, %c0_i32 : i32, i32
  }
  func.func @transform_3(%arg0: i32) -> (i32, i32) {
    %c0_i32 = arith.constant 0 : i32
    %c0_i32_0 = arith.constant 0 : i32
    %c0_i32_1 = arith.constant 0 : i32
    return %c0_i32, %c0_i32_0 : i32, i32
  }
  func.func @transform_4(%arg0: i32) -> i32 {
    %c0_i32 = arith.constant 0 : i32
    %c0_i32_0 = arith.constant 0 : i32
    return %c0_i32 : i32
  }
  func.func @transform_5(%arg0: i32) -> (i32, i32) {
    %c0_i32 = arith.constant 0 : i32
    %c0_i32_0 = arith.constant 0 : i32
    %c0_i32_1 = arith.constant 0 : i32
    return %c0_i32, %c0_i32_0 : i32, i32
  }
  func.func @transform_6(%arg0: i32) -> i32 {
    %c0_i32 = arith.constant 0 : i32
    %c0_i32_0 = arith.constant 0 : i32
    return %c0_i32 : i32
  }
  func.func @transform_7(%arg0: i32) -> (i32, i32) {
    %c0_i32 = arith.constant 0 : i32
    %c0_i32_0 = arith.constant 0 : i32
    return %arg0, %c0_i32 : i32, i32
  }
}

</mosaic_0001>

<sc_bundles>
// kernel: kernel.15.cloned.1.call-start
scs
__scs_entry_jumppad:
0x0: {  	(pc) =	sbr.rel $0x88, $3  }
0x1: {  	(tag) =	ssettag $0x0;
	lr =	simm.s32 $0x1  }
0x2: {  	[smem:$0x3F95] =	sst lr;
	_ =	strace $0xD0000000  }
0x3: {  	_ = 	snop  }
0x4: {  	_ = 	snop  }
0x5: {  	_ = 	snop  }
0x6: {  	_ = 	snop  }
0x7: {  	_ = 	snop  }
__scs_overlays_trampoline_lowered:
0x8: {  	[smem:$0x3FA4] =	sst s0  }
0x9: {  	[smem:$0x3FA5] =	sst s1  }
0xa: {  	[smem:$0x3FA6] =	sst s2  }
0xb: {  	[smem:$0x3FA7] =	sst s3  }
0xc: {  	[smem:$0x3FA8] =	sst s4  }
0xd: {  	[smem:$0x3FA9] =	sst s5  }
0xe: {  	[smem:$0x3FAA] =	sst s6  }
0xf: {  	[smem:$0x3FAB] =	sst s7  }
0x10: {  	[smem:$0x3FAC] =	sst s8  }
0x11: {  	[smem:$0x3FAD] =	sst s9;
	s0 =	simm.s32 @!p0 $0x0  }
0x12: {  	s1 =	sld [smem:$0x3F93];
	s0 =	simm.s32 @p0 $0x1  }
0x13: {  	[smem:$0x3FAE] =	sst s0;
	s0 =	simm.s32 @!p1 $0x0  }
0x14: {  	s2 =	sld [smem:$0x3F92];
	s0 =	simm.s32 @p1 $0x1  }
0x15: {  	[smem:$0x3FAF] =	sst s0;
	s0 =	simm.s32 @!p2 $0x0  }
0x16: {  	s3 =	sld [smem:$0x3FDB];
	s0 =	simm.s32 @p2 $0x1  }
0x17: {  	s4 =	simm.s32 $0x1BF5;
	[smem:$0x3FB1] =	sst s0  }
0x18: {  	s0 =	sld [smem:$0x3F94];
	_ =	swait.ge [sflag:s4], $0x0  }
0x19: {  	s7 =	sld [smem:$0x3F95]  }
0x1a: {  	s8 =	sadd.s32 $0xFFFFE003, lr  }
0x1b: {  	s9 =	sadd.s32 $0xFFFFFEF7, lr;
	s5 =	simm.s32 $0xFFFFFFFF;
	p2 =	slt.u32 s8, $0xFFFFF086  }
0x1c: {  	p1 =	slt.u32 s9, $0xF7A;
	s5 =	simm.s32 @!p2 $0x0  }
0x1d: {  	s5 =	simm.s32 @p1 $0x1;
	p0 =	seq.s32 s7, s2  }
0x1e: {  	s7 =	smul.u32 @!p0 $0xF7A, s2;
	p2 =	seq.s32 @!p0 s5, $0x0  }
0x1f: {  	s9 =	smul.u32 $0xF7A, s1;
	s8 =	simm.s32 @!p0 $0x1BF5;
	p2 =	por !p2, p0  }
0x20: {  	[sflag:s8] =	ssyncset.s32 @!p0 $0xFFFFF086;
	s6 =	sadd.s32 @!p0 s3, s7;
	s7 =	simm.s32 @!p0 $0x108  }
0x21: {  	s3 =	sadd.s32 s3, s9;
	s6 =	sadd.s32 @!p0 $0x88, s6;
	s7 =	simm.s32 @p2 $0x1082  }
0x22: {  	[simem:s7], [sflag:s8] =	dma.local @!p0 [hbm:s6], $0xF7A  }
0x23: {  	s9 =	sor.u32 $0xD0000000, s2;
	s6 =	simm.s32 $0x108;
	_ =	swait.ge @!p0 [sflag:s8], $0x0  }
0x24: {  	s3 =	sadd.s32 $0x88, s3;
	s6 =	simm.s32 @!p1 $0x1082;
	[sflag:s4] =	ssyncset.s32 $0xFFFFF086  }
0x25: {  	[simem:s6], [sflag:s4] =	dma.local [hbm:s3], $0xF7A  }
0x26: {  	[smem:$0x3F95] =	sst s1;
	(tag) =	ssettag s2;
	_ =	strace s9  }
0x27: {  	s1 =	sld [smem:$0x3FA5]  }
0x28: {  	s2 =	sld [smem:$0x3FA6]  }
0x29: {  	s4 =	sld [smem:$0x3FA8]  }
0x2a: {  	p0 =	seq.s32 s5, $0x0;
	s5 =	sld [smem:$0x3FA9]  }
0x2b: {  	s6 =	sld [smem:$0x3FAA]  }
0x2c: {  	s7 =	sld [smem:$0x3FAB]  }
0x2d: {  	s3 =	simm.s32 $0x108;
	s8 =	sld [smem:$0x3FAC]  }
0x2e: {  	s3 =	simm.s32 @!p0 $0x1082;
	s9 =	sld [smem:$0x3FAD]  }
0x2f: {  	lr =	sadd.s32 s0, s3;
	s0 =	sld [smem:$0x3FA4]  }
0x30: {  	s3 =	sld [smem:$0x3FA7]  }
0x31: {  	[smem:$0x3FB0] =	sst s10  }
0x32: {  	s10 =	sld [smem:$0x3FAE];
	_ =	sdelay $0x3  }
0x33: {  	p0 =	seq.s32 s10, $0x1;
	s10 =	sld [smem:$0x3FB0];
	_ =	sdelay $0x3  }
0x34: {  	[smem:$0x3FB0] =	sst s10  }
0x35: {  	s10 =	sld [smem:$0x3FAF];
	_ =	sdelay $0x3  }
0x36: {  	p1 =	seq.s32 s10, $0x1;
	s10 =	sld [smem:$0x3FB0];
	_ =	sdelay $0x3  }
0x37: {  	[smem:$0x3FB0] =	sst s10  }
0x38: {  	s10 =	sld [smem:$0x3FB1]  }
0x39: {  	_ = 	snop;
	(pc) =	sbr.ind lr, $3  }
0x3a: {  	_ = 	snop  }
0x3b: {  	_ = 	snop  }
0x3c: {  	p2 =	seq.s32 s10, $0x1;
	s10 =	sld [smem:$0x3FB0]  }
0x3d: {  	_ =	shalt  }
0x3e: {  	_ =	shalt  }
0x3f: {  	_ =	shalt  }
0x40: {  	_ =	shalt  }
0x41: {  	_ =	shalt  }
0x42: {  	_ =	shalt  }
0x43: {  	_ =	shalt  }
0x44: {  	_ =	shalt  }
0x45: {  	_ =	shalt  }
0x46: {  	_ =	shalt  }
0x47: {  	_ =	shalt  }
0x48: {  	_ =	shalt  }
0x49: {  	_ =	shalt  }
0x4a: {  	_ =	shalt  }
0x4b: {  	_ =	shalt  }
0x4c: {  	_ =	shalt  }
0x4d: {  	_ =	shalt  }
0x4e: {  	_ =	shalt  }
0x4f: {  	_ =	shalt  }
0x50: {  	_ =	shalt  }
0x51: {  	_ =	shalt  }
0x52: {  	_ =	shalt  }
0x53: {  	_ =	shalt  }
0x54: {  	_ =	shalt  }
0x55: {  	_ =	shalt  }
0x56: {  	_ =	shalt  }
0x57: {  	_ =	shalt  }
0x58: {  	_ =	shalt  }
0x59: {  	_ =	shalt  }
0x5a: {  	_ =	shalt  }
0x5b: {  	_ =	shalt  }
0x5c: {  	_ =	shalt  }
0x5d: {  	_ =	shalt  }
0x5e: {  	_ =	shalt  }
0x5f: {  	_ =	shalt  }
0x60: {  	_ =	shalt  }
0x61: {  	_ =	shalt  }
0x62: {  	_ =	shalt  }
0x63: {  	_ =	shalt  }
0x64: {  	_ =	shalt  }
0x65: {  	_ =	shalt  }
0x66: {  	_ =	shalt  }
0x67: {  	_ =	shalt  }
0x68: {  	_ =	shalt  }
0x69: {  	_ =	shalt  }
0x6a: {  	_ =	shalt  }
0x6b: {  	_ =	shalt  }
0x6c: {  	_ =	shalt  }
0x6d: {  	_ =	shalt  }
0x6e: {  	_ =	shalt  }
0x6f: {  	_ =	shalt  }
0x70: {  	_ =	shalt  }
0x71: {  	_ =	shalt  }
0x72: {  	_ =	shalt  }
0x73: {  	_ =	shalt  }
0x74: {  	_ =	shalt  }
0x75: {  	_ =	shalt  }
0x76: {  	_ =	shalt  }
0x77: {  	_ =	shalt  }
0x78: {  	_ =	shalt  }
0x79: {  	_ =	shalt  }
0x7a: {  	_ =	shalt  }
0x7b: {  	_ =	shalt  }
0x7c: {  	_ =	shalt  }
0x7d: {  	_ =	shalt  }
0x7e: {  	_ =	shalt  }
0x7f: {  	_ =	shalt  }
0x80: {  	_ =	shalt  }
0x81: {  	_ =	shalt  }
0x82: {  	_ =	shalt  }
0x83: {  	_ =	shalt  }
0x84: {  	_ =	shalt  }
0x85: {  	_ =	shalt  }
0x86: {  	_ =	shalt  }
0x87: {  	_ =	shalt  }
.Lfunc_end0:
.L_simem_size_0:
called_computation_lowered:
.L_overlay_start_0:
0x88: {  	s2 =	sld [smem:$0x3FD9]  }
0x89: {  	s3 =	sld [smem:$0x3FFE];
	_ =	sdelay $0x1  }
0x8a: {  	s1 =	srdreg.scid  }
0x8b: {  	s0 =	sand.u32 $0x1, s1  }
0x8c: {  	s17 =	sshll.u32 s0, $0xA;
	s2 =	sadd.s32 s3, s2  }
0x8d: {  	s2 =	sadd.s32 s2, s17  }
0x8e: {  	[smem:$0x3FBC] =	sst s2  }
0x8f: {  	_ = 	snop  }
0x90: {  	(tm) =	ssettm $0x1  }
0x91: {  	s18 =	sld [smem:$0x3FFB];
	_ =	sdelay $0x3  }
0x92: {  	_ =	strace s18  }
0x93: {  	s2 =	sld [smem:$0x3FFC];
	_ =	sdelay $0x3  }
0x94: {  	_ =	strace s2  }
0x95: {  	s2 =	sld [smem:$0x3FFD];
	_ =	sdelay $0x3  }
0x96: {  	_ =	strace s2  }
0x97: {  	_ =	strace $0x8FFFFFFF  }
0x98: {  	s19 =	sld [smem:$0x3FDB];
	_ =	sdelay $0x1  }
0x99: {  	s20 =	simm.s32 $_scs_section_size  }
0x9a: {  	s4 =	simm.s32 $_size__tile_overlayer_lowered;
	s5 =	simm.s32 $_tile_overlayer_lowered  }
0x9b: {  	s6 =	simm.s32 $0x1BFF;
	s21 =	sshll.u32 s5, $0x1;
	s3 =	sadd.s32 s20, s19  }
0x9c: {  	s22 =	simm.s32 $0x0;
	s4 =	sshll.u32 s4, $0x1;
	s5 =	sadd.s32 s21, s3  }
0x9d: {  	[timem:s22], [sflag:s6] =	dma.local [hbm:s5], s4  }
0x9e: {  	_ =	swait.ge [sflag:s6], s4  }
0x9f: {  	s4 =	ssub.s32 $0x0, s4;
	[sflag:s6] =	ssyncset.done $0x0  }
0xa0: {  	[sflag:s6] =	ssyncadd.s32 s4;
	_ =	sdelay $0x1  }
0xa1: {  	s23 =	simm.s32 $0x1B8B  }
0xa2: {  	_ =	swait.ge [sflag:s23], $0x1  }
0xa3: {  	[sflag:s23] =	ssyncset.done $0x0  }
0xa4: {  	[sflag:s23] =	ssyncadd.s32 $0xFFFFFFFF  }
0xa5: {  	s4 =	sld [smem:$0x0]  }
0xa6: {  	s5 =	sand.u32 $0xFFFFFFFE, s1  }
0xa7: {  	p0 =	sne.s32 s1, s5  }
0xa8: {  	s5 =	sshll.u32 @p0 s5, $0xE  }
0xa9: {  	s5 =	sadd.s32 @p0 $0x11B8D, s5;
	s6 =	sshll.u32 @p0 s4, $0x11  }
0xaa: {  	s5 =	sor.u32 @p0 s6, s5  }
0xab: {  	[sflag:s5] =	ssyncadd.remote.s32 @p0 $0x1;
	_ =	sdelay $0x1  }
0xac: {  	s5 =	simm.s32 @p0 $0x1B8D  }
0xad: {  	_ =	swait.eq @p0 [sflag:s5], $0x1  }
0xae: {  	[sflag:s5] =	ssyncadd.s32 @p0 $0xFFFFFFFF  }
0xaf: {  	s6 =	sshll.u32 @!p0 s1, $0xE  }
0xb0: {  	s6 =	sor.u32 @!p0 $0x4000, s6;
	s5 =	simm.s32 @!p0 $0x1B8D  }
0xb1: {  	s4 =	sshll.u32 @!p0 s4, $0x11;
	s6 =	sadd.s32 @!p0 $0x11B8D, s6;
	_ =	swait.eq @!p0 [sflag:s5], $0x1  }
0xb2: {  	s4 =	sor.u32 @!p0 s4, s6;
	[sflag:s5] =	ssyncadd.s32 @!p0 $0xFFFFFFFF  }
0xb3: {  	s25 =	simm.s32 $0x1B8E;
	s24 =	sld [smem:$0x3FFE];
	[sflag:s4] =	ssyncadd.remote.s32 @!p0 $0x1  }
0xb4: {  	s26 =	simm.s32 $execute0_lowered;
	[smem:$0x3FD2] =	sst s25  }
0xb5: {  	s5 =	sshll.u32 s26, $0x1;
	_ =	strace $0x8000004F;
	[dreg:$0x1] =	wrdreg $0xFFFFFFFF  }
0xb6: {  	s28 =	simm.s32 $_size_execute0_lowered;
	s3 =	sadd.s32 s3, s5;
	[dreg:$0x0] =	wrdreg $0x0  }
0xb7: {  	s5 =	sshll.u32 s28, $0x1;
	[dreg:$0x2] =	wrdreg s3  }
0xb8: {  	[dreg:$0x3] =	wrdreg s5  }
0xb9: {  	[dreg:$0x4] =	wrdreg $0xC0  }
0xba: {  	_ =	task [dreg:s22], $0x5FFFF  }
0xbb: {  	[dreg:$0x1] =	wrdreg $0xFFFFFFFF  }
0xbc: {  	[dreg:$0x0] =	wrdreg $0x60  }
0xbd: {  	[dreg:$0x2] =	wrdreg s24  }
0xbe: {  	[dreg:$0x3] =	wrdreg $0x9  }
0xbf: {  	_ =	task.clear_ibuf [dreg:s22], $0x4FFFF;
	_ =	strace $0x9000004F  }
0xc0: {  	s29 =	simm.s32 $0x9;
	_ =	strace $0x80000051  }
0xc1: {  	_ =	swait.ge [sflag:s29], $0x1  }
0xc2: {  	[sflag:s29] =	ssyncadd.s32 $0xFFFFFFFF  }
0xc3: {  	_ =	strace $0x90000051  }
0xc4: {  	_ =	sfence  }
0xc5: {  	s30 =	sld [smem:$0x0];
	_ =	sdelay $0x2  }
0xc6: {  	s31 =	sshll.u32 s1, $0xD;
	s1 =	sshrl.u32 s1, $0x2  }
0xc7: {  	s4 =	sand.u32 $0x4000, s31;
	s1 =	sadd.s32 s1, s30  }
0xc8: {  	s0 =	sor.u32 s4, s0;
	s1 =	sshll.u32 s1, $0x11  }
0xc9: {  	s0 =	sor.u32 s1, s0  }
0xca: {  	s0 =	sadd.s32 $0x8F2B, s0  }
0xcb: {  	[sflag:s0] =	ssyncadd.remote.s32 $0x1  }
0xcc: {  	_ =	sfence.sel $0xFFFF  }
0xcd: {  	[dreg:$0x0] =	wrdreg $0xFFFFFFFF;
	(pc) =	sbr.abs _section_cstart, $3  }
0xce: {  	[dreg:$0x1] =	wrdreg $0xFFFFFFFF  }
0xcf: {  	_ =	task.clear_ibuf [dreg:s22], $0x2FFFF;
	_ =	strace $0x9FFFFFFF  }
0xd0: {  	(tm) =	ssettm $0x7FFFFFFF  }
0xd1: {  	_ =	shalt  }
tec
execute0_lowered:
.L_overlay_start_1:
0x0: {  	(tag) =	ssettag $0x1  }
0x1: {  	s4 =	rddreg [dreg:$0x0]  }
0x2: {  	s0 =	rddreg [dreg:$0x1];
	s2 =	simm.s32 $0x0;
	s1 =	stileid.u32  }
0x3: {  	s3 =	srdreg.scid;
	s10 =	simm.s32 $0x0;
	s6 =	smul.u32 $0xE00, s1  }
0x4: {  	[smem:$0x7FF] =	sst s2;
	s5 =	sand.u32 $0x1, s3;
	s8 =	smul.u32 $0xE000, s1  }
0x5: {  	s3 =	sadd.s32 $0x5400, s4;
	s7 =	smul.u32 $0x700, s5;
	s9 =	ssub.s32 $0x2, s5  }
0x6: {  	_ =	strace $0x80000050;
	s5 =	smul.u32 $0x7000, s5;
	s31 =	sshrl.u32 s9, $0x1  }
0x7: {  	s8 =	sadd.s32 s8, s4;
	s6 =	sadd.s32 s7, s6;
	s7 =	ssub.s32 s9, s31  }
0x8: {  	s5 =	sadd.s32 s5, s8;
	s8 =	simm.s32 $0x80;
	s6 =	sshrl.u32 s6, $0x3  }
0x9: {  	s9 =	simm.s32 $0x1;
	s5 =	sadd.s32 $0x2C6800, s5;
	s6 =	sadd.s32 s6, s4  }
0xa: {  	s4 =	smax.u32 s7, $0x1;
	s7 =	simm.s32 $0x2;
	s6 =	sadd.s32 $0x2C4C00, s6  }
.LBB2_1:
0xb: {  	s11 =	sadd.s32 $0x0, s6  }
0xc: {  	[tilespmem:s2], [sflag:$0x2] =	stream.linear.gather [hbm4b:s11+s2], $0x80, $0x38;
	[tilespmem:$0x4080] =	vst v63  }
0xd: {  	_ =	swait.ge [sflag:s7], $0x80  }
0xe: {  	[sflag:s7] =	ssyncset.done $0x0  }
0xf: {  	[sflag:s7] =	ssyncadd.s32 $0xFFFFFF80  }
0x10: {  	[tilespmem:s8], [sflag:$0x1] =	stream.indirect.gather [hbm4b:s3+s8], $0x80, s2, s8, $0xb8;
	[tilespmem:$0x4080] =	vst v63  }
0x11: {  	_ =	swait.ge [sflag:s9], $0x4000  }
0x12: {  	[sflag:s9] =	ssyncset.done $0x0  }
0x13: {  	[sflag:s9] =	ssyncadd.s32 $0xFFFFC000  }
0x14: {  	[hbm4b:s5+s2] =	stream.linear.scatter [tilespmem:s8], [sflag:$0x2], $0x4000, $0x38;
	[tilespmem:$0x4080] =	vst v63  }
0x15: {  	s12 =	simm.s32 $0x10;
	_ =	swait.ge [sflag:s7], $0x4000  }
0x16: {  	s13 =	simm.s32 $0x20;
	s11 =	sadd.s32 $0x800, s5;
	[sflag:s7] =	ssyncset.done $0x0  }
.LBB2_2:
0x17: {  	s14 =	sadd.s32 s12, s6  }
0x18: {  	[sflag:s7] =	ssyncadd.s32 $0xFFFFC000;
	s12 =	smov.u32 s13;
	s15 =	sadd.s32 $0x10, s13  }
0x19: {  	[tilespmem:s2], [sflag:$0x2] =	stream.linear.gather [hbm4b:s14+s2], $0x80, $0x38;
	[tilespmem:$0x4080] =	vst v63  }
0x1a: {  	p0 =	sne.s32 s13, $0xD0;
	_ =	swait.ge [sflag:s7], $0x80  }
0x1b: {  	[sflag:s7] =	ssyncset.done $0x0  }
0x1c: {  	[sflag:s7] =	ssyncadd.s32 $0xFFFFFF80  }
0x1d: {  	[tilespmem:s8], [sflag:$0x1] =	stream.indirect.gather [hbm4b:s3+s8], $0x80, s2, s8, $0xb8;
	[tilespmem:$0x4080] =	vst v63  }
0x1e: {  	_ =	swait.ge [sflag:s9], $0x4000  }
.Ltmp0:
0x1f: {  	[sflag:s9] =	ssyncset.done $0x0;
	(pc) =	sbr.rel @p0 .LBB2_2-.Ltmp0, $4  }
0x20: {  	[sflag:s9] =	ssyncadd.s32 $0xFFFFC000  }
0x21: {  	[hbm4b:s11+s2] =	stream.linear.scatter [tilespmem:s8], [sflag:$0x2], $0x4000, $0x38;
	[tilespmem:$0x4080] =	vst v63  }
0x22: {  	_ =	swait.ge [sflag:s7], $0x4000  }
0x23: {  	s13 =	smov.u32 s15;
	s11 =	sadd.s32 $0x800, s11;
	[sflag:s7] =	ssyncset.done $0x0  }
0x24: {  	s12 =	sadd.s32 s12, s6;
	[sflag:s7] =	ssyncadd.s32 $0xFFFFC000  }
0x25: {  	[tilespmem:s2], [sflag:$0x2] =	stream.linear.gather [hbm4b:s12+s2], $0x80, $0x38;
	[tilespmem:$0x4080] =	vst v63  }
0x26: {  	_ =	swait.ge [sflag:s7], $0x80  }
0x27: {  	[sflag:s7] =	ssyncset.done $0x0  }
0x28: {  	[sflag:s7] =	ssyncadd.s32 $0xFFFFFF80  }
0x29: {  	[tilespmem:s8], [sflag:$0x1] =	stream.indirect.gather [hbm4b:s3+s8], $0x80, s2, s8, $0xb8;
	[tilespmem:$0x4080] =	vst v63  }
0x2a: {  	s10 =	sadd.s32 $0x1, s10;
	_ =	swait.ge [sflag:s9], $0x4000  }
0x2b: {  	p0 =	sne.s32 s10, s4;
	[sflag:s9] =	ssyncset.done $0x0  }
.Ltmp1:
0x2c: {  	[sflag:s9] =	ssyncadd.s32 $0xFFFFC000;
	(pc) =	sbr.rel @p0 .LBB2_1-.Ltmp1, $4  }
0x2d: {  	[hbm4b:s11+s2] =	stream.linear.scatter [tilespmem:s8], [sflag:$0x2], $0x4000, $0x38;
	[tilespmem:$0x4080] =	vst v63  }
0x2e: {  	_ =	swait.ge [sflag:s7], $0x4000  }
0x2f: {  	[sflag:s7] =	ssyncset.done $0x0  }
0x30: {  	[sflag:s7] =	ssyncadd.s32 $0xFFFFC000  }
0x31: {  	_ =	sfence.sel $0x180000  }
0x32: {  	[bflag:$0x0] =	sbarrier.arrive $0xFFFF  }
0x33: {  	p0 =	sne.s32 s1, $0x0;
	_ =	strace $0x90000050  }
0x34: {  	s0 =	sadd.s32 @!p0 $0x100000, s0;
	[bflag:$0x2] =	sbarrier.arrive $0xFFFF  }
0x35: {  	[sflag:s0] =	ssyncadd.tile.s32 @!p0 $0x1;
	_ =	shalt  }
.Lfunc_end2:
_tile_overlayer_lowered:
.L_overlay_start_2:
0x36: {  	(tag) =	ssettag $0x2  }
0x37: {  	s0 =	rddreg [dreg:$0x0];
	s2 =	stileid.u32  }
0x38: {  	s1 =	rddreg [dreg:$0x1];
	p0 =	sne.s32 s2, $0x0  }
0x39: {  	s3 =	rddreg [dreg:$0x2];
	[bflag:$0x3] =	sbarrier.arrive $0xFFFF;
	s2 =	simm.s32 @!p0 $0x1C02  }
0x3a: {  	[timem:s3], [sflag:s2] =	dma.local @!p0 [hbm:s0], s1  }
0x3b: {  	s0 =	simm.s32 @!p0 $0x2  }
0x3c: {  	_ =	swait.ge @!p0 [sflag:s0], s1  }
0x3d: {  	s1 =	ssub.s32 @!p0 $0x0, s1;
	[sflag:s0] =	ssyncset.done @!p0 $0x0  }
0x3e: {  	[sflag:s0] =	ssyncadd.s32 @!p0 s1  }
0x3f: {  	[bflag:$0x3] =	sbarrier.arrive $0xFFFF  }
0x40: {  	_ =	shalt  }

// kernel: kernel.18.cloned.1.call-start
scs
__scs_entry_jumppad:
0x0: {  	(pc) =	sbr.rel $0x88, $3  }
0x1: {  	(tag) =	ssettag $0x0;
	lr =	simm.s32 $0x1  }
0x2: {  	[smem:$0x3F95] =	sst lr;
	_ =	strace $0xD0000000  }
0x3: {  	_ = 	snop  }
0x4: {  	_ = 	snop  }
0x5: {  	_ = 	snop  }
0x6: {  	_ = 	snop  }
0x7: {  	_ = 	snop  }
__scs_overlays_trampoline_lowered:
0x8: {  	[smem:$0x3FA4] =	sst s0  }
0x9: {  	[smem:$0x3FA5] =	sst s1  }
0xa: {  	[smem:$0x3FA6] =	sst s2  }
0xb: {  	[smem:$0x3FA7] =	sst s3  }
0xc: {  	[smem:$0x3FA8] =	sst s4  }
0xd: {  	[smem:$0x3FA9] =	sst s5  }
0xe: {  	[smem:$0x3FAA] =	sst s6  }
0xf: {  	[smem:$0x3FAB] =	sst s7  }
0x10: {  	[smem:$0x3FAC] =	sst s8  }
0x11: {  	[smem:$0x3FAD] =	sst s9;
	s0 =	simm.s32 @!p0 $0x0  }
0x12: {  	s1 =	sld [smem:$0x3F93];
	s0 =	simm.s32 @p0 $0x1  }
0x13: {  	[smem:$0x3FAE] =	sst s0;
	s0 =	simm.s32 @!p1 $0x0  }
0x14: {  	s2 =	sld [smem:$0x3F92];
	s0 =	simm.s32 @p1 $0x1  }
0x15: {  	[smem:$0x3FAF] =	sst s0;
	s0 =	simm.s32 @!p2 $0x0  }
0x16: {  	s3 =	sld [smem:$0x3FDB];
	s0 =	simm.s32 @p2 $0x1  }
0x17: {  	s4 =	simm.s32 $0x1BF5;
	[smem:$0x3FB1] =	sst s0  }
0x18: {  	s0 =	sld [smem:$0x3F94];
	_ =	swait.ge [sflag:s4], $0x0  }
0x19: {  	s7 =	sld [smem:$0x3F95]  }
0x1a: {  	s8 =	sadd.s32 $0xFFFFE003, lr  }
0x1b: {  	s9 =	sadd.s32 $0xFFFFFEF7, lr;
	s5 =	simm.s32 $0xFFFFFFFF;
	p2 =	slt.u32 s8, $0xFFFFF086  }
0x1c: {  	p1 =	slt.u32 s9, $0xF7A;
	s5 =	simm.s32 @!p2 $0x0  }
0x1d: {  	s5 =	simm.s32 @p1 $0x1;
	p0 =	seq.s32 s7, s2  }
0x1e: {  	s7 =	smul.u32 @!p0 $0xF7A, s2;
	p2 =	seq.s32 @!p0 s5, $0x0  }
0x1f: {  	s9 =	smul.u32 $0xF7A, s1;
	s8 =	simm.s32 @!p0 $0x1BF5;
	p2 =	por !p2, p0  }
0x20: {  	[sflag:s8] =	ssyncset.s32 @!p0 $0xFFFFF086;
	s6 =	sadd.s32 @!p0 s3, s7;
	s7 =	simm.s32 @!p0 $0x108  }
0x21: {  	s3 =	sadd.s32 s3, s9;
	s6 =	sadd.s32 @!p0 $0x88, s6;
	s7 =	simm.s32 @p2 $0x1082  }
0x22: {  	[simem:s7], [sflag:s8] =	dma.local @!p0 [hbm:s6], $0xF7A  }
0x23: {  	s9 =	sor.u32 $0xD0000000, s2;
	s6 =	simm.s32 $0x108;
	_ =	swait.ge @!p0 [sflag:s8], $0x0  }
0x24: {  	s3 =	sadd.s32 $0x88, s3;
	s6 =	simm.s32 @!p1 $0x1082;
	[sflag:s4] =	ssyncset.s32 $0xFFFFF086  }
0x25: {  	[simem:s6], [sflag:s4] =	dma.local [hbm:s3], $0xF7A  }
0x26: {  	[smem:$0x3F95] =	sst s1;
	(tag) =	ssettag s2;
	_ =	strace s9  }
0x27: {  	s1 =	sld [smem:$0x3FA5]  }
0x28: {  	s2 =	sld [smem:$0x3FA6]  }
0x29: {  	s4 =	sld [smem:$0x3FA8]  }
0x2a: {  	p0 =	seq.s32 s5, $0x0;
	s5 =	sld [smem:$0x3FA9]  }
0x2b: {  	s6 =	sld [smem:$0x3FAA]  }
0x2c: {  	s7 =	sld [smem:$0x3FAB]  }
0x2d: {  	s3 =	simm.s32 $0x108;
	s8 =	sld [smem:$0x3FAC]  }
0x2e: {  	s3 =	simm.s32 @!p0 $0x1082;
	s9 =	sld [smem:$0x3FAD]  }
0x2f: {  	lr =	sadd.s32 s0, s3;
	s0 =	sld [smem:$0x3FA4]  }
0x30: {  	s3 =	sld [smem:$0x3FA7]  }
0x31: {  	[smem:$0x3FB0] =	sst s10  }
0x32: {  	s10 =	sld [smem:$0x3FAE];
	_ =	sdelay $0x3  }
0x33: {  	p0 =	seq.s32 s10, $0x1;
	s10 =	sld [smem:$0x3FB0];
	_ =	sdelay $0x3  }
0x34: {  	[smem:$0x3FB0] =	sst s10  }
0x35: {  	s10 =	sld [smem:$0x3FAF];
	_ =	sdelay $0x3  }
0x36: {  	p1 =	seq.s32 s10, $0x1;
	s10 =	sld [smem:$0x3FB0];
	_ =	sdelay $0x3  }
0x37: {  	[smem:$0x3FB0] =	sst s10  }
0x38: {  	s10 =	sld [smem:$0x3FB1]  }
0x39: {  	_ = 	snop;
	(pc) =	sbr.ind lr, $3  }
0x3a: {  	_ = 	snop  }
0x3b: {  	_ = 	snop  }
0x3c: {  	p2 =	seq.s32 s10, $0x1;
	s10 =	sld [smem:$0x3FB0]  }
0x3d: {  	_ =	shalt  }
0x3e: {  	_ =	shalt  }
0x3f: {  	_ =	shalt  }
0x40: {  	_ =	shalt  }
0x41: {  	_ =	shalt  }
0x42: {  	_ =	shalt  }
0x43: {  	_ =	shalt  }
0x44: {  	_ =	shalt  }
0x45: {  	_ =	shalt  }
0x46: {  	_ =	shalt  }
0x47: {  	_ =	shalt  }
0x48: {  	_ =	shalt  }
0x49: {  	_ =	shalt  }
0x4a: {  	_ =	shalt  }
0x4b: {  	_ =	shalt  }
0x4c: {  	_ =	shalt  }
0x4d: {  	_ =	shalt  }
0x4e: {  	_ =	shalt  }
0x4f: {  	_ =	shalt  }
0x50: {  	_ =	shalt  }
0x51: {  	_ =	shalt  }
0x52: {  	_ =	shalt  }
0x53: {  	_ =	shalt  }
0x54: {  	_ =	shalt  }
0x55: {  	_ =	shalt  }
0x56: {  	_ =	shalt  }
0x57: {  	_ =	shalt  }
0x58: {  	_ =	shalt  }
0x59: {  	_ =	shalt  }
0x5a: {  	_ =	shalt  }
0x5b: {  	_ =	shalt  }
0x5c: {  	_ =	shalt  }
0x5d: {  	_ =	shalt  }
0x5e: {  	_ =	shalt  }
0x5f: {  	_ =	shalt  }
0x60: {  	_ =	shalt  }
0x61: {  	_ =	shalt  }
0x62: {  	_ =	shalt  }
0x63: {  	_ =	shalt  }
0x64: {  	_ =	shalt  }
0x65: {  	_ =	shalt  }
0x66: {  	_ =	shalt  }
0x67: {  	_ =	shalt  }
0x68: {  	_ =	shalt  }
0x69: {  	_ =	shalt  }
0x6a: {  	_ =	shalt  }
0x6b: {  	_ =	shalt  }
0x6c: {  	_ =	shalt  }
0x6d: {  	_ =	shalt  }
0x6e: {  	_ =	shalt  }
0x6f: {  	_ =	shalt  }
0x70: {  	_ =	shalt  }
0x71: {  	_ =	shalt  }
0x72: {  	_ =	shalt  }
0x73: {  	_ =	shalt  }
0x74: {  	_ =	shalt  }
0x75: {  	_ =	shalt  }
0x76: {  	_ =	shalt  }
0x77: {  	_ =	shalt  }
0x78: {  	_ =	shalt  }
0x79: {  	_ =	shalt  }
0x7a: {  	_ =	shalt  }
0x7b: {  	_ =	shalt  }
0x7c: {  	_ =	shalt  }
0x7d: {  	_ =	shalt  }
0x7e: {  	_ =	shalt  }
0x7f: {  	_ =	shalt  }
0x80: {  	_ =	shalt  }
0x81: {  	_ =	shalt  }
0x82: {  	_ =	shalt  }
0x83: {  	_ =	shalt  }
0x84: {  	_ =	shalt  }
0x85: {  	_ =	shalt  }
0x86: {  	_ =	shalt  }
0x87: {  	_ =	shalt  }
.Lfunc_end0:
.L_simem_size_0:
called_computation.1_lowered:
.L_overlay_start_0:
0x88: {  	s2 =	sld [smem:$0x3FD9]  }
0x89: {  	s3 =	sld [smem:$0x3FFE];
	_ =	sdelay $0x1  }
0x8a: {  	s1 =	srdreg.scid  }
0x8b: {  	s0 =	sand.u32 $0x1, s1  }
0x8c: {  	s17 =	sshll.u32 s0, $0xA;
	s2 =	sadd.s32 s3, s2  }
0x8d: {  	s2 =	sadd.s32 s2, s17  }
0x8e: {  	[smem:$0x3FBC] =	sst s2  }
0x8f: {  	_ = 	snop  }
0x90: {  	(tm) =	ssettm $0x1  }
0x91: {  	s18 =	sld [smem:$0x3FFB];
	_ =	sdelay $0x3  }
0x92: {  	_ =	strace s18  }
0x93: {  	s2 =	sld [smem:$0x3FFC];
	_ =	sdelay $0x3  }
0x94: {  	_ =	strace s2  }
0x95: {  	s2 =	sld [smem:$0x3FFD];
	_ =	sdelay $0x3  }
0x96: {  	_ =	strace s2  }
0x97: {  	_ =	strace $0x8FFFFFFF  }
0x98: {  	s19 =	sld [smem:$0x3FDB];
	_ =	sdelay $0x1  }
0x99: {  	s20 =	simm.s32 $_scs_section_size  }
0x9a: {  	s4 =	simm.s32 $_size__tile_overlayer_lowered;
	s5 =	simm.s32 $_tile_overlayer_lowered  }
0x9b: {  	s6 =	simm.s32 $0x1BFF;
	s21 =	sshll.u32 s5, $0x1;
	s3 =	sadd.s32 s20, s19  }
0x9c: {  	s22 =	simm.s32 $0x0;
	s4 =	sshll.u32 s4, $0x1;
	s5 =	sadd.s32 s21, s3  }
0x9d: {  	[timem:s22], [sflag:s6] =	dma.local [hbm:s5], s4  }
0x9e: {  	_ =	swait.ge [sflag:s6], s4  }
0x9f: {  	s4 =	ssub.s32 $0x0, s4;
	[sflag:s6] =	ssyncset.done $0x0  }
0xa0: {  	[sflag:s6] =	ssyncadd.s32 s4;
	_ =	sdelay $0x1  }
0xa1: {  	s23 =	simm.s32 $0x1B8B  }
0xa2: {  	_ =	swait.ge [sflag:s23], $0x1  }
0xa3: {  	[sflag:s23] =	ssyncset.done $0x0  }
0xa4: {  	[sflag:s23] =	ssyncadd.s32 $0xFFFFFFFF  }
0xa5: {  	s4 =	sld [smem:$0x0]  }
0xa6: {  	s5 =	sand.u32 $0xFFFFFFFE, s1  }
0xa7: {  	p0 =	sne.s32 s1, s5  }
0xa8: {  	s5 =	sshll.u32 @p0 s5, $0xE  }
0xa9: {  	s5 =	sadd.s32 @p0 $0x11B8D, s5;
	s6 =	sshll.u32 @p0 s4, $0x11  }
0xaa: {  	s5 =	sor.u32 @p0 s6, s5  }
0xab: {  	[sflag:s5] =	ssyncadd.remote.s32 @p0 $0x1;
	_ =	sdelay $0x1  }
0xac: {  	s5 =	simm.s32 @p0 $0x1B8D  }
0xad: {  	_ =	swait.eq @p0 [sflag:s5], $0x1  }
0xae: {  	[sflag:s5] =	ssyncadd.s32 @p0 $0xFFFFFFFF  }
0xaf: {  	s6 =	sshll.u32 @!p0 s1, $0xE  }
0xb0: {  	s6 =	sor.u32 @!p0 $0x4000, s6;
	s5 =	simm.s32 @!p0 $0x1B8D  }
0xb1: {  	s4 =	sshll.u32 @!p0 s4, $0x11;
	s6 =	sadd.s32 @!p0 $0x11B8D, s6;
	_ =	swait.eq @!p0 [sflag:s5], $0x1  }
0xb2: {  	s4 =	sor.u32 @!p0 s4, s6;
	[sflag:s5] =	ssyncadd.s32 @!p0 $0xFFFFFFFF  }
0xb3: {  	s25 =	simm.s32 $0x1B8E;
	s24 =	sld [smem:$0x3FFE];
	[sflag:s4] =	ssyncadd.remote.s32 @!p0 $0x1  }
0xb4: {  	s26 =	simm.s32 $execute0_lowered;
	[smem:$0x3FD2] =	sst s25  }
0xb5: {  	s5 =	sshll.u32 s26, $0x1;
	_ =	strace $0x8000004C;
	[dreg:$0x1] =	wrdreg $0xFFFFFFFF  }
0xb6: {  	s28 =	simm.s32 $_size_execute0_lowered;
	s3 =	sadd.s32 s3, s5;
	[dreg:$0x0] =	wrdreg $0x0  }
0xb7: {  	s5 =	sshll.u32 s28, $0x1;
	[dreg:$0x2] =	wrdreg s3  }
0xb8: {  	[dreg:$0x3] =	wrdreg s5  }
0xb9: {  	[dreg:$0x4] =	wrdreg $0xC0  }
0xba: {  	_ =	task [dreg:s22], $0x5FFFF  }
0xbb: {  	[dreg:$0x1] =	wrdreg $0xFFFFFFFF  }
0xbc: {  	[dreg:$0x0] =	wrdreg $0x60  }
0xbd: {  	[dreg:$0x2] =	wrdreg s24  }
0xbe: {  	[dreg:$0x3] =	wrdreg $0xA  }
0xbf: {  	_ =	task.clear_ibuf [dreg:s22], $0x4FFFF;
	_ =	strace $0x9000004C  }
0xc0: {  	s29 =	simm.s32 $0xA;
	_ =	strace $0x8000004E  }
0xc1: {  	_ =	swait.ge [sflag:s29], $0x1  }
0xc2: {  	[sflag:s29] =	ssyncadd.s32 $0xFFFFFFFF  }
0xc3: {  	_ =	strace $0x9000004E  }
0xc4: {  	_ =	sfence  }
0xc5: {  	s30 =	sld [smem:$0x0];
	_ =	sdelay $0x2  }
0xc6: {  	s31 =	sshll.u32 s1, $0xD;
	s1 =	sshrl.u32 s1, $0x2  }
0xc7: {  	s4 =	sand.u32 $0x4000, s31;
	s1 =	sadd.s32 s1, s30  }
0xc8: {  	s0 =	sor.u32 s4, s0;
	s1 =	sshll.u32 s1, $0x11  }
0xc9: {  	s0 =	sor.u32 s1, s0  }
0xca: {  	s0 =	sadd.s32 $0x8F2B, s0  }
0xcb: {  	[sflag:s0] =	ssyncadd.remote.s32 $0x1  }
0xcc: {  	_ =	sfence.sel $0xFFFF  }
0xcd: {  	[dreg:$0x0] =	wrdreg $0xFFFFFFFF;
	(pc) =	sbr.abs _section_cstart, $3  }
0xce: {  	[dreg:$0x1] =	wrdreg $0xFFFFFFFF  }
0xcf: {  	_ =	task.clear_ibuf [dreg:s22], $0x2FFFF;
	_ =	strace $0x9FFFFFFF  }
0xd0: {  	(tm) =	ssettm $0x7FFFFFFF  }
0xd1: {  	_ =	shalt  }
tec
execute0_lowered:
.L_overlay_start_1:
0x0: {  	(tag) =	ssettag $0x1  }
0x1: {  	s4 =	rddreg [dreg:$0x0]  }
0x2: {  	s0 =	rddreg [dreg:$0x1];
	s2 =	simm.s32 $0x0;
	s1 =	stileid.u32  }
0x3: {  	s3 =	srdreg.scid;
	s10 =	simm.s32 $0x0;
	s6 =	smul.u32 $0xE00, s1  }
0x4: {  	[smem:$0x7FF] =	sst s2;
	s5 =	sand.u32 $0x1, s3;
	s8 =	smul.u32 $0xE000, s1  }
0x5: {  	s3 =	sadd.s32 $0x5400, s4;
	s7 =	smul.u32 $0x700, s5;
	s9 =	ssub.s32 $0x2, s5  }
0x6: {  	_ =	strace $0x8000004D;
	s5 =	smul.u32 $0x7000, s5;
	s31 =	sshrl.u32 s9, $0x1  }
0x7: {  	s8 =	sadd.s32 s8, s4;
	s6 =	sadd.s32 s7, s6;
	s7 =	ssub.s32 s9, s31  }
0x8: {  	s5 =	sadd.s32 s5, s8;
	s8 =	simm.s32 $0x80;
	s6 =	sshrl.u32 s6, $0x3  }
0x9: {  	s9 =	simm.s32 $0x1;
	s5 =	sadd.s32 $0x1E4C00, s5;
	s6 =	sadd.s32 s6, s4  }
0xa: {  	s4 =	smax.u32 s7, $0x1;
	s7 =	simm.s32 $0x2;
	s6 =	sadd.s32 $0x1E3000, s6  }
.LBB2_1:
0xb: {  	s11 =	sadd.s32 $0x0, s6  }
0xc: {  	[tilespmem:s2], [sflag:$0x2] =	stream.linear.gather [hbm4b:s11+s2], $0x80, $0x38;
	[tilespmem:$0x4080] =	vst v63  }
0xd: {  	_ =	swait.ge [sflag:s7], $0x80  }
0xe: {  	[sflag:s7] =	ssyncset.done $0x0  }
0xf: {  	[sflag:s7] =	ssyncadd.s32 $0xFFFFFF80  }
0x10: {  	[tilespmem:s8], [sflag:$0x1] =	stream.indirect.gather [hbm4b:s3+s8], $0x80, s2, s8, $0xb8;
	[tilespmem:$0x4080] =	vst v63  }
0x11: {  	_ =	swait.ge [sflag:s9], $0x4000  }
0x12: {  	[sflag:s9] =	ssyncset.done $0x0  }
0x13: {  	[sflag:s9] =	ssyncadd.s32 $0xFFFFC000  }
0x14: {  	[hbm4b:s5+s2] =	stream.linear.scatter [tilespmem:s8], [sflag:$0x2], $0x4000, $0x38;
	[tilespmem:$0x4080] =	vst v63  }
0x15: {  	s12 =	simm.s32 $0x10;
	_ =	swait.ge [sflag:s7], $0x4000  }
0x16: {  	s13 =	simm.s32 $0x20;
	s11 =	sadd.s32 $0x800, s5;
	[sflag:s7] =	ssyncset.done $0x0  }
.LBB2_2:
0x17: {  	s14 =	sadd.s32 s12, s6  }
0x18: {  	[sflag:s7] =	ssyncadd.s32 $0xFFFFC000;
	s12 =	smov.u32 s13;
	s15 =	sadd.s32 $0x10, s13  }
0x19: {  	[tilespmem:s2], [sflag:$0x2] =	stream.linear.gather [hbm4b:s14+s2], $0x80, $0x38;
	[tilespmem:$0x4080] =	vst v63  }
0x1a: {  	p0 =	sne.s32 s13, $0xD0;
	_ =	swait.ge [sflag:s7], $0x80  }
0x1b: {  	[sflag:s7] =	ssyncset.done $0x0  }
0x1c: {  	[sflag:s7] =	ssyncadd.s32 $0xFFFFFF80  }
0x1d: {  	[tilespmem:s8], [sflag:$0x1] =	stream.indirect.gather [hbm4b:s3+s8], $0x80, s2, s8, $0xb8;
	[tilespmem:$0x4080] =	vst v63  }
0x1e: {  	_ =	swait.ge [sflag:s9], $0x4000  }
.Ltmp0:
0x1f: {  	[sflag:s9] =	ssyncset.done $0x0;
	(pc) =	sbr.rel @p0 .LBB2_2-.Ltmp0, $4  }
0x20: {  	[sflag:s9] =	ssyncadd.s32 $0xFFFFC000  }
0x21: {  	[hbm4b:s11+s2] =	stream.linear.scatter [tilespmem:s8], [sflag:$0x2], $0x4000, $0x38;
	[tilespmem:$0x4080] =	vst v63  }
0x22: {  	_ =	swait.ge [sflag:s7], $0x4000  }
0x23: {  	s13 =	smov.u32 s15;
	s11 =	sadd.s32 $0x800, s11;
	[sflag:s7] =	ssyncset.done $0x0  }
0x24: {  	s12 =	sadd.s32 s12, s6;
	[sflag:s7] =	ssyncadd.s32 $0xFFFFC000  }
0x25: {  	[tilespmem:s2], [sflag:$0x2] =	stream.linear.gather [hbm4b:s12+s2], $0x80, $0x38;
	[tilespmem:$0x4080] =	vst v63  }
0x26: {  	_ =	swait.ge [sflag:s7], $0x80  }
0x27: {  	[sflag:s7] =	ssyncset.done $0x0  }
0x28: {  	[sflag:s7] =	ssyncadd.s32 $0xFFFFFF80  }
0x29: {  	[tilespmem:s8], [sflag:$0x1] =	stream.indirect.gather [hbm4b:s3+s8], $0x80, s2, s8, $0xb8;
	[tilespmem:$0x4080] =	vst v63  }
0x2a: {  	s10 =	sadd.s32 $0x1, s10;
	_ =	swait.ge [sflag:s9], $0x4000  }
0x2b: {  	p0 =	sne.s32 s10, s4;
	[sflag:s9] =	ssyncset.done $0x0  }
.Ltmp1:
0x2c: {  	[sflag:s9] =	ssyncadd.s32 $0xFFFFC000;
	(pc) =	sbr.rel @p0 .LBB2_1-.Ltmp1, $4  }
0x2d: {  	[hbm4b:s11+s2] =	stream.linear.scatter [tilespmem:s8], [sflag:$0x2], $0x4000, $0x38;
	[tilespmem:$0x4080] =	vst v63  }
0x2e: {  	_ =	swait.ge [sflag:s7], $0x4000  }
0x2f: {  	[sflag:s7] =	ssyncset.done $0x0  }
0x30: {  	[sflag:s7] =	ssyncadd.s32 $0xFFFFC000  }
0x31: {  	_ =	sfence.sel $0x180000  }
0x32: {  	[bflag:$0x0] =	sbarrier.arrive $0xFFFF  }
0x33: {  	p0 =	sne.s32 s1, $0x0;
	_ =	strace $0x9000004D  }
0x34: {  	s0 =	sadd.s32 @!p0 $0x100000, s0;
	[bflag:$0x2] =	sbarrier.arrive $0xFFFF  }
0x35: {  	[sflag:s0] =	ssyncadd.tile.s32 @!p0 $0x1;
	_ =	shalt  }
.Lfunc_end2:
_tile_overlayer_lowered:
.L_overlay_start_2:
0x36: {  	(tag) =	ssettag $0x2  }
0x37: {  	s0 =	rddreg [dreg:$0x0];
	s2 =	stileid.u32  }
0x38: {  	s1 =	rddreg [dreg:$0x1];
	p0 =	sne.s32 s2, $0x0  }
0x39: {  	s3 =	rddreg [dreg:$0x2];
	[bflag:$0x3] =	sbarrier.arrive $0xFFFF;
	s2 =	simm.s32 @!p0 $0x1C02  }
0x3a: {  	[timem:s3], [sflag:s2] =	dma.local @!p0 [hbm:s0], s1  }
0x3b: {  	s0 =	simm.s32 @!p0 $0x2  }
0x3c: {  	_ =	swait.ge @!p0 [sflag:s0], s1  }
0x3d: {  	s1 =	ssub.s32 @!p0 $0x0, s1;
	[sflag:s0] =	ssyncset.done @!p0 $0x0  }
0x3e: {  	[sflag:s0] =	ssyncadd.s32 @!p0 s1  }
0x3f: {  	[bflag:$0x3] =	sbarrier.arrive $0xFFFF  }
0x40: {  	_ =	shalt  }

// kernel: kernel.21.cloned.1.call-start
scs
__scs_entry_jumppad:
0x0: {  	(pc) =	sbr.rel $0x88, $3  }
0x1: {  	(tag) =	ssettag $0x0;
	lr =	simm.s32 $0x1  }
0x2: {  	[smem:$0x3F95] =	sst lr;
	_ =	strace $0xD0000000  }
0x3: {  	_ = 	snop  }
0x4: {  	_ = 	snop  }
0x5: {  	_ = 	snop  }
0x6: {  	_ = 	snop  }
0x7: {  	_ = 	snop  }
__scs_overlays_trampoline_lowered:
0x8: {  	[smem:$0x3FA4] =	sst s0  }
0x9: {  	[smem:$0x3FA5] =	sst s1  }
0xa: {  	[smem:$0x3FA6] =	sst s2  }
0xb: {  	[smem:$0x3FA7] =	sst s3  }
0xc: {  	[smem:$0x3FA8] =	sst s4  }
0xd: {  	[smem:$0x3FA9] =	sst s5  }
0xe: {  	[smem:$0x3FAA] =	sst s6  }
0xf: {  	[smem:$0x3FAB] =	sst s7  }
0x10: {  	[smem:$0x3FAC] =	sst s8  }
0x11: {  	[smem:$0x3FAD] =	sst s9;
	s0 =	simm.s32 @!p0 $0x0  }
0x12: {  	s1 =	sld [smem:$0x3F93];
	s0 =	simm.s32 @p0 $0x1  }
0x13: {  	[smem:$0x3FAE] =	sst s0;
	s0 =	simm.s32 @!p1 $0x0  }
0x14: {  	s2 =	sld [smem:$0x3F92];
	s0 =	simm.s32 @p1 $0x1  }
0x15: {  	[smem:$0x3FAF] =	sst s0;
	s0 =	simm.s32 @!p2 $0x0  }
0x16: {  	s3 =	sld [smem:$0x3FDB];
	s0 =	simm.s32 @p2 $0x1  }
0x17: {  	s4 =	simm.s32 $0x1BF5;
	[smem:$0x3FB1] =	sst s0  }
0x18: {  	s0 =	sld [smem:$0x3F94];
	_ =	swait.ge [sflag:s4], $0x0  }
0x19: {  	s7 =	sld [smem:$0x3F95]  }
0x1a: {  	s8 =	sadd.s32 $0xFFFFE003, lr  }
0x1b: {  	s9 =	sadd.s32 $0xFFFFFEF7, lr;
	s5 =	simm.s32 $0xFFFFFFFF;
	p2 =	slt.u32 s8, $0xFFFFF086  }
0x1c: {  	p1 =	slt.u32 s9, $0xF7A;
	s5 =	simm.s32 @!p2 $0x0  }
0x1d: {  	s5 =	simm.s32 @p1 $0x1;
	p0 =	seq.s32 s7, s2  }
0x1e: {  	s7 =	smul.u32 @!p0 $0xF7A, s2;
	p2 =	seq.s32 @!p0 s5, $0x0  }
0x1f: {  	s9 =	smul.u32 $0xF7A, s1;
	s8 =	simm.s32 @!p0 $0x1BF5;
	p2 =	por !p2, p0  }
0x20: {  	[sflag:s8] =	ssyncset.s32 @!p0 $0xFFFFF086;
	s6 =	sadd.s32 @!p0 s3, s7;
	s7 =	simm.s32 @!p0 $0x108  }
0x21: {  	s3 =	sadd.s32 s3, s9;
	s6 =	sadd.s32 @!p0 $0x88, s6;
	s7 =	simm.s32 @p2 $0x1082  }
0x22: {  	[simem:s7], [sflag:s8] =	dma.local @!p0 [hbm:s6], $0xF7A  }
0x23: {  	s9 =	sor.u32 $0xD0000000, s2;
	s6 =	simm.s32 $0x108;
	_ =	swait.ge @!p0 [sflag:s8], $0x0  }
0x24: {  	s3 =	sadd.s32 $0x88, s3;
	s6 =	simm.s32 @!p1 $0x1082;
	[sflag:s4] =	ssyncset.s32 $0xFFFFF086  }
0x25: {  	[simem:s6], [sflag:s4] =	dma.local [hbm:s3], $0xF7A  }
0x26: {  	[smem:$0x3F95] =	sst s1;
	(tag) =	ssettag s2;
	_ =	strace s9  }
0x27: {  	s1 =	sld [smem:$0x3FA5]  }
0x28: {  	s2 =	sld [smem:$0x3FA6]  }
0x29: {  	s4 =	sld [smem:$0x3FA8]  }
0x2a: {  	p0 =	seq.s32 s5, $0x0;
	s5 =	sld [smem:$0x3FA9]  }
0x2b: {  	s6 =	sld [smem:$0x3FAA]  }
0x2c: {  	s7 =	sld [smem:$0x3FAB]  }
0x2d: {  	s3 =	simm.s32 $0x108;
	s8 =	sld [smem:$0x3FAC]  }
0x2e: {  	s3 =	simm.s32 @!p0 $0x1082;
	s9 =	sld [smem:$0x3FAD]  }
0x2f: {  	lr =	sadd.s32 s0, s3;
	s0 =	sld [smem:$0x3FA4]  }
0x30: {  	s3 =	sld [smem:$0x3FA7]  }
0x31: {  	[smem:$0x3FB0] =	sst s10  }
0x32: {  	s10 =	sld [smem:$0x3FAE];
	_ =	sdelay $0x3  }
0x33: {  	p0 =	seq.s32 s10, $0x1;
	s10 =	sld [smem:$0x3FB0];
	_ =	sdelay $0x3  }
0x34: {  	[smem:$0x3FB0] =	sst s10  }
0x35: {  	s10 =	sld [smem:$0x3FAF];
	_ =	sdelay $0x3  }
0x36: {  	p1 =	seq.s32 s10, $0x1;
	s10 =	sld [smem:$0x3FB0];
	_ =	sdelay $0x3  }
0x37: {  	[smem:$0x3FB0] =	sst s10  }
0x38: {  	s10 =	sld [smem:$0x3FB1]  }
0x39: {  	_ = 	snop;
	(pc) =	sbr.ind lr, $3  }
0x3a: {  	_ = 	snop  }
0x3b: {  	_ = 	snop  }
0x3c: {  	p2 =	seq.s32 s10, $0x1;
	s10 =	sld [smem:$0x3FB0]  }
0x3d: {  	_ =	shalt  }
0x3e: {  	_ =	shalt  }
0x3f: {  	_ =	shalt  }
0x40: {  	_ =	shalt  }
0x41: {  	_ =	shalt  }
0x42: {  	_ =	shalt  }
0x43: {  	_ =	shalt  }
0x44: {  	_ =	shalt  }
0x45: {  	_ =	shalt  }
0x46: {  	_ =	shalt  }
0x47: {  	_ =	shalt  }
0x48: {  	_ =	shalt  }
0x49: {  	_ =	shalt  }
0x4a: {  	_ =	shalt  }
0x4b: {  	_ =	shalt  }
0x4c: {  	_ =	shalt  }
0x4d: {  	_ =	shalt  }
0x4e: {  	_ =	shalt  }
0x4f: {  	_ =	shalt  }
0x50: {  	_ =	shalt  }
0x51: {  	_ =	shalt  }
0x52: {  	_ =	shalt  }
0x53: {  	_ =	shalt  }
0x54: {  	_ =	shalt  }
0x55: {  	_ =	shalt  }
0x56: {  	_ =	shalt  }
0x57: {  	_ =	shalt  }
0x58: {  	_ =	shalt  }
0x59: {  	_ =	shalt  }
0x5a: {  	_ =	shalt  }
0x5b: {  	_ =	shalt  }
0x5c: {  	_ =	shalt  }
0x5d: {  	_ =	shalt  }
0x5e: {  	_ =	shalt  }
0x5f: {  	_ =	shalt  }
0x60: {  	_ =	shalt  }
0x61: {  	_ =	shalt  }
0x62: {  	_ =	shalt  }
0x63: {  	_ =	shalt  }
0x64: {  	_ =	shalt  }
0x65: {  	_ =	shalt  }
0x66: {  	_ =	shalt  }
0x67: {  	_ =	shalt  }
0x68: {  	_ =	shalt  }
0x69: {  	_ =	shalt  }
0x6a: {  	_ =	shalt  }
0x6b: {  	_ =	shalt  }
0x6c: {  	_ =	shalt  }
0x6d: {  	_ =	shalt  }
0x6e: {  	_ =	shalt  }
0x6f: {  	_ =	shalt  }
0x70: {  	_ =	shalt  }
0x71: {  	_ =	shalt  }
0x72: {  	_ =	shalt  }
0x73: {  	_ =	shalt  }
0x74: {  	_ =	shalt  }
0x75: {  	_ =	shalt  }
0x76: {  	_ =	shalt  }
0x77: {  	_ =	shalt  }
0x78: {  	_ =	shalt  }
0x79: {  	_ =	shalt  }
0x7a: {  	_ =	shalt  }
0x7b: {  	_ =	shalt  }
0x7c: {  	_ =	shalt  }
0x7d: {  	_ =	shalt  }
0x7e: {  	_ =	shalt  }
0x7f: {  	_ =	shalt  }
0x80: {  	_ =	shalt  }
0x81: {  	_ =	shalt  }
0x82: {  	_ =	shalt  }
0x83: {  	_ =	shalt  }
0x84: {  	_ =	shalt  }
0x85: {  	_ =	shalt  }
0x86: {  	_ =	shalt  }
0x87: {  	_ =	shalt  }
.Lfunc_end0:
.L_simem_size_0:
called_computation.2_lowered:
.L_overlay_start_0:
0x88: {  	s2 =	sld [smem:$0x3FD9]  }
0x89: {  	s3 =	sld [smem:$0x3FFE];
	_ =	sdelay $0x1  }
0x8a: {  	s1 =	srdreg.scid  }
0x8b: {  	s0 =	sand.u32 $0x1, s1  }
0x8c: {  	s17 =	sshll.u32 s0, $0xA;
	s2 =	sadd.s32 s3, s2  }
0x8d: {  	s2 =	sadd.s32 s2, s17  }
0x8e: {  	[smem:$0x3FBC] =	sst s2  }
0x8f: {  	_ = 	snop  }
0x90: {  	(tm) =	ssettm $0x1  }
0x91: {  	s18 =	sld [smem:$0x3FFB];
	_ =	sdelay $0x3  }
0x92: {  	_ =	strace s18  }
0x93: {  	s2 =	sld [smem:$0x3FFC];
	_ =	sdelay $0x3  }
0x94: {  	_ =	strace s2  }
0x95: {  	s2 =	sld [smem:$0x3FFD];
	_ =	sdelay $0x3  }
0x96: {  	_ =	strace s2  }
0x97: {  	_ =	strace $0x8FFFFFFF  }
0x98: {  	s19 =	sld [smem:$0x3FDB];
	_ =	sdelay $0x1  }
0x99: {  	s20 =	simm.s32 $_scs_section_size  }
0x9a: {  	s4 =	simm.s32 $_size__tile_overlayer_lowered;
	s5 =	simm.s32 $_tile_overlayer_lowered  }
0x9b: {  	s6 =	simm.s32 $0x1BFF;
	s21 =	sshll.u32 s5, $0x1;
	s3 =	sadd.s32 s20, s19  }
0x9c: {  	s22 =	simm.s32 $0x0;
	s4 =	sshll.u32 s4, $0x1;
	s5 =	sadd.s32 s21, s3  }
0x9d: {  	[timem:s22], [sflag:s6] =	dma.local [hbm:s5], s4  }
0x9e: {  	_ =	swait.ge [sflag:s6], s4  }
0x9f: {  	s4 =	ssub.s32 $0x0, s4;
	[sflag:s6] =	ssyncset.done $0x0  }
0xa0: {  	[sflag:s6] =	ssyncadd.s32 s4;
	_ =	sdelay $0x1  }
0xa1: {  	s23 =	simm.s32 $0x1B8B  }
0xa2: {  	_ =	swait.ge [sflag:s23], $0x1  }
0xa3: {  	[sflag:s23] =	ssyncset.done $0x0  }
0xa4: {  	[sflag:s23] =	ssyncadd.s32 $0xFFFFFFFF  }
0xa5: {  	s4 =	sld [smem:$0x0]  }
0xa6: {  	s5 =	sand.u32 $0xFFFFFFFE, s1  }
0xa7: {  	p0 =	sne.s32 s1, s5  }
0xa8: {  	s5 =	sshll.u32 @p0 s5, $0xE  }
0xa9: {  	s5 =	sadd.s32 @p0 $0x11B8D, s5;
	s6 =	sshll.u32 @p0 s4, $0x11  }
0xaa: {  	s5 =	sor.u32 @p0 s6, s5  }
0xab: {  	[sflag:s5] =	ssyncadd.remote.s32 @p0 $0x1;
	_ =	sdelay $0x1  }
0xac: {  	s5 =	simm.s32 @p0 $0x1B8D  }
0xad: {  	_ =	swait.eq @p0 [sflag:s5], $0x1  }
0xae: {  	[sflag:s5] =	ssyncadd.s32 @p0 $0xFFFFFFFF  }
0xaf: {  	s6 =	sshll.u32 @!p0 s1, $0xE  }
0xb0: {  	s6 =	sor.u32 @!p0 $0x4000, s6;
	s5 =	simm.s32 @!p0 $0x1B8D  }
0xb1: {  	s4 =	sshll.u32 @!p0 s4, $0x11;
	s6 =	sadd.s32 @!p0 $0x11B8D, s6;
	_ =	swait.eq @!p0 [sflag:s5], $0x1  }
0xb2: {  	s4 =	sor.u32 @!p0 s4, s6;
	[sflag:s5] =	ssyncadd.s32 @!p0 $0xFFFFFFFF  }
0xb3: {  	s25 =	simm.s32 $0x1B8E;
	s24 =	sld [smem:$0x3FFE];
	[sflag:s4] =	ssyncadd.remote.s32 @!p0 $0x1  }
0xb4: {  	s26 =	simm.s32 $execute0_lowered;
	[smem:$0x3FD2] =	sst s25  }
0xb5: {  	s5 =	sshll.u32 s26, $0x1;
	_ =	strace $0x80000049;
	[dreg:$0x1] =	wrdreg $0xFFFFFFFF  }
0xb6: {  	s28 =	simm.s32 $_size_execute0_lowered;
	s3 =	sadd.s32 s3, s5;
	[dreg:$0x0] =	wrdreg $0x0  }
0xb7: {  	s5 =	sshll.u32 s28, $0x1;
	[dreg:$0x2] =	wrdreg s3  }
0xb8: {  	[dreg:$0x3] =	wrdreg s5  }
0xb9: {  	[dreg:$0x4] =	wrdreg $0xC0  }
0xba: {  	_ =	task [dreg:s22], $0x5FFFF  }
0xbb: {  	[dreg:$0x1] =	wrdreg $0xFFFFFFFF  }
0xbc: {  	[dreg:$0x0] =	wrdreg $0x60  }
0xbd: {  	[dreg:$0x2] =	wrdreg s24  }
0xbe: {  	[dreg:$0x3] =	wrdreg $0xB  }
0xbf: {  	_ =	task.clear_ibuf [dreg:s22], $0x4FFFF;
	_ =	strace $0x90000049  }
0xc0: {  	s29 =	simm.s32 $0xB;
	_ =	strace $0x8000004B  }
0xc1: {  	_ =	swait.ge [sflag:s29], $0x1  }
0xc2: {  	[sflag:s29] =	ssyncadd.s32 $0xFFFFFFFF  }
0xc3: {  	_ =	strace $0x9000004B  }
0xc4: {  	_ =	sfence  }
0xc5: {  	s30 =	sld [smem:$0x0];
	_ =	sdelay $0x2  }
0xc6: {  	s31 =	sshll.u32 s1, $0xD;
	s1 =	sshrl.u32 s1, $0x2  }
0xc7: {  	s4 =	sand.u32 $0x4000, s31;
	s1 =	sadd.s32 s1, s30  }
0xc8: {  	s0 =	sor.u32 s4, s0;
	s1 =	sshll.u32 s1, $0x11  }
0xc9: {  	s0 =	sor.u32 s1, s0  }
0xca: {  	s0 =	sadd.s32 $0x8F2B, s0  }
0xcb: {  	[sflag:s0] =	ssyncadd.remote.s32 $0x1  }
0xcc: {  	_ =	sfence.sel $0xFFFF  }
0xcd: {  	[dreg:$0x0] =	wrdreg $0xFFFFFFFF;
	(pc) =	sbr.abs _section_cstart, $3  }
0xce: {  	[dreg:$0x1] =	wrdreg $0xFFFFFFFF  }
0xcf: {  	_ =	task.clear_ibuf [dreg:s22], $0x2FFFF;
	_ =	strace $0x9FFFFFFF  }
0xd0: {  	(tm) =	ssettm $0x7FFFFFFF  }
0xd1: {  	_ =	shalt  }
tec
execute0_lowered:
.L_overlay_start_1:
0x0: {  	(tag) =	ssettag $0x1  }
0x1: {  	s4 =	rddreg [dreg:$0x0]  }
0x2: {  	s0 =	rddreg [dreg:$0x1];
	s2 =	simm.s32 $0x0;
	s1 =	stileid.u32  }
0x3: {  	s3 =	srdreg.scid;
	s10 =	simm.s32 $0x0;
	s6 =	smul.u32 $0xE00, s1  }
0x4: {  	[smem:$0x7FF] =	sst s2;
	s5 =	sand.u32 $0x1, s3;
	s8 =	smul.u32 $0xE000, s1  }
0x5: {  	s3 =	sadd.s32 $0x5400, s4;
	s7 =	smul.u32 $0x700, s5;
	s9 =	ssub.s32 $0x2, s5  }
0x6: {  	_ =	strace $0x8000004A;
	s5 =	smul.u32 $0x7000, s5;
	s31 =	sshrl.u32 s9, $0x1  }
0x7: {  	s8 =	sadd.s32 s8, s4;
	s6 =	sadd.s32 s7, s6;
	s7 =	ssub.s32 s9, s31  }
0x8: {  	s5 =	sadd.s32 s5, s8;
	s8 =	simm.s32 $0x80;
	s6 =	sshrl.u32 s6, $0x3  }
0x9: {  	s9 =	simm.s32 $0x1;
	s5 =	sadd.s32 $0x103000, s5;
	s6 =	sadd.s32 s6, s4  }
0xa: {  	s4 =	smax.u32 s7, $0x1;
	s7 =	simm.s32 $0x2;
	s6 =	sadd.s32 $0x101400, s6  }
.LBB2_1:
0xb: {  	s11 =	sadd.s32 $0x0, s6  }
0xc: {  	[tilespmem:s2], [sflag:$0x2] =	stream.linear.gather [hbm4b:s11+s2], $0x80, $0x38;
	[tilespmem:$0x4080] =	vst v63  }
0xd: {  	_ =	swait.ge [sflag:s7], $0x80  }
0xe: {  	[sflag:s7] =	ssyncset.done $0x0  }
0xf: {  	[sflag:s7] =	ssyncadd.s32 $0xFFFFFF80  }
0x10: {  	[tilespmem:s8], [sflag:$0x1] =	stream.indirect.gather [hbm4b:s3+s8], $0x80, s2, s8, $0xb8;
	[tilespmem:$0x4080] =	vst v63  }
0x11: {  	_ =	swait.ge [sflag:s9], $0x4000  }
0x12: {  	[sflag:s9] =	ssyncset.done $0x0  }
0x13: {  	[sflag:s9] =	ssyncadd.s32 $0xFFFFC000  }
0x14: {  	[hbm4b:s5+s2] =	stream.linear.scatter [tilespmem:s8], [sflag:$0x2], $0x4000, $0x38;
	[tilespmem:$0x4080] =	vst v63  }
0x15: {  	s12 =	simm.s32 $0x10;
	_ =	swait.ge [sflag:s7], $0x4000  }
0x16: {  	s13 =	simm.s32 $0x20;
	s11 =	sadd.s32 $0x800, s5;
	[sflag:s7] =	ssyncset.done $0x0  }
.LBB2_2:
0x17: {  	s14 =	sadd.s32 s12, s6  }
0x18: {  	[sflag:s7] =	ssyncadd.s32 $0xFFFFC000;
	s12 =	smov.u32 s13;
	s15 =	sadd.s32 $0x10, s13  }
0x19: {  	[tilespmem:s2], [sflag:$0x2] =	stream.linear.gather [hbm4b:s14+s2], $0x80, $0x38;
	[tilespmem:$0x4080] =	vst v63  }
0x1a: {  	p0 =	sne.s32 s13, $0xD0;
	_ =	swait.ge [sflag:s7], $0x80  }
0x1b: {  	[sflag:s7] =	ssyncset.done $0x0  }
0x1c: {  	[sflag:s7] =	ssyncadd.s32 $0xFFFFFF80  }
0x1d: {  	[tilespmem:s8], [sflag:$0x1] =	stream.indirect.gather [hbm4b:s3+s8], $0x80, s2, s8, $0xb8;
	[tilespmem:$0x4080] =	vst v63  }
0x1e: {  	_ =	swait.ge [sflag:s9], $0x4000  }
.Ltmp0:
0x1f: {  	[sflag:s9] =	ssyncset.done $0x0;
	(pc) =	sbr.rel @p0 .LBB2_2-.Ltmp0, $4  }
0x20: {  	[sflag:s9] =	ssyncadd.s32 $0xFFFFC000  }
0x21: {  	[hbm4b:s11+s2] =	stream.linear.scatter [tilespmem:s8], [sflag:$0x2], $0x4000, $0x38;
	[tilespmem:$0x4080] =	vst v63  }
0x22: {  	_ =	swait.ge [sflag:s7], $0x4000  }
0x23: {  	s13 =	smov.u32 s15;
	s11 =	sadd.s32 $0x800, s11;
	[sflag:s7] =	ssyncset.done $0x0  }
0x24: {  	s12 =	sadd.s32 s12, s6;
	[sflag:s7] =	ssyncadd.s32 $0xFFFFC000  }
0x25: {  	[tilespmem:s2], [sflag:$0x2] =	stream.linear.gather [hbm4b:s12+s2], $0x80, $0x38;
	[tilespmem:$0x4080] =	vst v63  }
0x26: {  	_ =	swait.ge [sflag:s7], $0x80  }
0x27: {  	[sflag:s7] =	ssyncset.done $0x0  }
0x28: {  	[sflag:s7] =	ssyncadd.s32 $0xFFFFFF80  }
0x29: {  	[tilespmem:s8], [sflag:$0x1] =	stream.indirect.gather [hbm4b:s3+s8], $0x80, s2, s8, $0xb8;
	[tilespmem:$0x4080] =	vst v63  }
0x2a: {  	s10 =	sadd.s32 $0x1, s10;
	_ =	swait.ge [sflag:s9], $0x4000  }
0x2b: {  	p0 =	sne.s32 s10, s4;
	[sflag:s9] =	ssyncset.done $0x0  }
.Ltmp1:
0x2c: {  	[sflag:s9] =	ssyncadd.s32 $0xFFFFC000;
	(pc) =	sbr.rel @p0 .LBB2_1-.Ltmp1, $4  }
0x2d: {  	[hbm4b:s11+s2] =	stream.linear.scatter [tilespmem:s8], [sflag:$0x2], $0x4000, $0x38;
	[tilespmem:$0x4080] =	vst v63  }
0x2e: {  	_ =	swait.ge [sflag:s7], $0x4000  }
0x2f: {  	[sflag:s7] =	ssyncset.done $0x0  }
0x30: {  	[sflag:s7] =	ssyncadd.s32 $0xFFFFC000  }
0x31: {  	_ =	sfence.sel $0x180000  }
0x32: {  	[bflag:$0x0] =	sbarrier.arrive $0xFFFF  }
0x33: {  	p0 =	sne.s32 s1, $0x0;
	_ =	strace $0x9000004A  }
0x34: {  	s0 =	sadd.s32 @!p0 $0x100000, s0;
	[bflag:$0x2] =	sbarrier.arrive $0xFFFF  }
0x35: {  	[sflag:s0] =	ssyncadd.tile.s32 @!p0 $0x1;
	_ =	shalt  }
.Lfunc_end2:
_tile_overlayer_lowered:
.L_overlay_start_2:
0x36: {  	(tag) =	ssettag $0x2  }
0x37: {  	s0 =	rddreg [dreg:$0x0];
	s2 =	stileid.u32  }
0x38: {  	s1 =	rddreg [dreg:$0x1];
	p0 =	sne.s32 s2, $0x0  }
0x39: {  	s3 =	rddreg [dreg:$0x2];
	[bflag:$0x3] =	sbarrier.arrive $0xFFFF;
	s2 =	simm.s32 @!p0 $0x1C02  }
0x3a: {  	[timem:s3], [sflag:s2] =	dma.local @!p0 [hbm:s0], s1  }
0x3b: {  	s0 =	simm.s32 @!p0 $0x2  }
0x3c: {  	_ =	swait.ge @!p0 [sflag:s0], s1  }
0x3d: {  	s1 =	ssub.s32 @!p0 $0x0, s1;
	[sflag:s0] =	ssyncset.done @!p0 $0x0  }
0x3e: {  	[sflag:s0] =	ssyncadd.s32 @!p0 s1  }
0x3f: {  	[bflag:$0x3] =	sbarrier.arrive $0xFFFF  }
0x40: {  	_ =	shalt  }

// kernel: kernel.24.cloned.1.call-start
scs
__scs_entry_jumppad:
0x0: {  	(pc) =	sbr.rel $0x88, $3  }
0x1: {  	(tag) =	ssettag $0x0;
	lr =	simm.s32 $0x1  }
0x2: {  	[smem:$0x3F95] =	sst lr;
	_ =	strace $0xD0000000  }
0x3: {  	_ = 	snop  }
0x4: {  	_ = 	snop  }
0x5: {  	_ = 	snop  }
0x6: {  	_ = 	snop  }
0x7: {  	_ = 	snop  }
__scs_overlays_trampoline_lowered:
0x8: {  	[smem:$0x3FA4] =	sst s0  }
0x9: {  	[smem:$0x3FA5] =	sst s1  }
0xa: {  	[smem:$0x3FA6] =	sst s2  }
0xb: {  	[smem:$0x3FA7] =	sst s3  }
0xc: {  	[smem:$0x3FA8] =	sst s4  }
0xd: {  	[smem:$0x3FA9] =	sst s5  }
0xe: {  	[smem:$0x3FAA] =	sst s6  }
0xf: {  	[smem:$0x3FAB] =	sst s7  }
0x10: {  	[smem:$0x3FAC] =	sst s8  }
0x11: {  	[smem:$0x3FAD] =	sst s9;
	s0 =	simm.s32 @!p0 $0x0  }
0x12: {  	s1 =	sld [smem:$0x3F93];
	s0 =	simm.s32 @p0 $0x1  }
0x13: {  	[smem:$0x3FAE] =	sst s0;
	s0 =	simm.s32 @!p1 $0x0  }
0x14: {  	s2 =	sld [smem:$0x3F92];
	s0 =	simm.s32 @p1 $0x1  }
0x15: {  	[smem:$0x3FAF] =	sst s0;
	s0 =	simm.s32 @!p2 $0x0  }
0x16: {  	s3 =	sld [smem:$0x3FDB];
	s0 =	simm.s32 @p2 $0x1  }
0x17: {  	s4 =	simm.s32 $0x1BF5;
	[smem:$0x3FB1] =	sst s0  }
0x18: {  	s0 =	sld [smem:$0x3F94];
	_ =	swait.ge [sflag:s4], $0x0  }
0x19: {  	s7 =	sld [smem:$0x3F95]  }
0x1a: {  	s8 =	sadd.s32 $0xFFFFE003, lr  }
0x1b: {  	s9 =	sadd.s32 $0xFFFFFEF7, lr;
	s5 =	simm.s32 $0xFFFFFFFF;
	p2 =	slt.u32 s8, $0xFFFFF086  }
0x1c: {  	p1 =	slt.u32 s9, $0xF7A;
	s5 =	simm.s32 @!p2 $0x0  }
0x1d: {  	s5 =	simm.s32 @p1 $0x1;
	p0 =	seq.s32 s7, s2  }
0x1e: {  	s7 =	smul.u32 @!p0 $0xF7A, s2;
	p2 =	seq.s32 @!p0 s5, $0x0  }
0x1f: {  	s9 =	smul.u32 $0xF7A, s1;
	s8 =	simm.s32 @!p0 $0x1BF5;
	p2 =	por !p2, p0  }
0x20: {  	[sflag:s8] =	ssyncset.s32 @!p0 $0xFFFFF086;
	s6 =	sadd.s32 @!p0 s3, s7;
	s7 =	simm.s32 @!p0 $0x108  }
0x21: {  	s3 =	sadd.s32 s3, s9;
	s6 =	sadd.s32 @!p0 $0x88, s6;
	s7 =	simm.s32 @p2 $0x1082  }
0x22: {  	[simem:s7], [sflag:s8] =	dma.local @!p0 [hbm:s6], $0xF7A  }
0x23: {  	s9 =	sor.u32 $0xD0000000, s2;
	s6 =	simm.s32 $0x108;
	_ =	swait.ge @!p0 [sflag:s8], $0x0  }
0x24: {  	s3 =	sadd.s32 $0x88, s3;
	s6 =	simm.s32 @!p1 $0x1082;
	[sflag:s4] =	ssyncset.s32 $0xFFFFF086  }
0x25: {  	[simem:s6], [sflag:s4] =	dma.local [hbm:s3], $0xF7A  }
0x26: {  	[smem:$0x3F95] =	sst s1;
	(tag) =	ssettag s2;
	_ =	strace s9  }
0x27: {  	s1 =	sld [smem:$0x3FA5]  }
0x28: {  	s2 =	sld [smem:$0x3FA6]  }
0x29: {  	s4 =	sld [smem:$0x3FA8]  }
0x2a: {  	p0 =	seq.s32 s5, $0x0;
	s5 =	sld [smem:$0x3FA9]  }
0x2b: {  	s6 =	sld [smem:$0x3FAA]  }
0x2c: {  	s7 =	sld [smem:$0x3FAB]  }
0x2d: {  	s3 =	simm.s32 $0x108;
	s8 =	sld [smem:$0x3FAC]  }
0x2e: {  	s3 =	simm.s32 @!p0 $0x1082;
	s9 =	sld [smem:$0x3FAD]  }
0x2f: {  	lr =	sadd.s32 s0, s3;
	s0 =	sld [smem:$0x3FA4]  }
0x30: {  	s3 =	sld [smem:$0x3FA7]  }
0x31: {  	[smem:$0x3FB0] =	sst s10  }
0x32: {  	s10 =	sld [smem:$0x3FAE];
	_ =	sdelay $0x3  }
0x33: {  	p0 =	seq.s32 s10, $0x1;
	s10 =	sld [smem:$0x3FB0];
	_ =	sdelay $0x3  }
0x34: {  	[smem:$0x3FB0] =	sst s10  }
0x35: {  	s10 =	sld [smem:$0x3FAF];
	_ =	sdelay $0x3  }
0x36: {  	p1 =	seq.s32 s10, $0x1;
	s10 =	sld [smem:$0x3FB0];
	_ =	sdelay $0x3  }
0x37: {  	[smem:$0x3FB0] =	sst s10  }
0x38: {  	s10 =	sld [smem:$0x3FB1]  }
0x39: {  	_ = 	snop;
	(pc) =	sbr.ind lr, $3  }
0x3a: {  	_ = 	snop  }
0x3b: {  	_ = 	snop  }
0x3c: {  	p2 =	seq.s32 s10, $0x1;
	s10 =	sld [smem:$0x3FB0]  }
0x3d: {  	_ =	shalt  }
0x3e: {  	_ =	shalt  }
0x3f: {  	_ =	shalt  }
0x40: {  	_ =	shalt  }
0x41: {  	_ =	shalt  }
0x42: {  	_ =	shalt  }
0x43: {  	_ =	shalt  }
0x44: {  	_ =	shalt  }
0x45: {  	_ =	shalt  }
0x46: {  	_ =	shalt  }
0x47: {  	_ =	shalt  }
0x48: {  	_ =	shalt  }
0x49: {  	_ =	shalt  }
0x4a: {  	_ =	shalt  }
0x4b: {  	_ =	shalt  }
0x4c: {  	_ =	shalt  }
0x4d: {  	_ =	shalt  }
0x4e: {  	_ =	shalt  }
0x4f: {  	_ =	shalt  }
0x50: {  	_ =	shalt  }
0x51: {  	_ =	shalt  }
0x52: {  	_ =	shalt  }
0x53: {  	_ =	shalt  }
0x54: {  	_ =	shalt  }
0x55: {  	_ =	shalt  }
0x56: {  	_ =	shalt  }
0x57: {  	_ =	shalt  }
0x58: {  	_ =	shalt  }
0x59: {  	_ =	shalt  }
0x5a: {  	_ =	shalt  }
0x5b: {  	_ =	shalt  }
0x5c: {  	_ =	shalt  }
0x5d: {  	_ =	shalt  }
0x5e: {  	_ =	shalt  }
0x5f: {  	_ =	shalt  }
0x60: {  	_ =	shalt  }
0x61: {  	_ =	shalt  }
0x62: {  	_ =	shalt  }
0x63: {  	_ =	shalt  }
0x64: {  	_ =	shalt  }
0x65: {  	_ =	shalt  }
0x66: {  	_ =	shalt  }
0x67: {  	_ =	shalt  }
0x68: {  	_ =	shalt  }
0x69: {  	_ =	shalt  }
0x6a: {  	_ =	shalt  }
0x6b: {  	_ =	shalt  }
0x6c: {  	_ =	shalt  }
0x6d: {  	_ =	shalt  }
0x6e: {  	_ =	shalt  }
0x6f: {  	_ =	shalt  }
0x70: {  	_ =	shalt  }
0x71: {  	_ =	shalt  }
0x72: {  	_ =	shalt  }
0x73: {  	_ =	shalt  }
0x74: {  	_ =	shalt  }
0x75: {  	_ =	shalt  }
0x76: {  	_ =	shalt  }
0x77: {  	_ =	shalt  }
0x78: {  	_ =	shalt  }
0x79: {  	_ =	shalt  }
0x7a: {  	_ =	shalt  }
0x7b: {  	_ =	shalt  }
0x7c: {  	_ =	shalt  }
0x7d: {  	_ =	shalt  }
0x7e: {  	_ =	shalt  }
0x7f: {  	_ =	shalt  }
0x80: {  	_ =	shalt  }
0x81: {  	_ =	shalt  }
0x82: {  	_ =	shalt  }
0x83: {  	_ =	shalt  }
0x84: {  	_ =	shalt  }
0x85: {  	_ =	shalt  }
0x86: {  	_ =	shalt  }
0x87: {  	_ =	shalt  }
.Lfunc_end0:
.L_simem_size_0:
called_computation.3_lowered:
.L_overlay_start_0:
0x88: {  	s2 =	sld [smem:$0x3FD9]  }
0x89: {  	s3 =	sld [smem:$0x3FFE];
	_ =	sdelay $0x1  }
0x8a: {  	s1 =	srdreg.scid  }
0x8b: {  	s0 =	sand.u32 $0x1, s1  }
0x8c: {  	s16 =	sshll.u32 s0, $0xA;
	s2 =	sadd.s32 s3, s2  }
0x8d: {  	s2 =	sadd.s32 s2, s16  }
0x8e: {  	[smem:$0x3FBC] =	sst s2  }
0x8f: {  	_ = 	snop  }
0x90: {  	(tm) =	ssettm $0x1  }
0x91: {  	s17 =	sld [smem:$0x3FFB];
	_ =	sdelay $0x3  }
0x92: {  	_ =	strace s17  }
0x93: {  	s2 =	sld [smem:$0x3FFC];
	_ =	sdelay $0x3  }
0x94: {  	_ =	strace s2  }
0x95: {  	s2 =	sld [smem:$0x3FFD];
	_ =	sdelay $0x3  }
0x96: {  	_ =	strace s2  }
0x97: {  	_ =	strace $0x8FFFFFFF  }
0x98: {  	s18 =	sld [smem:$0x3FDB];
	_ =	sdelay $0x1  }
0x99: {  	s19 =	simm.s32 $_scs_section_size  }
0x9a: {  	s4 =	simm.s32 $_size__tile_overlayer_lowered;
	s5 =	simm.s32 $_tile_overlayer_lowered  }
0x9b: {  	s22 =	simm.s32 $0x1BFF;
	s21 =	sshll.u32 s5, $0x1;
	s2 =	sadd.s32 s19, s18  }
0x9c: {  	s6 =	simm.s32 $0x0;
	s20 =	sshll.u32 s4, $0x1;
	s4 =	sadd.s32 s21, s2  }
0x9d: {  	[timem:s6], [sflag:s22] =	dma.local [hbm:s4], s20  }
0x9e: {  	_ =	swait.ge [sflag:s22], s20  }
0x9f: {  	s3 =	ssub.s32 $0x0, s20;
	[sflag:s22] =	ssyncset.done $0x0  }
0xa0: {  	[sflag:s22] =	ssyncadd.s32 s3;
	_ =	sdelay $0x1  }
0xa1: {  	s23 =	simm.s32 $0x1B8B  }
0xa2: {  	_ =	swait.ge [sflag:s23], $0x1  }
0xa3: {  	[sflag:s23] =	ssyncset.done $0x0  }
0xa4: {  	s25 =	simm.s32 $0x1B8E;
	s24 =	sld [smem:$0x3FFE];
	[sflag:s23] =	ssyncadd.s32 $0xFFFFFFFF  }
0xa5: {  	s26 =	simm.s32 $execute0_lowered;
	[smem:$0x3FD2] =	sst s25  }
0xa6: {  	s4 =	sshll.u32 s26, $0x1;
	_ =	strace $0x80000046;
	[dreg:$0x1] =	wrdreg $0xFFFFFFFF  }
0xa7: {  	s28 =	simm.s32 $_size_execute0_lowered;
	s2 =	sadd.s32 s2, s4;
	[dreg:$0x0] =	wrdreg $0x0  }
0xa8: {  	s4 =	sshll.u32 s28, $0x1;
	[dreg:$0x2] =	wrdreg s2  }
0xa9: {  	[dreg:$0x3] =	wrdreg s4  }
0xaa: {  	[dreg:$0x4] =	wrdreg $0xC0  }
0xab: {  	_ =	task [dreg:s6], $0x5FFFF  }
0xac: {  	[dreg:$0x1] =	wrdreg $0xFFFFFFFF  }
0xad: {  	[dreg:$0x0] =	wrdreg $0x60  }
0xae: {  	[dreg:$0x2] =	wrdreg s24  }
0xaf: {  	[dreg:$0x3] =	wrdreg $0xC  }
0xb0: {  	_ =	task.clear_ibuf [dreg:s6], $0x4FFFF;
	_ =	strace $0x90000046  }
0xb1: {  	s29 =	simm.s32 $0xC;
	_ =	strace $0x80000048  }
0xb2: {  	_ =	swait.ge [sflag:s29], $0x1  }
0xb3: {  	[sflag:s29] =	ssyncadd.s32 $0xFFFFFFFF  }
0xb4: {  	_ =	strace $0x90000048  }
0xb5: {  	_ =	sfence  }
0xb6: {  	s30 =	sld [smem:$0x0];
	_ =	sdelay $0x2  }
0xb7: {  	s31 =	sshll.u32 s1, $0xD;
	s1 =	sshrl.u32 s1, $0x2  }
0xb8: {  	s3 =	sand.u32 $0x4000, s31;
	s1 =	sadd.s32 s1, s30  }
0xb9: {  	s0 =	sor.u32 s3, s0;
	s1 =	sshll.u32 s1, $0x11  }
0xba: {  	s0 =	sor.u32 s1, s0  }
0xbb: {  	s0 =	sadd.s32 $0x8F2B, s0  }
0xbc: {  	[sflag:s0] =	ssyncadd.remote.s32 $0x1  }
0xbd: {  	_ =	sfence.sel $0xFFFF  }
0xbe: {  	[dreg:$0x0] =	wrdreg $0xFFFFFFFF;
	(pc) =	sbr.abs _section_cstart, $3  }
0xbf: {  	[dreg:$0x1] =	wrdreg $0xFFFFFFFF  }
0xc0: {  	_ =	task.clear_ibuf [dreg:s6], $0x2FFFF;
	_ =	strace $0x9FFFFFFF  }
0xc1: {  	(tm) =	ssettm $0x7FFFFFFF  }
tec
execute0_lowered:
.L_overlay_start_1:
0x0: {  	(tag) =	ssettag $0x1  }
0x1: {  	s4 =	rddreg [dreg:$0x0]  }
0x2: {  	s0 =	rddreg [dreg:$0x1];
	s2 =	simm.s32 $0x0;
	s1 =	stileid.u32  }
0x3: {  	s3 =	srdreg.scid;
	s10 =	simm.s32 $0x0;
	s6 =	smul.u32 $0xE00, s1  }
0x4: {  	[smem:$0x7FF] =	sst s2;
	s5 =	sand.u32 $0x1, s3;
	s8 =	smul.u32 $0xE000, s1  }
0x5: {  	s3 =	sadd.s32 $0x5400, s4;
	s7 =	smul.u32 $0x700, s5;
	s9 =	ssub.s32 $0x2, s5  }
0x6: {  	_ =	strace $0x80000047;
	s5 =	smul.u32 $0x7000, s5;
	s31 =	sshrl.u32 s9, $0x1  }
0x7: {  	s8 =	sadd.s32 s8, s4;
	s6 =	sadd.s32 s7, s6;
	s7 =	ssub.s32 s9, s31  }
0x8: {  	s5 =	sadd.s32 s5, s8;
	s8 =	simm.s32 $0x80;
	s6 =	sshrl.u32 s6, $0x3  }
0x9: {  	s9 =	simm.s32 $0x1;
	s5 =	sadd.s32 $0x21400, s5;
	s6 =	sadd.s32 s6, s4  }
0xa: {  	s4 =	smax.u32 s7, $0x1;
	s7 =	simm.s32 $0x2;
	s6 =	sadd.s32 $0x3800, s6  }
.LBB2_1:
0xb: {  	s11 =	sadd.s32 $0x0, s6  }
0xc: {  	[tilespmem:s2], [sflag:$0x2] =	stream.linear.gather [hbm4b:s11+s2], $0x80, $0x38;
	[tilespmem:$0x4080] =	vst v63  }
0xd: {  	_ =	swait.ge [sflag:s7], $0x80  }
0xe: {  	[sflag:s7] =	ssyncset.done $0x0  }
0xf: {  	[sflag:s7] =	ssyncadd.s32 $0xFFFFFF80  }
0x10: {  	[tilespmem:s8], [sflag:$0x1] =	stream.indirect.gather [hbm4b:s3+s8], $0x80, s2, s8, $0xb8;
	[tilespmem:$0x4080] =	vst v63  }
0x11: {  	_ =	swait.ge [sflag:s9], $0x4000  }
0x12: {  	[sflag:s9] =	ssyncset.done $0x0  }
0x13: {  	[sflag:s9] =	ssyncadd.s32 $0xFFFFC000  }
0x14: {  	[hbm4b:s5+s2] =	stream.linear.scatter [tilespmem:s8], [sflag:$0x2], $0x4000, $0x38;
	[tilespmem:$0x4080] =	vst v63  }
0x15: {  	s12 =	simm.s32 $0x10;
	_ =	swait.ge [sflag:s7], $0x4000  }
0x16: {  	s13 =	simm.s32 $0x20;
	s11 =	sadd.s32 $0x800, s5;
	[sflag:s7] =	ssyncset.done $0x0  }
.LBB2_2:
0x17: {  	s14 =	sadd.s32 s12, s6  }
0x18: {  	[sflag:s7] =	ssyncadd.s32 $0xFFFFC000;
	s12 =	smov.u32 s13;
	s15 =	sadd.s32 $0x10, s13  }
0x19: {  	[tilespmem:s2], [sflag:$0x2] =	stream.linear.gather [hbm4b:s14+s2], $0x80, $0x38;
	[tilespmem:$0x4080] =	vst v63  }
0x1a: {  	p0 =	sne.s32 s13, $0xD0;
	_ =	swait.ge [sflag:s7], $0x80  }
0x1b: {  	[sflag:s7] =	ssyncset.done $0x0  }
0x1c: {  	[sflag:s7] =	ssyncadd.s32 $0xFFFFFF80  }
0x1d: {  	[tilespmem:s8], [sflag:$0x1] =	stream.indirect.gather [hbm4b:s3+s8], $0x80, s2, s8, $0xb8;
	[tilespmem:$0x4080] =	vst v63  }
0x1e: {  	_ =	swait.ge [sflag:s9], $0x4000  }
.Ltmp0:
0x1f: {  	[sflag:s9] =	ssyncset.done $0x0;
	(pc) =	sbr.rel @p0 .LBB2_2-.Ltmp0, $4  }
0x20: {  	[sflag:s9] =	ssyncadd.s32 $0xFFFFC000  }
0x21: {  	[hbm4b:s11+s2] =	stream.linear.scatter [tilespmem:s8], [sflag:$0x2], $0x4000, $0x38;
	[tilespmem:$0x4080] =	vst v63  }
0x22: {  	_ =	swait.ge [sflag:s7], $0x4000  }
0x23: {  	s13 =	smov.u32 s15;
	s11 =	sadd.s32 $0x800, s11;
	[sflag:s7] =	ssyncset.done $0x0  }
0x24: {  	s12 =	sadd.s32 s12, s6;
	[sflag:s7] =	ssyncadd.s32 $0xFFFFC000  }
0x25: {  	[tilespmem:s2], [sflag:$0x2] =	stream.linear.gather [hbm4b:s12+s2], $0x80, $0x38;
	[tilespmem:$0x4080] =	vst v63  }
0x26: {  	_ =	swait.ge [sflag:s7], $0x80  }
0x27: {  	[sflag:s7] =	ssyncset.done $0x0  }
0x28: {  	[sflag:s7] =	ssyncadd.s32 $0xFFFFFF80  }
0x29: {  	[tilespmem:s8], [sflag:$0x1] =	stream.indirect.gather [hbm4b:s3+s8], $0x80, s2, s8, $0xb8;
	[tilespmem:$0x4080] =	vst v63  }
0x2a: {  	s10 =	sadd.s32 $0x1, s10;
	_ =	swait.ge [sflag:s9], $0x4000  }
0x2b: {  	p0 =	sne.s32 s10, s4;
	[sflag:s9] =	ssyncset.done $0x0  }
.Ltmp1:
0x2c: {  	[sflag:s9] =	ssyncadd.s32 $0xFFFFC000;
	(pc) =	sbr.rel @p0 .LBB2_1-.Ltmp1, $4  }
0x2d: {  	[hbm4b:s11+s2] =	stream.linear.scatter [tilespmem:s8], [sflag:$0x2], $0x4000, $0x38;
	[tilespmem:$0x4080] =	vst v63  }
0x2e: {  	_ =	swait.ge [sflag:s7], $0x4000  }
0x2f: {  	[sflag:s7] =	ssyncset.done $0x0  }
0x30: {  	[sflag:s7] =	ssyncadd.s32 $0xFFFFC000  }
0x31: {  	_ =	sfence.sel $0x180000  }
0x32: {  	[bflag:$0x0] =	sbarrier.arrive $0xFFFF  }
0x33: {  	p0 =	sne.s32 s1, $0x0;
	_ =	strace $0x90000047  }
0x34: {  	s0 =	sadd.s32 @!p0 $0x100000, s0;
	[bflag:$0x2] =	sbarrier.arrive $0xFFFF  }
0x35: {  	[sflag:s0] =	ssyncadd.tile.s32 @!p0 $0x1;
	_ =	shalt  }
.Lfunc_end2:
_tile_overlayer_lowered:
.L_overlay_start_2:
0x36: {  	(tag) =	ssettag $0x2  }
0x37: {  	s0 =	rddreg [dreg:$0x0];
	s2 =	stileid.u32  }
0x38: {  	s1 =	rddreg [dreg:$0x1];
	p0 =	sne.s32 s2, $0x0  }
0x39: {  	s3 =	rddreg [dreg:$0x2];
	[bflag:$0x3] =	sbarrier.arrive $0xFFFF;
	s2 =	simm.s32 @!p0 $0x1C02  }
0x3a: {  	[timem:s3], [sflag:s2] =	dma.local @!p0 [hbm:s0], s1  }
0x3b: {  	s0 =	simm.s32 @!p0 $0x2  }
0x3c: {  	_ =	swait.ge @!p0 [sflag:s0], s1  }
0x3d: {  	s1 =	ssub.s32 @!p0 $0x0, s1;
	[sflag:s0] =	ssyncset.done @!p0 $0x0  }
0x3e: {  	[sflag:s0] =	ssyncadd.s32 @!p0 s1  }
0x3f: {  	[bflag:$0x3] =	sbarrier.arrive $0xFFFF  }
0x40: {  	_ =	shalt  }

</sc_bundles>
